<compile_context>
chip_gen: v7x
topology: tpu7x:2x2x1
jax: 0.10.2.dev20260603
libtpu: 0.0.44.dev20260713+nightly
codegen_flags: <defaults>
</compile_context>

<pallas_src>
import functools

import jax
import jax.numpy as jnp
from jax import lax
from jax.experimental import pallas as pl
from jax.experimental.pallas import tpu as pltpu
from jax.experimental.pallas import tpu_sc as plsc

N = 10000
E = 320000
D = 128
R = 8
K = N * R

NC, NS, L = 2, 16, 16
NW = NC * NS
EPW = E // NW
BLK = 80
CH = 2000
BPC = CH // BLK
NCH = EPW // CH
NP = 10240
RPS = NP // NS
ZR = RPS // 5
KPS = K // NS

_mesh = plsc.VectorSubcoreMesh(core_axis_name="c", subcore_axis_name="s",
                               num_cores=NC, num_subcores=NS)
_params = pltpu.CompilerParams(needs_layout_passes=False)


def _copy80(src_ref, src_off, dst_ref):
    for t in range(BLK // L):
        dst_ref[pl.ds(t * L, L)] = src_ref[pl.ds(src_off + t * L, L)]


@functools.partial(
    pl.kernel,
    out_type=jax.ShapeDtypeStruct((E,), jnp.float32),
    mesh=_mesh,
    compiler_params=_params,
    scratch_types=[
        pltpu.VMEM((K,), jnp.float32),
        pltpu.VMEM((CH,), jnp.int32),
        pltpu.VMEM((CH,), jnp.float32),
    ],
)
def _sc_scales(inv_hbm, k_hbm, out_hbm, inv_v, kst_v, s_v):
    c = lax.axis_index("c")
    s = lax.axis_index("s")
    wid = s * NC + c
    pltpu.sync_copy(inv_hbm, inv_v)

    def outer(ch, _):
        pltpu.sync_copy(k_hbm.at[pl.ds(wid * EPW + ch * CH, CH)], kst_v)

        def inner(q, _):
            idx = kst_v[pl.ds(q * L, L)]
            s_v[pl.ds(q * L, L)] = plsc.load_gather(inv_v, [idx])
            return 0
        lax.fori_loop(0, CH // L, inner, 0)
        pltpu.sync_copy(s_v, out_hbm.at[pl.ds(wid * EPW + ch * CH, CH)])
        return 0
    lax.fori_loop(0, NCH, outer, 0)


@functools.partial(
    pl.kernel,
    out_type=jax.ShapeDtypeStruct((NC * NP, D), jnp.float32),
    mesh=_mesh,
    compiler_params=_params,
    scratch_types=[
        pltpu.VMEM_SHARED((NP, D), jnp.float32),
        pltpu.VMEM((CH,), jnp.int32),
        pltpu.VMEM((CH,), jnp.int32),
        pltpu.VMEM((CH,), jnp.float32),
        pltpu.VMEM((BLK,), jnp.int32),
        pltpu.VMEM((BLK,), jnp.int32),
        pltpu.VMEM((BLK, D), jnp.float32),
        pltpu.VMEM((BLK, D), jnp.float32),
        pltpu.VMEM((ZR, D), jnp.float32),
        pltpu.SemaphoreType.DMA,
        pltpu.SemaphoreType.DMA,
        pltpu.SemaphoreType.DMA,
        pltpu.SemaphoreType.DMA,
    ],
)
def _sc_scatter(h_hbm, g_hbm, d_hbm, s_hbm, out_hbm,
                acc_sh, gst_v, dst_v, s_v, didx0_v, didx1_v,
                rows0_v, rows1_v, zero_v, semg0, semg1, sems0, sems1):
    c = lax.axis_index("c")
    s = lax.axis_index("s")
    wid = s * NC + c
    zeros = jnp.zeros((L,), jnp.float32)

    def fill_zero(i, _):
        for t in range(D // L):
            zero_v[i, pl.ds(t * L, L)] = zeros
        return 0
    lax.fori_loop(0, ZR, fill_zero, 0)

    def zero_acc(i, _):
        pltpu.sync_copy(zero_v, acc_sh.at[pl.ds(s * RPS + i * ZR, ZR)])
        return 0
    lax.fori_loop(0, 5, zero_acc, 0)
    plsc.subcore_barrier()

    bufs = ((didx0_v, rows0_v, semg0, sems0), (didx1_v, rows1_v, semg1, sems1))

    def outer(ch, _):
        base = wid * EPW + ch * CH
        pltpu.sync_copy(g_hbm.at[pl.ds(base, CH)], gst_v)
        pltpu.sync_copy(d_hbm.at[pl.ds(base, CH)], dst_v)
        pltpu.sync_copy(s_hbm.at[pl.ds(base, CH)], s_v)
        pltpu.async_copy(h_hbm.at[gst_v.at[pl.ds(0, BLK)]], rows0_v, semg0)

        def step(kk, b):
            didx_v, rows_v, semg, sems = bufs[b]
            o_didx_v, o_rows_v, o_semg, o_sems = bufs[1 - b]
            pltpu.make_async_copy(h_hbm.at[pl.ds(0, BLK)], rows_v,
                                  semg).wait()

            @pl.when(kk < BPC - 1)
            def _():
                @pl.when(kk >= 1)
                def _():
                    pltpu.make_async_copy(out_hbm.at[pl.ds(0, BLK)],
                                          o_rows_v, o_sems).wait()
                pltpu.async_copy(
                    h_hbm.at[gst_v.at[pl.ds((kk + 1) * BLK, BLK)]],
                    o_rows_v, o_semg)

            def scale(j, _):
                sv = plsc.load_gather(
                    s_v, [jnp.full((L,), kk * BLK + j, jnp.int32)])
                for t in range(D // L):
                    sl = pl.ds(t * L, L)
                    rows_v[j, sl] = rows_v[j, sl] * sv
                return 0
            lax.fori_loop(0, BLK, scale, 0)
            _copy80(dst_v, kk * BLK, didx_v)
            pltpu.async_copy(rows_v, acc_sh.at[didx_v], sems, add=True)

        def inner(kk, _):
            @pl.when(kk % 2 == 0)
            def _():
                step(kk, 0)

            @pl.when(kk % 2 == 1)
            def _():
                step(kk, 1)
            return 0
        lax.fori_loop(0, BPC, inner, 0)
        for b in range(2):
            didx_v, rows_v, semg, sems = bufs[b]
            pltpu.make_async_copy(out_hbm.at[pl.ds(0, BLK)], rows_v,
                                  sems).wait()
        return 0
    lax.fori_loop(0, NCH, outer, 0)
    plsc.subcore_barrier()

    def read_out(i, _):
        pltpu.sync_copy(acc_sh.at[pl.ds(s * RPS + i * ZR, ZR)], zero_v)
        pltpu.sync_copy(zero_v, out_hbm.at[pl.ds(c * NP + s * RPS + i * ZR,
                                                 ZR)])
        return 0
    lax.fori_loop(0, 5, read_out, 0)


def _tc_transform_body(x_ref, w_ref, b_ref, o_ref):
    r = pl.program_id(1)
    acc = jnp.dot(x_ref[...], w_ref[0], preferred_element_type=jnp.float32)
    sel = jnp.where(r == R, 1.0, 0.0).astype(jnp.float32)
    o_ref[...] = acc + sel * b_ref[0][None, :]


def _tc_transform(x, w_all, b):
    nb = 10
    blk = N // nb
    return pl.pallas_call(
        _tc_transform_body,
        grid=(nb, R + 1),
        in_specs=[
            pl.BlockSpec((blk, D), lambda i, r: (i, 0)),
            pl.BlockSpec((1, D, D), lambda i, r: (r, 0, 0)),
            pl.BlockSpec((1, D), lambda i, r: (0, 0)),
        ],
        out_specs=pl.BlockSpec((blk, D), lambda i, r: (r * nb + i, 0)),
        out_shape=jax.ShapeDtypeStruct(((R + 1) * N, D), jnp.float32),
    )(x, w_all, b.reshape(1, D))


def _tc_combine_body(a_ref, p0_ref, p1_ref, o_ref):
    o_ref[...] = jnp.maximum(a_ref[...] + p0_ref[...] + p1_ref[...], 0.0)


def _tc_combine(a, p0, p1):
    nb = 10
    blk = N // nb
    return pl.pallas_call(
        _tc_combine_body,
        grid=(nb,),
        in_specs=[pl.BlockSpec((blk, D), lambda i: (i, 0))] * 3,
        out_specs=pl.BlockSpec((blk, D), lambda i: (i, 0)),
        out_shape=jax.ShapeDtypeStruct((N, D), jnp.float32),
    )(a, p0, p1)


def kernel(x, edge_index, edge_type, W1_rel, W1_root, b1, W2_rel, W2_root, b2):
    src = edge_index[0].astype(jnp.int32)
    dst = edge_index[1].astype(jnp.int32)
    et = edge_type.astype(jnp.int32)
    g = et * N + src
    k = dst * R + et

    REP = 1250
    ohtab = jnp.tile(jnp.repeat(jnp.eye(R, dtype=jnp.float32), L, axis=1),
                     (REP, 1))
    g_cnt = (jnp.arange(E, dtype=jnp.int32) % REP) * R + et
    cnt_parts = _sc_scatter(ohtab, g_cnt, dst,
                            jnp.ones((E,), jnp.float32)).reshape(NC, NP, R, L)
    cnt = (cnt_parts[0, :N, :, 0] + cnt_parts[1, :N, :, 0]).reshape(K)
    inv = 1.0 / jnp.maximum(cnt, 1.0)
    s_all = _sc_scales(inv, k)

    w_all1 = jnp.concatenate([W1_rel, W1_root[None]], axis=0)
    w_all2 = jnp.concatenate([W2_rel, W2_root[None]], axis=0)

    h = x
    for w_all, b in ((w_all1, b1), (w_all2, b2)):
        hf = _tc_transform(h, w_all, b)
        parts = _sc_scatter(hf, g, dst, s_all)
        h = _tc_combine(hf[R * N:], parts[:N], parts[NP:NP + N])
    return h

# --- scband reference (transcript-rebuilt; emitter-appended) ---
"""Pipeline reference for scband-net-6408091205738 (READ-ONLY COPY).

The authoritative reference and input builder live on the scoring server;
editing this copy changes nothing except your own understanding.
"""

import jax, jax.numpy as jnp
import numpy as np

N_NODES = 10000
N_EDGES = 320000
D = 128
NUM_RELS = 8


def setup_inputs(seed: int = 0) -> dict:
    key = jax.random.key(seed)
    ks = jax.random.split(key, 10)
    x = jax.random.normal(ks[0], (N_NODES, D), dtype=jnp.float32)
    edge_index = jax.random.randint(ks[1], (2, N_EDGES), 0, N_NODES, dtype=jnp.int64)
    edge_type = jax.random.randint(ks[2], (N_EDGES,), 0, NUM_RELS, dtype=jnp.int64)
    s = 1.0 / np.sqrt(D)
    W1_rel = jax.random.uniform(ks[3], (NUM_RELS, D, D), jnp.float32, -s, s)
    W1_root = jax.random.uniform(ks[4], (D, D), jnp.float32, -s, s)
    b1 = jnp.zeros((D,), jnp.float32)
    W2_rel = jax.random.uniform(ks[5], (NUM_RELS, D, D), jnp.float32, -s, s)
    W2_root = jax.random.uniform(ks[6], (D, D), jnp.float32, -s, s)
    b2 = jnp.zeros((D,), jnp.float32)
    return {"x": x, "edge_index": edge_index, "edge_type": edge_type,
            "W1_rel": W1_rel, "W1_root": W1_root, "b1": b1,
            "W2_rel": W2_rel, "W2_root": W2_root, "b2": b2}


def _rgcn_layer(x, edge_index, edge_type, W_rel, W_root, bias):
    # RGCNConv with mean aggregation per relation + root weight + bias
    src = edge_index[0]
    dst = edge_index[1]
    n = x.shape[0]
    out = x @ W_root + bias
    for r in range(NUM_RELS):
        mask = (edge_type == r).astype(x.dtype)
        h = x @ W_rel[r]                      # transform at node level (linear, equivalent)
        msg = h[src] * mask[:, None]          # gather + mask
        summed = jax.ops.segment_sum(msg, dst, num_segments=n)
        cnt = jax.ops.segment_sum(mask, dst, num_segments=n)
        out = out + summed / jnp.maximum(cnt, 1.0)[:, None]
    return out


def reference(x, edge_index, edge_type, W1_rel, W1_root, b1, W2_rel, W2_root, b2):
    h = jax.nn.relu(_rgcn_layer(x, edge_index, edge_type, W1_rel, W1_root, b1))
    # dropout is identity in eval mode
    h = jax.nn.relu(_rgcn_layer(h, edge_index, edge_type, W2_rel, W2_root, b2))
    return h

if __name__ == "__main__":
    import jax
    _d = setup_inputs()
    print(jax.jit(kernel)(*tuple(_d.values())))

</pallas_src>

<mosaic_0001>
#map = affine_map<(d0, d1) -> (0)>
module attributes {stable_mosaic.version = 14 : i64} {
  func.func @_sc_scales(%arg0: i32, %arg1: i32, %arg2: memref<80000xf32, #tpu.memory_space<hbm>>, %arg3: memref<320000xi32, #tpu.memory_space<hbm>>, %arg4: memref<320000xf32, #tpu.memory_space<hbm>>, %arg5: memref<80000xf32, #tpu.memory_space<vmem>>, %arg6: memref<2000xi32, #tpu.memory_space<vmem>>, %arg7: memref<2000xf32, #tpu.memory_space<vmem>>) attributes {dimension_semantics = [#tpu.dimension_semantics<core_parallel>, #tpu.dimension_semantics<subcore_parallel>], iteration_bounds = array<i64: 2, 16>, scalar_prefetch = 0 : i64, scratch_operands = 3 : i64, tpu.core_type = #tpu.core_type<sc_vector_subcore>, window_params = [{transform_indices = #map}, {transform_indices = #map}, {transform_indices = #map}]} {
    %mul3A = arith.constant 2 : i32
    %mul3A_0 = arith.muli %arg1, %mul3A : i32
    %add3A = arith.addi %mul3A_0, %arg0 : i32
    "tpu.region"() ({
      %run_scoped3A = tpu.sem_alloc : memref<!tpu.dma_semaphore, #tpu.memory_space<semaphore_mem>>
      tpu.enqueue_dma source(%arg2 : memref<80000xf32, #tpu.memory_space<hbm>>) target(%arg5 : memref<80000xf32, #tpu.memory_space<vmem>>) target_semaphore(%run_scoped3A : memref<!tpu.dma_semaphore, #tpu.memory_space<semaphore_mem>>)
      tpu.wait_dma2 semaphore(%run_scoped3A : memref<!tpu.dma_semaphore, #tpu.memory_space<semaphore_mem>>) src(%arg2 : memref<80000xf32, #tpu.memory_space<hbm>>) dst(%arg5 : memref<80000xf32, #tpu.memory_space<vmem>>)
      tpu.yield
    }) : () -> ()
    %scan3A = arith.constant 0 : i32
    %scan3A_1 = arith.constant 0 : i32
    %scan3A_2 = arith.constant 5 : i32
    %scan3A_3 = arith.addi %scan3A_1, %scan3A_2 : i32
    %scan3A_4 = arith.constant 1 : i32
    %scan3A_5 = scf.for %scan3A_7 = %scan3A_1 to %scan3A_3 step %scan3A_4 iter_args(%scan3A_8 = %scan3A) -> (i32)  : i32 {
      %mul3A_9 = arith.constant 10000 : i32
      %mul3A_10 = arith.muli %add3A, %mul3A_9 : i32
      %mul3A_11 = arith.constant 2000 : i32
      %mul3A_12 = arith.muli %scan3A_7, %mul3A_11 : i32
      %add3A_13 = arith.addi %mul3A_10, %mul3A_12 : i32
      "tpu.region"() ({
        %run_scoped3A = tpu.sem_alloc : memref<!tpu.dma_semaphore, #tpu.memory_space<semaphore_mem>>
        %dma_start3A = tpu.memref_slice %arg3[%add3A_13] : memref<320000xi32, #tpu.memory_space<hbm>> -> memref<2000xi32, #tpu.memory_space<hbm>>
        %dma_start3A_27 = tpu.memref_slice %arg3[%add3A_13] : memref<320000xi32, #tpu.memory_space<hbm>> -> memref<2000xi32, #tpu.memory_space<hbm>>
        tpu.enqueue_dma source(%dma_start3A_27 : memref<2000xi32, #tpu.memory_space<hbm>>) target(%arg6 : memref<2000xi32, #tpu.memory_space<vmem>>) target_semaphore(%run_scoped3A : memref<!tpu.dma_semaphore, #tpu.memory_space<semaphore_mem>>)
        %dma_wait3A = tpu.memref_slice %arg3[%add3A_13] : memref<320000xi32, #tpu.memory_space<hbm>> -> memref<2000xi32, #tpu.memory_space<hbm>>
        %dma_wait3A_28 = tpu.memref_slice %arg3[%add3A_13] : memref<320000xi32, #tpu.memory_space<hbm>> -> memref<2000xi32, #tpu.memory_space<hbm>>
        tpu.wait_dma2 semaphore(%run_scoped3A : memref<!tpu.dma_semaphore, #tpu.memory_space<semaphore_mem>>) src(%dma_wait3A_28 : memref<2000xi32, #tpu.memory_space<hbm>>) dst(%arg6 : memref<2000xi32, #tpu.memory_space<vmem>>)
        tpu.yield
      }) : () -> ()
      %scan3A_14 = arith.constant 0 : i32
      %scan3A_15 = arith.constant 0 : i32
      %scan3A_16 = arith.constant 125 : i32
      %scan3A_17 = arith.addi %scan3A_15, %scan3A_16 : i32
      %scan3A_18 = arith.constant 1 : i32
      %scan3A_19 = scf.for %scan3A_27 = %scan3A_15 to %scan3A_17 step %scan3A_18 iter_args(%scan3A_28 = %scan3A_14) -> (i32)  : i32 {
        %mul3A_29 = arith.constant 16 : i32
        %mul3A_30 = arith.muli %scan3A_27, %mul3A_29 : i32
        %get3A = arith.index_cast %mul3A_30 : i32 to index
        %get3A_31 = tpu.vector_load %arg6[%get3A] {strides = array<i32>} : memref<2000xi32, #tpu.memory_space<vmem>>, vector<16xi32>,
        %gather3A = tpu.vector_load_idx %arg5[%get3A_31] : memref<80000xf32, #tpu.memory_space<vmem>>[vector<16xi32>], vector<16xf32>,
        %mul3A_32 = arith.constant 16 : i32
        %mul3A_33 = arith.muli %scan3A_27, %mul3A_32 : i32
        %swap3A = arith.index_cast %mul3A_33 : i32 to index
        %swap3A_34 = tpu.vector_load %arg7[%swap3A] {strides = array<i32>} : memref<2000xf32, #tpu.memory_space<vmem>>, vector<16xf32>,
        tpu.vector_store %arg7[%swap3A], %gather3A {strides = array<i32>} : memref<2000xf32, #tpu.memory_space<vmem>>, vector<16xf32>,
        %scan3A_35 = arith.constant 0 : i32
        scf.yield %scan3A_35 : i32
      }
      %scan3A_20 = arith.constant 125 : i32
      %mul3A_21 = arith.constant 10000 : i32
      %mul3A_22 = arith.muli %add3A, %mul3A_21 : i32
      %mul3A_23 = arith.constant 2000 : i32
      %mul3A_24 = arith.muli %scan3A_7, %mul3A_23 : i32
      %add3A_25 = arith.addi %mul3A_22, %mul3A_24 : i32
      "tpu.region"() ({
        %run_scoped3A = tpu.sem_alloc : memref<!tpu.dma_semaphore, #tpu.memory_space<semaphore_mem>>
        %dma_start3A = tpu.memref_slice %arg4[%add3A_25] : memref<320000xf32, #tpu.memory_space<hbm>> -> memref<2000xf32, #tpu.memory_space<hbm>>
        %dma_start3A_27 = tpu.memref_slice %arg4[%add3A_25] : memref<320000xf32, #tpu.memory_space<hbm>> -> memref<2000xf32, #tpu.memory_space<hbm>>
        tpu.enqueue_dma source(%arg7 : memref<2000xf32, #tpu.memory_space<vmem>>) target(%dma_start3A_27 : memref<2000xf32, #tpu.memory_space<hbm>>) target_semaphore(%run_scoped3A : memref<!tpu.dma_semaphore, #tpu.memory_space<semaphore_mem>>)
        %dma_wait3A = tpu.memref_slice %arg4[%add3A_25] : memref<320000xf32, #tpu.memory_space<hbm>> -> memref<2000xf32, #tpu.memory_space<hbm>>
        %dma_wait3A_28 = tpu.memref_slice %arg4[%add3A_25] : memref<320000xf32, #tpu.memory_space<hbm>> -> memref<2000xf32, #tpu.memory_space<hbm>>
        tpu.wait_dma2 semaphore(%run_scoped3A : memref<!tpu.dma_semaphore, #tpu.memory_space<semaphore_mem>>) src(%arg7 : memref<2000xf32, #tpu.memory_space<vmem>>) dst(%dma_wait3A_28 : memref<2000xf32, #tpu.memory_space<hbm>>)
        tpu.yield
      }) : () -> ()
      %scan3A_26 = arith.constant 0 : i32
      scf.yield %scan3A_26 : i32
    }
    %scan3A_6 = arith.constant 5 : i32
    return
  }
}

#map = affine_map<(d0, d1) -> (0, 0)>
#map1 = affine_map<(d0, d1) -> (0)>
module attributes {stable_mosaic.version = 14 : i64} {
  func.func @_sc_scatter(%arg0: i32, %arg1: i32, %arg2: memref<90000x128xf32, #tpu.memory_space<hbm>>, %arg3: memref<320000xi32, #tpu.memory_space<hbm>>, %arg4: memref<320000xi32, #tpu.memory_space<hbm>>, %arg5: memref<320000xf32, #tpu.memory_space<hbm>>, %arg6: memref<20480x128xf32, #tpu.memory_space<hbm>>, %arg7: memref<10240x128xf32, #tpu.memory_space<vmem_shared>>, %arg8: memref<2000xi32, #tpu.memory_space<vmem>>, %arg9: memref<2000xi32, #tpu.memory_space<vmem>>, %arg10: memref<2000xf32, #tpu.memory_space<vmem>>, %arg11: memref<80xi32, #tpu.memory_space<vmem>>, %arg12: memref<80xi32, #tpu.memory_space<vmem>>, %arg13: memref<80x128xf32, #tpu.memory_space<vmem>>, %arg14: memref<80x128xf32, #tpu.memory_space<vmem>>, %arg15: memref<128x128xf32, #tpu.memory_space<vmem>>, %arg16: memref<!tpu.dma_semaphore, #tpu.memory_space<semaphore_mem>>, %arg17: memref<!tpu.dma_semaphore, #tpu.memory_space<semaphore_mem>>, %arg18: memref<!tpu.dma_semaphore, #tpu.memory_space<semaphore_mem>>, %arg19: memref<!tpu.dma_semaphore, #tpu.memory_space<semaphore_mem>>) attributes {dimension_semantics = [#tpu.dimension_semantics<core_parallel>, #tpu.dimension_semantics<subcore_parallel>], iteration_bounds = array<i64: 2, 16>, scalar_prefetch = 0 : i64, scratch_operands = 13 : i64, tpu.core_type = #tpu.core_type<sc_vector_subcore>, window_params = [{transform_indices = #map}, {transform_indices = #map1}, {transform_indices = #map1}, {transform_indices = #map1}, {transform_indices = #map}]} {
    %mul3A = arith.constant 2 : i32
    %mul3A_0 = arith.muli %arg1, %mul3A : i32
    %add3A = arith.addi %mul3A_0, %arg0 : i32
    %broadcast_in_dim3A = arith.constant 0.000000e+00 : f32
    %broadcast_in_dim3A_1 = vector.broadcast %broadcast_in_dim3A : f32 to vector<16xf32>
    %scan3A = arith.constant 0 : i32
    %scan3A_2 = arith.constant 0 : i32
    %scan3A_3 = arith.constant 128 : i32
    %scan3A_4 = arith.addi %scan3A_2, %scan3A_3 : i32
    %scan3A_5 = arith.constant 1 : i32
    %scan3A_6 = scf.for %scan3A_30 = %scan3A_2 to %scan3A_4 step %scan3A_5 iter_args(%scan3A_31 = %scan3A) -> (i32)  : i32 {
      %swap3A = arith.index_cast %scan3A_30 : i32 to index
      %swap3A_32 = arith.constant 0 : index
      %swap3A_33 = tpu.vector_load %arg15[%swap3A, %swap3A_32] {strides = array<i32>} : memref<128x128xf32, #tpu.memory_space<vmem>>, vector<16xf32>,
      tpu.vector_store %arg15[%swap3A, %swap3A_32], %broadcast_in_dim3A_1 {strides = array<i32>} : memref<128x128xf32, #tpu.memory_space<vmem>>, vector<16xf32>,
      %swap3A_34 = arith.index_cast %scan3A_30 : i32 to index
      %swap3A_35 = arith.constant 16 : index
      %swap3A_36 = tpu.vector_load %arg15[%swap3A_34, %swap3A_35] {strides = array<i32>} : memref<128x128xf32, #tpu.memory_space<vmem>>, vector<16xf32>,
      tpu.vector_store %arg15[%swap3A_34, %swap3A_35], %broadcast_in_dim3A_1 {strides = array<i32>} : memref<128x128xf32, #tpu.memory_space<vmem>>, vector<16xf32>,
      %swap3A_37 = arith.index_cast %scan3A_30 : i32 to index
      %swap3A_38 = arith.constant 32 : index
      %swap3A_39 = tpu.vector_load %arg15[%swap3A_37, %swap3A_38] {strides = array<i32>} : memref<128x128xf32, #tpu.memory_space<vmem>>, vector<16xf32>,
      tpu.vector_store %arg15[%swap3A_37, %swap3A_38], %broadcast_in_dim3A_1 {strides = array<i32>} : memref<128x128xf32, #tpu.memory_space<vmem>>, vector<16xf32>,
      %swap3A_40 = arith.index_cast %scan3A_30 : i32 to index
      %swap3A_41 = arith.constant 48 : index
      %swap3A_42 = tpu.vector_load %arg15[%swap3A_40, %swap3A_41] {strides = array<i32>} : memref<128x128xf32, #tpu.memory_space<vmem>>, vector<16xf32>,
      tpu.vector_store %arg15[%swap3A_40, %swap3A_41], %broadcast_in_dim3A_1 {strides = array<i32>} : memref<128x128xf32, #tpu.memory_space<vmem>>, vector<16xf32>,
      %swap3A_43 = arith.index_cast %scan3A_30 : i32 to index
      %swap3A_44 = arith.constant 64 : index
      %swap3A_45 = tpu.vector_load %arg15[%swap3A_43, %swap3A_44] {strides = array<i32>} : memref<128x128xf32, #tpu.memory_space<vmem>>, vector<16xf32>,
      tpu.vector_store %arg15[%swap3A_43, %swap3A_44], %broadcast_in_dim3A_1 {strides = array<i32>} : memref<128x128xf32, #tpu.memory_space<vmem>>, vector<16xf32>,
      %swap3A_46 = arith.index_cast %scan3A_30 : i32 to index
      %swap3A_47 = arith.constant 80 : index
      %swap3A_48 = tpu.vector_load %arg15[%swap3A_46, %swap3A_47] {strides = array<i32>} : memref<128x128xf32, #tpu.memory_space<vmem>>, vector<16xf32>,
      tpu.vector_store %arg15[%swap3A_46, %swap3A_47], %broadcast_in_dim3A_1 {strides = array<i32>} : memref<128x128xf32, #tpu.memory_space<vmem>>, vector<16xf32>,
      %swap3A_49 = arith.index_cast %scan3A_30 : i32 to index
      %swap3A_50 = arith.constant 96 : index
      %swap3A_51 = tpu.vector_load %arg15[%swap3A_49, %swap3A_50] {strides = array<i32>} : memref<128x128xf32, #tpu.memory_space<vmem>>, vector<16xf32>,
      tpu.vector_store %arg15[%swap3A_49, %swap3A_50], %broadcast_in_dim3A_1 {strides = array<i32>} : memref<128x128xf32, #tpu.memory_space<vmem>>, vector<16xf32>,
      %swap3A_52 = arith.index_cast %scan3A_30 : i32 to index
      %swap3A_53 = arith.constant 112 : index
      %swap3A_54 = tpu.vector_load %arg15[%swap3A_52, %swap3A_53] {strides = array<i32>} : memref<128x128xf32, #tpu.memory_space<vmem>>, vector<16xf32>,
      tpu.vector_store %arg15[%swap3A_52, %swap3A_53], %broadcast_in_dim3A_1 {strides = array<i32>} : memref<128x128xf32, #tpu.memory_space<vmem>>, vector<16xf32>,
      %scan3A_55 = arith.constant 0 : i32
      scf.yield %scan3A_55 : i32
    }
    %scan3A_7 = arith.constant 128 : i32
    %scan3A_8 = arith.constant 0 : i32
    %scan3A_9 = arith.constant 0 : i32
    %scan3A_10 = arith.constant 5 : i32
    %scan3A_11 = arith.addi %scan3A_9, %scan3A_10 : i32
    %scan3A_12 = arith.constant 1 : i32
    %scan3A_13 = scf.for %scan3A_30 = %scan3A_9 to %scan3A_11 step %scan3A_12 iter_args(%scan3A_31 = %scan3A_8) -> (i32)  : i32 {
      %mul3A_32 = arith.constant 640 : i32
      %mul3A_33 = arith.muli %arg1, %mul3A_32 : i32
      %mul3A_34 = arith.constant 128 : i32
      %mul3A_35 = arith.muli %scan3A_30, %mul3A_34 : i32
      %add3A_36 = arith.addi %mul3A_33, %mul3A_35 : i32
      "tpu.region"() ({
        %run_scoped3A = tpu.sem_alloc : memref<!tpu.dma_semaphore, #tpu.memory_space<semaphore_mem>>
        %dma_start3A = arith.constant 0 : i32
        %dma_start3A_38 = tpu.memref_slice %arg7[%add3A_36, %dma_start3A] : memref<10240x128xf32, #tpu.memory_space<vmem_shared>> -> memref<128x128xf32, #tpu.memory_space<vmem_shared>>
        %dma_start3A_39 = arith.constant 0 : i32
        %dma_start3A_40 = tpu.memref_slice %arg7[%add3A_36, %dma_start3A_39] : memref<10240x128xf32, #tpu.memory_space<vmem_shared>> -> memref<128x128xf32, #tpu.memory_space<vmem_shared>>
        tpu.enqueue_dma source(%arg15 : memref<128x128xf32, #tpu.memory_space<vmem>>) target(%dma_start3A_40 : memref<128x128xf32, #tpu.memory_space<vmem_shared>>) target_semaphore(%run_scoped3A : memref<!tpu.dma_semaphore, #tpu.memory_space<semaphore_mem>>)
        %dma_wait3A = arith.constant 0 : i32
        %dma_wait3A_41 = tpu.memref_slice %arg7[%add3A_36, %dma_wait3A] : memref<10240x128xf32, #tpu.memory_space<vmem_shared>> -> memref<128x128xf32, #tpu.memory_space<vmem_shared>>
        %dma_wait3A_42 = arith.constant 0 : i32
        %dma_wait3A_43 = tpu.memref_slice %arg7[%add3A_36, %dma_wait3A_42] : memref<10240x128xf32, #tpu.memory_space<vmem_shared>> -> memref<128x128xf32, #tpu.memory_space<vmem_shared>>
        tpu.wait_dma2 semaphore(%run_scoped3A : memref<!tpu.dma_semaphore, #tpu.memory_space<semaphore_mem>>) src(%arg15 : memref<128x128xf32, #tpu.memory_space<vmem>>) dst(%dma_wait3A_43 : memref<128x128xf32, #tpu.memory_space<vmem_shared>>)
        tpu.yield
      }) : () -> ()
      %scan3A_37 = arith.constant 0 : i32
      scf.yield %scan3A_37 : i32
    }
    %scan3A_14 = arith.constant 5 : i32
    %barrier3A = arith.constant 0 : index
    tpu.barrier barrier_id(%barrier3A)
    %scan3A_15 = arith.constant 0 : i32
    %scan3A_16 = arith.constant 0 : i32
    %scan3A_17 = arith.constant 5 : i32
    %scan3A_18 = arith.addi %scan3A_16, %scan3A_17 : i32
    %scan3A_19 = arith.constant 1 : i32
    %scan3A_20 = scf.for %scan3A_30 = %scan3A_16 to %scan3A_18 step %scan3A_19 iter_args(%scan3A_31 = %scan3A_15) -> (i32)  : i32 {
      %mul3A_32 = arith.constant 10000 : i32
      %mul3A_33 = arith.muli %add3A, %mul3A_32 : i32
      %mul3A_34 = arith.constant 2000 : i32
      %mul3A_35 = arith.muli %scan3A_30, %mul3A_34 : i32
      %add3A_36 = arith.addi %mul3A_33, %mul3A_35 : i32
      "tpu.region"() ({
        %run_scoped3A = tpu.sem_alloc : memref<!tpu.dma_semaphore, #tpu.memory_space<semaphore_mem>>
        %dma_start3A_60 = tpu.memref_slice %arg3[%add3A_36] : memref<320000xi32, #tpu.memory_space<hbm>> -> memref<2000xi32, #tpu.memory_space<hbm>>
        %dma_start3A_61 = tpu.memref_slice %arg3[%add3A_36] : memref<320000xi32, #tpu.memory_space<hbm>> -> memref<2000xi32, #tpu.memory_space<hbm>>
        tpu.enqueue_dma source(%dma_start3A_61 : memref<2000xi32, #tpu.memory_space<hbm>>) target(%arg8 : memref<2000xi32, #tpu.memory_space<vmem>>) target_semaphore(%run_scoped3A : memref<!tpu.dma_semaphore, #tpu.memory_space<semaphore_mem>>)
        %dma_wait3A_62 = tpu.memref_slice %arg3[%add3A_36] : memref<320000xi32, #tpu.memory_space<hbm>> -> memref<2000xi32, #tpu.memory_space<hbm>>
        %dma_wait3A_63 = tpu.memref_slice %arg3[%add3A_36] : memref<320000xi32, #tpu.memory_space<hbm>> -> memref<2000xi32, #tpu.memory_space<hbm>>
        tpu.wait_dma2 semaphore(%run_scoped3A : memref<!tpu.dma_semaphore, #tpu.memory_space<semaphore_mem>>) src(%dma_wait3A_63 : memref<2000xi32, #tpu.memory_space<hbm>>) dst(%arg8 : memref<2000xi32, #tpu.memory_space<vmem>>)
        tpu.yield
      }) : () -> ()
      "tpu.region"() ({
        %run_scoped3A = tpu.sem_alloc : memref<!tpu.dma_semaphore, #tpu.memory_space<semaphore_mem>>
        %dma_start3A_60 = tpu.memref_slice %arg4[%add3A_36] : memref<320000xi32, #tpu.memory_space<hbm>> -> memref<2000xi32, #tpu.memory_space<hbm>>
        %dma_start3A_61 = tpu.memref_slice %arg4[%add3A_36] : memref<320000xi32, #tpu.memory_space<hbm>> -> memref<2000xi32, #tpu.memory_space<hbm>>
        tpu.enqueue_dma source(%dma_start3A_61 : memref<2000xi32, #tpu.memory_space<hbm>>) target(%arg9 : memref<2000xi32, #tpu.memory_space<vmem>>) target_semaphore(%run_scoped3A : memref<!tpu.dma_semaphore, #tpu.memory_space<semaphore_mem>>)
        %dma_wait3A_62 = tpu.memref_slice %arg4[%add3A_36] : memref<320000xi32, #tpu.memory_space<hbm>> -> memref<2000xi32, #tpu.memory_space<hbm>>
        %dma_wait3A_63 = tpu.memref_slice %arg4[%add3A_36] : memref<320000xi32, #tpu.memory_space<hbm>> -> memref<2000xi32, #tpu.memory_space<hbm>>
        tpu.wait_dma2 semaphore(%run_scoped3A : memref<!tpu.dma_semaphore, #tpu.memory_space<semaphore_mem>>) src(%dma_wait3A_63 : memref<2000xi32, #tpu.memory_space<hbm>>) dst(%arg9 : memref<2000xi32, #tpu.memory_space<vmem>>)
        tpu.yield
      }) : () -> ()
      "tpu.region"() ({
        %run_scoped3A = tpu.sem_alloc : memref<!tpu.dma_semaphore, #tpu.memory_space<semaphore_mem>>
        %dma_start3A_60 = tpu.memref_slice %arg5[%add3A_36] : memref<320000xf32, #tpu.memory_space<hbm>> -> memref<2000xf32, #tpu.memory_space<hbm>>
        %dma_start3A_61 = tpu.memref_slice %arg5[%add3A_36] : memref<320000xf32, #tpu.memory_space<hbm>> -> memref<2000xf32, #tpu.memory_space<hbm>>
        tpu.enqueue_dma source(%dma_start3A_61 : memref<2000xf32, #tpu.memory_space<hbm>>) target(%arg10 : memref<2000xf32, #tpu.memory_space<vmem>>) target_semaphore(%run_scoped3A : memref<!tpu.dma_semaphore, #tpu.memory_space<semaphore_mem>>)
        %dma_wait3A_62 = tpu.memref_slice %arg5[%add3A_36] : memref<320000xf32, #tpu.memory_space<hbm>> -> memref<2000xf32, #tpu.memory_space<hbm>>
        %dma_wait3A_63 = tpu.memref_slice %arg5[%add3A_36] : memref<320000xf32, #tpu.memory_space<hbm>> -> memref<2000xf32, #tpu.memory_space<hbm>>
        tpu.wait_dma2 semaphore(%run_scoped3A : memref<!tpu.dma_semaphore, #tpu.memory_space<semaphore_mem>>) src(%dma_wait3A_63 : memref<2000xf32, #tpu.memory_space<hbm>>) dst(%arg10 : memref<2000xf32, #tpu.memory_space<vmem>>)
        tpu.yield
      }) : () -> ()
      %dma_start3A = arith.constant 0 : i32
      %dma_start3A_37 = tpu.memref_slice %arg8[%dma_start3A] : memref<2000xi32, #tpu.memory_space<vmem>> -> memref<80xi32, #tpu.memory_space<vmem>>
      %dma_start3A_38 = arith.constant 0 : i32
      %dma_start3A_39 = arith.constant 0 : i32
      %dma_start3A_40 = tpu.memref_slice %arg2[%dma_start3A_38, %dma_start3A_39] : memref<90000x128xf32, #tpu.memory_space<hbm>> -> memref<90000x128xf32, #tpu.memory_space<hbm>>
      tpu.enqueue_indirect_dma source(%dma_start3A_40 : memref<90000x128xf32, #tpu.memory_space<hbm>>) target(%arg13 : memref<80x128xf32, #tpu.memory_space<vmem>>) offsets(%dma_start3A_37 : memref<80xi32, #tpu.memory_space<vmem>>) semaphore(%arg16 : memref<!tpu.dma_semaphore, #tpu.memory_space<semaphore_mem>>)
      %scan3A_41 = arith.constant 0 : i32
      %scan3A_42 = arith.constant 0 : i32
      %scan3A_43 = arith.constant 25 : i32
      %scan3A_44 = arith.addi %scan3A_42, %scan3A_43 : i32
      %scan3A_45 = arith.constant 1 : i32
      %scan3A_46 = scf.for %scan3A_60 = %scan3A_42 to %scan3A_44 step %scan3A_45 iter_args(%scan3A_61 = %scan3A_41) -> (i32)  : i32 {
        %jit3A = arith.constant 2 : i32
        %eq3A = arith.constant 0 : i32
        %eq3A_62 = arith.cmpi eq, %jit3A, %eq3A : i32
        %jit3A_63 = arith.constant 1 : i32
        %select_n3A = arith.select %eq3A_62, %jit3A_63, %jit3A : i32
        %rem3A = arith.remsi %scan3A_60, %select_n3A : i32
        %ne3A = arith.constant 0 : i32
        %ne3A_64 = arith.cmpi ne, %rem3A, %ne3A : i32
        %lt3A = arith.constant 0 : i32
        %lt3A_65 = arith.cmpi slt, %rem3A, %lt3A : i32
        %lt3A_66 = arith.constant 0 : i32
        %lt3A_67 = arith.cmpi slt, %select_n3A, %lt3A_66 : i32
        %ne3A_68 = arith.xori %lt3A_65, %lt3A_67 : i1
        %and3A = arith.andi %ne3A_68, %ne3A_64 : i1
        %add3A_69 = arith.addi %rem3A, %select_n3A : i32
        %select_n3A_70 = arith.select %and3A, %add3A_69, %rem3A : i32
        %eq3A_71 = arith.constant 0 : i32
        %eq3A_72 = arith.cmpi eq, %select_n3A_70, %eq3A_71 : i32
        %convert_element_type3A = arith.extui %eq3A_72 : i1 to i32
        %cond3A = arith.constant 0 : i32
        %cond3A_73 = arith.cmpi ne, %convert_element_type3A, %cond3A : i32
        scf.if %cond3A_73 {
          %dma_wait3A_96 = arith.constant 0 : i32
          %dma_wait3A_97 = arith.constant 0 : i32
          %dma_wait3A_98 = tpu.memref_slice %arg2[%dma_wait3A_96, %dma_wait3A_97] : memref<90000x128xf32, #tpu.memory_space<hbm>> -> memref<80x128xf32, #tpu.memory_space<hbm>>
          %dma_wait3A_99 = arith.constant 0 : i32
          %dma_wait3A_100 = arith.constant 0 : i32
          %dma_wait3A_101 = tpu.memref_slice %arg2[%dma_wait3A_99, %dma_wait3A_100] : memref<90000x128xf32, #tpu.memory_space<hbm>> -> memref<80x128xf32, #tpu.memory_space<hbm>>
          tpu.wait_dma2 semaphore(%arg16 : memref<!tpu.dma_semaphore, #tpu.memory_space<semaphore_mem>>) src(%dma_wait3A_101 : memref<80x128xf32, #tpu.memory_space<hbm>>) dst(%arg13 : memref<80x128xf32, #tpu.memory_space<vmem>>)
          %lt3A_102 = arith.constant 24 : i32
          %lt3A_103 = arith.cmpi slt, %scan3A_60, %lt3A_102 : i32
          %convert_element_type3A_104 = arith.extui %lt3A_103 : i1 to i32
          %cond3A_105 = arith.constant 0 : i32
          %cond3A_106 = arith.cmpi ne, %convert_element_type3A_104, %cond3A_105 : i32
          scf.if %cond3A_106 {
            %ge3A = arith.constant 1 : i32
            %ge3A_147 = arith.cmpi sge, %scan3A_60, %ge3A : i32
            %convert_element_type3A_148 = arith.extui %ge3A_147 : i1 to i32
            %cond3A_149 = arith.constant 0 : i32
            %cond3A_150 = arith.cmpi ne, %convert_element_type3A_148, %cond3A_149 : i32
            scf.if %cond3A_150 {
              %dma_wait3A_159 = arith.constant 0 : i32
              %dma_wait3A_160 = arith.constant 0 : i32
              %dma_wait3A_161 = tpu.memref_slice %arg6[%dma_wait3A_159, %dma_wait3A_160] : memref<20480x128xf32, #tpu.memory_space<hbm>> -> memref<80x128xf32, #tpu.memory_space<hbm>>
              %dma_wait3A_162 = arith.constant 0 : i32
              %dma_wait3A_163 = arith.constant 0 : i32
              %dma_wait3A_164 = tpu.memref_slice %arg6[%dma_wait3A_162, %dma_wait3A_163] : memref<20480x128xf32, #tpu.memory_space<hbm>> -> memref<80x128xf32, #tpu.memory_space<hbm>>
              tpu.wait_dma2 semaphore(%arg19 : memref<!tpu.dma_semaphore, #tpu.memory_space<semaphore_mem>>) src(%dma_wait3A_164 : memref<80x128xf32, #tpu.memory_space<hbm>>) dst(%arg14 : memref<80x128xf32, #tpu.memory_space<vmem>>)
            } else {
            }
            %add3A_151 = arith.constant 1 : i32
            %add3A_152 = arith.addi %scan3A_60, %add3A_151 : i32
            %mul3A_153 = arith.constant 80 : i32
            %mul3A_154 = arith.muli %add3A_152, %mul3A_153 : i32
            %dma_start3A_155 = tpu.memref_slice %arg8[%mul3A_154] : memref<2000xi32, #tpu.memory_space<vmem>> -> memref<80xi32, #tpu.memory_space<vmem>>
            %dma_start3A_156 = arith.constant 0 : i32
            %dma_start3A_157 = arith.constant 0 : i32
            %dma_start3A_158 = tpu.memref_slice %arg2[%dma_start3A_156, %dma_start3A_157] : memref<90000x128xf32, #tpu.memory_space<hbm>> -> memref<90000x128xf32, #tpu.memory_space<hbm>>
            tpu.enqueue_indirect_dma source(%dma_start3A_158 : memref<90000x128xf32, #tpu.memory_space<hbm>>) target(%arg14 : memref<80x128xf32, #tpu.memory_space<vmem>>) offsets(%dma_start3A_155 : memref<80xi32, #tpu.memory_space<vmem>>) semaphore(%arg17 : memref<!tpu.dma_semaphore, #tpu.memory_space<semaphore_mem>>)
          } else {
          }
          %scan3A_107 = arith.constant 0 : i32
          %scan3A_108 = arith.constant 0 : i32
          %scan3A_109 = arith.constant 80 : i32
          %scan3A_110 = arith.addi %scan3A_108, %scan3A_109 : i32
          %scan3A_111 = arith.constant 1 : i32
          %scan3A_112 = scf.for %scan3A_147 = %scan3A_108 to %scan3A_110 step %scan3A_111 iter_args(%scan3A_148 = %scan3A_107) -> (i32)  : i32 {
            %mul3A_149 = arith.constant 80 : i32
            %mul3A_150 = arith.muli %scan3A_60, %mul3A_149 : i32
            %add3A_151 = arith.addi %mul3A_150, %scan3A_147 : i32
            %broadcast_in_dim3A_152 = vector.broadcast %add3A_151 : i32 to vector<16xi32>
            %gather3A = tpu.vector_load_idx %arg10[%broadcast_in_dim3A_152] : memref<2000xf32, #tpu.memory_space<vmem>>[vector<16xi32>], vector<16xf32>,
            %get3A_153 = arith.index_cast %scan3A_147 : i32 to index
            %get3A_154 = arith.constant 0 : index
            %get3A_155 = tpu.vector_load %arg13[%get3A_153, %get3A_154] {strides = array<i32>} : memref<80x128xf32, #tpu.memory_space<vmem>>, vector<16xf32>,
            %mul3A_156 = arith.mulf %get3A_155, %gather3A : vector<16xf32>
            %swap3A_157 = arith.index_cast %scan3A_147 : i32 to index
            %swap3A_158 = arith.constant 0 : index
            %swap3A_159 = tpu.vector_load %arg13[%swap3A_157, %swap3A_158] {strides = array<i32>} : memref<80x128xf32, #tpu.memory_space<vmem>>, vector<16xf32>,
            tpu.vector_store %arg13[%swap3A_157, %swap3A_158], %mul3A_156 {strides = array<i32>} : memref<80x128xf32, #tpu.memory_space<vmem>>, vector<16xf32>,
            %get3A_160 = arith.index_cast %scan3A_147 : i32 to index
            %get3A_161 = arith.constant 16 : index
            %get3A_162 = tpu.vector_load %arg13[%get3A_160, %get3A_161] {strides = array<i32>} : memref<80x128xf32, #tpu.memory_space<vmem>>, vector<16xf32>,
            %mul3A_163 = arith.mulf %get3A_162, %gather3A : vector<16xf32>
            %swap3A_164 = arith.index_cast %scan3A_147 : i32 to index
            %swap3A_165 = arith.constant 16 : index
            %swap3A_166 = tpu.vector_load %arg13[%swap3A_164, %swap3A_165] {strides = array<i32>} : memref<80x128xf32, #tpu.memory_space<vmem>>, vector<16xf32>,
            tpu.vector_store %arg13[%swap3A_164, %swap3A_165], %mul3A_163 {strides = array<i32>} : memref<80x128xf32, #tpu.memory_space<vmem>>, vector<16xf32>,
            %get3A_167 = arith.index_cast %scan3A_147 : i32 to index
            %get3A_168 = arith.constant 32 : index
            %get3A_169 = tpu.vector_load %arg13[%get3A_167, %get3A_168] {strides = array<i32>} : memref<80x128xf32, #tpu.memory_space<vmem>>, vector<16xf32>,
            %mul3A_170 = arith.mulf %get3A_169, %gather3A : vector<16xf32>
            %swap3A_171 = arith.index_cast %scan3A_147 : i32 to index
            %swap3A_172 = arith.constant 32 : index
            %swap3A_173 = tpu.vector_load %arg13[%swap3A_171, %swap3A_172] {strides = array<i32>} : memref<80x128xf32, #tpu.memory_space<vmem>>, vector<16xf32>,
            tpu.vector_store %arg13[%swap3A_171, %swap3A_172], %mul3A_170 {strides = array<i32>} : memref<80x128xf32, #tpu.memory_space<vmem>>, vector<16xf32>,
            %get3A_174 = arith.index_cast %scan3A_147 : i32 to index
            %get3A_175 = arith.constant 48 : index
            %get3A_176 = tpu.vector_load %arg13[%get3A_174, %get3A_175] {strides = array<i32>} : memref<80x128xf32, #tpu.memory_space<vmem>>, vector<16xf32>,
            %mul3A_177 = arith.mulf %get3A_176, %gather3A : vector<16xf32>
            %swap3A_178 = arith.index_cast %scan3A_147 : i32 to index
            %swap3A_179 = arith.constant 48 : index
            %swap3A_180 = tpu.vector_load %arg13[%swap3A_178, %swap3A_179] {strides = array<i32>} : memref<80x128xf32, #tpu.memory_space<vmem>>, vector<16xf32>,
            tpu.vector_store %arg13[%swap3A_178, %swap3A_179], %mul3A_177 {strides = array<i32>} : memref<80x128xf32, #tpu.memory_space<vmem>>, vector<16xf32>,
            %get3A_181 = arith.index_cast %scan3A_147 : i32 to index
            %get3A_182 = arith.constant 64 : index
            %get3A_183 = tpu.vector_load %arg13[%get3A_181, %get3A_182] {strides = array<i32>} : memref<80x128xf32, #tpu.memory_space<vmem>>, vector<16xf32>,
            %mul3A_184 = arith.mulf %get3A_183, %gather3A : vector<16xf32>
            %swap3A_185 = arith.index_cast %scan3A_147 : i32 to index
            %swap3A_186 = arith.constant 64 : index
            %swap3A_187 = tpu.vector_load %arg13[%swap3A_185, %swap3A_186] {strides = array<i32>} : memref<80x128xf32, #tpu.memory_space<vmem>>, vector<16xf32>,
            tpu.vector_store %arg13[%swap3A_185, %swap3A_186], %mul3A_184 {strides = array<i32>} : memref<80x128xf32, #tpu.memory_space<vmem>>, vector<16xf32>,
            %get3A_188 = arith.index_cast %scan3A_147 : i32 to index
            %get3A_189 = arith.constant 80 : index
            %get3A_190 = tpu.vector_load %arg13[%get3A_188, %get3A_189] {strides = array<i32>} : memref<80x128xf32, #tpu.memory_space<vmem>>, vector<16xf32>,
            %mul3A_191 = arith.mulf %get3A_190, %gather3A : vector<16xf32>
            %swap3A_192 = arith.index_cast %scan3A_147 : i32 to index
            %swap3A_193 = arith.constant 80 : index
            %swap3A_194 = tpu.vector_load %arg13[%swap3A_192, %swap3A_193] {strides = array<i32>} : memref<80x128xf32, #tpu.memory_space<vmem>>, vector<16xf32>,
            tpu.vector_store %arg13[%swap3A_192, %swap3A_193], %mul3A_191 {strides = array<i32>} : memref<80x128xf32, #tpu.memory_space<vmem>>, vector<16xf32>,
            %get3A_195 = arith.index_cast %scan3A_147 : i32 to index
            %get3A_196 = arith.constant 96 : index
            %get3A_197 = tpu.vector_load %arg13[%get3A_195, %get3A_196] {strides = array<i32>} : memref<80x128xf32, #tpu.memory_space<vmem>>, vector<16xf32>,
            %mul3A_198 = arith.mulf %get3A_197, %gather3A : vector<16xf32>
            %swap3A_199 = arith.index_cast %scan3A_147 : i32 to index
            %swap3A_200 = arith.constant 96 : index
            %swap3A_201 = tpu.vector_load %arg13[%swap3A_199, %swap3A_200] {strides = array<i32>} : memref<80x128xf32, #tpu.memory_space<vmem>>, vector<16xf32>,
            tpu.vector_store %arg13[%swap3A_199, %swap3A_200], %mul3A_198 {strides = array<i32>} : memref<80x128xf32, #tpu.memory_space<vmem>>, vector<16xf32>,
            %get3A_202 = arith.index_cast %scan3A_147 : i32 to index
            %get3A_203 = arith.constant 112 : index
            %get3A_204 = tpu.vector_load %arg13[%get3A_202, %get3A_203] {strides = array<i32>} : memref<80x128xf32, #tpu.memory_space<vmem>>, vector<16xf32>,
            %mul3A_205 = arith.mulf %get3A_204, %gather3A : vector<16xf32>
            %swap3A_206 = arith.index_cast %scan3A_147 : i32 to index
            %swap3A_207 = arith.constant 112 : index
            %swap3A_208 = tpu.vector_load %arg13[%swap3A_206, %swap3A_207] {strides = array<i32>} : memref<80x128xf32, #tpu.memory_space<vmem>>, vector<16xf32>,
            tpu.vector_store %arg13[%swap3A_206, %swap3A_207], %mul3A_205 {strides = array<i32>} : memref<80x128xf32, #tpu.memory_space<vmem>>, vector<16xf32>,
            %scan3A_209 = arith.constant 0 : i32
            scf.yield %scan3A_209 : i32
          }
          %scan3A_113 = arith.constant 80 : i32
          %mul3A_114 = arith.constant 80 : i32
          %mul3A_115 = arith.muli %scan3A_60, %mul3A_114 : i32
          %add3A_116 = arith.constant 0 : i32
          %add3A_117 = arith.addi %mul3A_115, %add3A_116 : i32
          %get3A = arith.index_cast %add3A_117 : i32 to index
          %get3A_118 = tpu.vector_load %arg9[%get3A] {strides = array<i32>} : memref<2000xi32, #tpu.memory_space<vmem>>, vector<16xi32>,
          %swap3A = arith.constant 0 : index
          %swap3A_119 = tpu.vector_load %arg11[%swap3A] {strides = array<i32>} : memref<80xi32, #tpu.memory_space<vmem>>, vector<16xi32>,
          tpu.vector_store %arg11[%swap3A], %get3A_118 {strides = array<i32>} : memref<80xi32, #tpu.memory_space<vmem>>, vector<16xi32>,
          %add3A_120 = arith.constant 16 : i32
          %add3A_121 = arith.addi %mul3A_115, %add3A_120 : i32
          %get3A_122 = arith.index_cast %add3A_121 : i32 to index
          %get3A_123 = tpu.vector_load %arg9[%get3A_122] {strides = array<i32>} : memref<2000xi32, #tpu.memory_space<vmem>>, vector<16xi32>,
          %swap3A_124 = arith.constant 16 : index
          %swap3A_125 = tpu.vector_load %arg11[%swap3A_124] {strides = array<i32>} : memref<80xi32, #tpu.memory_space<vmem>>, vector<16xi32>,
          tpu.vector_store %arg11[%swap3A_124], %get3A_123 {strides = array<i32>} : memref<80xi32, #tpu.memory_space<vmem>>, vector<16xi32>,
          %add3A_126 = arith.constant 32 : i32
          %add3A_127 = arith.addi %mul3A_115, %add3A_126 : i32
          %get3A_128 = arith.index_cast %add3A_127 : i32 to index
          %get3A_129 = tpu.vector_load %arg9[%get3A_128] {strides = array<i32>} : memref<2000xi32, #tpu.memory_space<vmem>>, vector<16xi32>,
          %swap3A_130 = arith.constant 32 : index
          %swap3A_131 = tpu.vector_load %arg11[%swap3A_130] {strides = array<i32>} : memref<80xi32, #tpu.memory_space<vmem>>, vector<16xi32>,
          tpu.vector_store %arg11[%swap3A_130], %get3A_129 {strides = array<i32>} : memref<80xi32, #tpu.memory_space<vmem>>, vector<16xi32>,
          %add3A_132 = arith.constant 48 : i32
          %add3A_133 = arith.addi %mul3A_115, %add3A_132 : i32
          %get3A_134 = arith.index_cast %add3A_133 : i32 to index
          %get3A_135 = tpu.vector_load %arg9[%get3A_134] {strides = array<i32>} : memref<2000xi32, #tpu.memory_space<vmem>>, vector<16xi32>,
          %swap3A_136 = arith.constant 48 : index
          %swap3A_137 = tpu.vector_load %arg11[%swap3A_136] {strides = array<i32>} : memref<80xi32, #tpu.memory_space<vmem>>, vector<16xi32>,
          tpu.vector_store %arg11[%swap3A_136], %get3A_135 {strides = array<i32>} : memref<80xi32, #tpu.memory_space<vmem>>, vector<16xi32>,
          %add3A_138 = arith.constant 64 : i32
          %add3A_139 = arith.addi %mul3A_115, %add3A_138 : i32
          %get3A_140 = arith.index_cast %add3A_139 : i32 to index
          %get3A_141 = tpu.vector_load %arg9[%get3A_140] {strides = array<i32>} : memref<2000xi32, #tpu.memory_space<vmem>>, vector<16xi32>,
          %swap3A_142 = arith.constant 64 : index
          %swap3A_143 = tpu.vector_load %arg11[%swap3A_142] {strides = array<i32>} : memref<80xi32, #tpu.memory_space<vmem>>, vector<16xi32>,
          tpu.vector_store %arg11[%swap3A_142], %get3A_141 {strides = array<i32>} : memref<80xi32, #tpu.memory_space<vmem>>, vector<16xi32>,
          %dma_start3A_144 = arith.constant 0 : i32
          %dma_start3A_145 = arith.constant 0 : i32
          %dma_start3A_146 = tpu.memref_slice %arg7[%dma_start3A_144, %dma_start3A_145] : memref<10240x128xf32, #tpu.memory_space<vmem_shared>> -> memref<10240x128xf32, #tpu.memory_space<vmem_shared>>
          tpu.enqueue_indirect_dma source(%arg13 : memref<80x128xf32, #tpu.memory_space<vmem>>) target(%dma_start3A_146 : memref<10240x128xf32, #tpu.memory_space<vmem_shared>>) offsets(%arg11 : memref<80xi32, #tpu.memory_space<vmem>>) semaphore(%arg18 : memref<!tpu.dma_semaphore, #tpu.memory_space<semaphore_mem>>) {add = true}
        } else {
        }
        %jit3A_74 = arith.constant 2 : i32
        %eq3A_75 = arith.constant 0 : i32
        %eq3A_76 = arith.cmpi eq, %jit3A_74, %eq3A_75 : i32
        %jit3A_77 = arith.constant 1 : i32
        %select_n3A_78 = arith.select %eq3A_76, %jit3A_77, %jit3A_74 : i32
        %rem3A_79 = arith.remsi %scan3A_60, %select_n3A_78 : i32
        %ne3A_80 = arith.constant 0 : i32
        %ne3A_81 = arith.cmpi ne, %rem3A_79, %ne3A_80 : i32
        %lt3A_82 = arith.constant 0 : i32
        %lt3A_83 = arith.cmpi slt, %rem3A_79, %lt3A_82 : i32
        %lt3A_84 = arith.constant 0 : i32
        %lt3A_85 = arith.cmpi slt, %select_n3A_78, %lt3A_84 : i32
        %ne3A_86 = arith.xori %lt3A_83, %lt3A_85 : i1
        %and3A_87 = arith.andi %ne3A_86, %ne3A_81 : i1
        %add3A_88 = arith.addi %rem3A_79, %select_n3A_78 : i32
        %select_n3A_89 = arith.select %and3A_87, %add3A_88, %rem3A_79 : i32
        %eq3A_90 = arith.constant 1 : i32
        %eq3A_91 = arith.cmpi eq, %select_n3A_89, %eq3A_90 : i32
        %convert_element_type3A_92 = arith.extui %eq3A_91 : i1 to i32
        %cond3A_93 = arith.constant 0 : i32
        %cond3A_94 = arith.cmpi ne, %convert_element_type3A_92, %cond3A_93 : i32
        scf.if %cond3A_94 {
          %dma_wait3A_96 = arith.constant 0 : i32
          %dma_wait3A_97 = arith.constant 0 : i32
          %dma_wait3A_98 = tpu.memref_slice %arg2[%dma_wait3A_96, %dma_wait3A_97] : memref<90000x128xf32, #tpu.memory_space<hbm>> -> memref<80x128xf32, #tpu.memory_space<hbm>>
          %dma_wait3A_99 = arith.constant 0 : i32
          %dma_wait3A_100 = arith.constant 0 : i32
          %dma_wait3A_101 = tpu.memref_slice %arg2[%dma_wait3A_99, %dma_wait3A_100] : memref<90000x128xf32, #tpu.memory_space<hbm>> -> memref<80x128xf32, #tpu.memory_space<hbm>>
          tpu.wait_dma2 semaphore(%arg17 : memref<!tpu.dma_semaphore, #tpu.memory_space<semaphore_mem>>) src(%dma_wait3A_101 : memref<80x128xf32, #tpu.memory_space<hbm>>) dst(%arg14 : memref<80x128xf32, #tpu.memory_space<vmem>>)
          %lt3A_102 = arith.constant 24 : i32
          %lt3A_103 = arith.cmpi slt, %scan3A_60, %lt3A_102 : i32
          %convert_element_type3A_104 = arith.extui %lt3A_103 : i1 to i32
          %cond3A_105 = arith.constant 0 : i32
          %cond3A_106 = arith.cmpi ne, %convert_element_type3A_104, %cond3A_105 : i32
          scf.if %cond3A_106 {
            %ge3A = arith.constant 1 : i32
            %ge3A_147 = arith.cmpi sge, %scan3A_60, %ge3A : i32
            %convert_element_type3A_148 = arith.extui %ge3A_147 : i1 to i32
            %cond3A_149 = arith.constant 0 : i32
            %cond3A_150 = arith.cmpi ne, %convert_element_type3A_148, %cond3A_149 : i32
            scf.if %cond3A_150 {
              %dma_wait3A_159 = arith.constant 0 : i32
              %dma_wait3A_160 = arith.constant 0 : i32
              %dma_wait3A_161 = tpu.memref_slice %arg6[%dma_wait3A_159, %dma_wait3A_160] : memref<20480x128xf32, #tpu.memory_space<hbm>> -> memref<80x128xf32, #tpu.memory_space<hbm>>
              %dma_wait3A_162 = arith.constant 0 : i32
              %dma_wait3A_163 = arith.constant 0 : i32
              %dma_wait3A_164 = tpu.memref_slice %arg6[%dma_wait3A_162, %dma_wait3A_163] : memref<20480x128xf32, #tpu.memory_space<hbm>> -> memref<80x128xf32, #tpu.memory_space<hbm>>
              tpu.wait_dma2 semaphore(%arg18 : memref<!tpu.dma_semaphore, #tpu.memory_space<semaphore_mem>>) src(%dma_wait3A_164 : memref<80x128xf32, #tpu.memory_space<hbm>>) dst(%arg13 : memref<80x128xf32, #tpu.memory_space<vmem>>)
            } else {
            }
            %add3A_151 = arith.constant 1 : i32
            %add3A_152 = arith.addi %scan3A_60, %add3A_151 : i32
            %mul3A_153 = arith.constant 80 : i32
            %mul3A_154 = arith.muli %add3A_152, %mul3A_153 : i32
            %dma_start3A_155 = tpu.memref_slice %arg8[%mul3A_154] : memref<2000xi32, #tpu.memory_space<vmem>> -> memref<80xi32, #tpu.memory_space<vmem>>
            %dma_start3A_156 = arith.constant 0 : i32
            %dma_start3A_157 = arith.constant 0 : i32
            %dma_start3A_158 = tpu.memref_slice %arg2[%dma_start3A_156, %dma_start3A_157] : memref<90000x128xf32, #tpu.memory_space<hbm>> -> memref<90000x128xf32, #tpu.memory_space<hbm>>
            tpu.enqueue_indirect_dma source(%dma_start3A_158 : memref<90000x128xf32, #tpu.memory_space<hbm>>) target(%arg13 : memref<80x128xf32, #tpu.memory_space<vmem>>) offsets(%dma_start3A_155 : memref<80xi32, #tpu.memory_space<vmem>>) semaphore(%arg16 : memref<!tpu.dma_semaphore, #tpu.memory_space<semaphore_mem>>)
          } else {
          }
          %scan3A_107 = arith.constant 0 : i32
          %scan3A_108 = arith.constant 0 : i32
          %scan3A_109 = arith.constant 80 : i32
          %scan3A_110 = arith.addi %scan3A_108, %scan3A_109 : i32
          %scan3A_111 = arith.constant 1 : i32
          %scan3A_112 = scf.for %scan3A_147 = %scan3A_108 to %scan3A_110 step %scan3A_111 iter_args(%scan3A_148 = %scan3A_107) -> (i32)  : i32 {
            %mul3A_149 = arith.constant 80 : i32
            %mul3A_150 = arith.muli %scan3A_60, %mul3A_149 : i32
            %add3A_151 = arith.addi %mul3A_150, %scan3A_147 : i32
            %broadcast_in_dim3A_152 = vector.broadcast %add3A_151 : i32 to vector<16xi32>
            %gather3A = tpu.vector_load_idx %arg10[%broadcast_in_dim3A_152] : memref<2000xf32, #tpu.memory_space<vmem>>[vector<16xi32>], vector<16xf32>,
            %get3A_153 = arith.index_cast %scan3A_147 : i32 to index
            %get3A_154 = arith.constant 0 : index
            %get3A_155 = tpu.vector_load %arg14[%get3A_153, %get3A_154] {strides = array<i32>} : memref<80x128xf32, #tpu.memory_space<vmem>>, vector<16xf32>,
            %mul3A_156 = arith.mulf %get3A_155, %gather3A : vector<16xf32>
            %swap3A_157 = arith.index_cast %scan3A_147 : i32 to index
            %swap3A_158 = arith.constant 0 : index
            %swap3A_159 = tpu.vector_load %arg14[%swap3A_157, %swap3A_158] {strides = array<i32>} : memref<80x128xf32, #tpu.memory_space<vmem>>, vector<16xf32>,
            tpu.vector_store %arg14[%swap3A_157, %swap3A_158], %mul3A_156 {strides = array<i32>} : memref<80x128xf32, #tpu.memory_space<vmem>>, vector<16xf32>,
            %get3A_160 = arith.index_cast %scan3A_147 : i32 to index
            %get3A_161 = arith.constant 16 : index
            %get3A_162 = tpu.vector_load %arg14[%get3A_160, %get3A_161] {strides = array<i32>} : memref<80x128xf32, #tpu.memory_space<vmem>>, vector<16xf32>,
            %mul3A_163 = arith.mulf %get3A_162, %gather3A : vector<16xf32>
            %swap3A_164 = arith.index_cast %scan3A_147 : i32 to index
            %swap3A_165 = arith.constant 16 : index
            %swap3A_166 = tpu.vector_load %arg14[%swap3A_164, %swap3A_165] {strides = array<i32>} : memref<80x128xf32, #tpu.memory_space<vmem>>, vector<16xf32>,
            tpu.vector_store %arg14[%swap3A_164, %swap3A_165], %mul3A_163 {strides = array<i32>} : memref<80x128xf32, #tpu.memory_space<vmem>>, vector<16xf32>,
            %get3A_167 = arith.index_cast %scan3A_147 : i32 to index
            %get3A_168 = arith.constant 32 : index
            %get3A_169 = tpu.vector_load %arg14[%get3A_167, %get3A_168] {strides = array<i32>} : memref<80x128xf32, #tpu.memory_space<vmem>>, vector<16xf32>,
            %mul3A_170 = arith.mulf %get3A_169, %gather3A : vector<16xf32>
            %swap3A_171 = arith.index_cast %scan3A_147 : i32 to index
            %swap3A_172 = arith.constant 32 : index
            %swap3A_173 = tpu.vector_load %arg14[%swap3A_171, %swap3A_172] {strides = array<i32>} : memref<80x128xf32, #tpu.memory_space<vmem>>, vector<16xf32>,
            tpu.vector_store %arg14[%swap3A_171, %swap3A_172], %mul3A_170 {strides = array<i32>} : memref<80x128xf32, #tpu.memory_space<vmem>>, vector<16xf32>,
            %get3A_174 = arith.index_cast %scan3A_147 : i32 to index
            %get3A_175 = arith.constant 48 : index
            %get3A_176 = tpu.vector_load %arg14[%get3A_174, %get3A_175] {strides = array<i32>} : memref<80x128xf32, #tpu.memory_space<vmem>>, vector<16xf32>,
            %mul3A_177 = arith.mulf %get3A_176, %gather3A : vector<16xf32>
            %swap3A_178 = arith.index_cast %scan3A_147 : i32 to index
            %swap3A_179 = arith.constant 48 : index
            %swap3A_180 = tpu.vector_load %arg14[%swap3A_178, %swap3A_179] {strides = array<i32>} : memref<80x128xf32, #tpu.memory_space<vmem>>, vector<16xf32>,
            tpu.vector_store %arg14[%swap3A_178, %swap3A_179], %mul3A_177 {strides = array<i32>} : memref<80x128xf32, #tpu.memory_space<vmem>>, vector<16xf32>,
            %get3A_181 = arith.index_cast %scan3A_147 : i32 to index
            %get3A_182 = arith.constant 64 : index
            %get3A_183 = tpu.vector_load %arg14[%get3A_181, %get3A_182] {strides = array<i32>} : memref<80x128xf32, #tpu.memory_space<vmem>>, vector<16xf32>,
            %mul3A_184 = arith.mulf %get3A_183, %gather3A : vector<16xf32>
            %swap3A_185 = arith.index_cast %scan3A_147 : i32 to index
            %swap3A_186 = arith.constant 64 : index
            %swap3A_187 = tpu.vector_load %arg14[%swap3A_185, %swap3A_186] {strides = array<i32>} : memref<80x128xf32, #tpu.memory_space<vmem>>, vector<16xf32>,
            tpu.vector_store %arg14[%swap3A_185, %swap3A_186], %mul3A_184 {strides = array<i32>} : memref<80x128xf32, #tpu.memory_space<vmem>>, vector<16xf32>,
            %get3A_188 = arith.index_cast %scan3A_147 : i32 to index
            %get3A_189 = arith.constant 80 : index
            %get3A_190 = tpu.vector_load %arg14[%get3A_188, %get3A_189] {strides = array<i32>} : memref<80x128xf32, #tpu.memory_space<vmem>>, vector<16xf32>,
            %mul3A_191 = arith.mulf %get3A_190, %gather3A : vector<16xf32>
            %swap3A_192 = arith.index_cast %scan3A_147 : i32 to index
            %swap3A_193 = arith.constant 80 : index
            %swap3A_194 = tpu.vector_load %arg14[%swap3A_192, %swap3A_193] {strides = array<i32>} : memref<80x128xf32, #tpu.memory_space<vmem>>, vector<16xf32>,
            tpu.vector_store %arg14[%swap3A_192, %swap3A_193], %mul3A_191 {strides = array<i32>} : memref<80x128xf32, #tpu.memory_space<vmem>>, vector<16xf32>,
            %get3A_195 = arith.index_cast %scan3A_147 : i32 to index
            %get3A_196 = arith.constant 96 : index
            %get3A_197 = tpu.vector_load %arg14[%get3A_195, %get3A_196] {strides = array<i32>} : memref<80x128xf32, #tpu.memory_space<vmem>>, vector<16xf32>,
            %mul3A_198 = arith.mulf %get3A_197, %gather3A : vector<16xf32>
            %swap3A_199 = arith.index_cast %scan3A_147 : i32 to index
            %swap3A_200 = arith.constant 96 : index
            %swap3A_201 = tpu.vector_load %arg14[%swap3A_199, %swap3A_200] {strides = array<i32>} : memref<80x128xf32, #tpu.memory_space<vmem>>, vector<16xf32>,
            tpu.vector_store %arg14[%swap3A_199, %swap3A_200], %mul3A_198 {strides = array<i32>} : memref<80x128xf32, #tpu.memory_space<vmem>>, vector<16xf32>,
            %get3A_202 = arith.index_cast %scan3A_147 : i32 to index
            %get3A_203 = arith.constant 112 : index
            %get3A_204 = tpu.vector_load %arg14[%get3A_202, %get3A_203] {strides = array<i32>} : memref<80x128xf32, #tpu.memory_space<vmem>>, vector<16xf32>,
            %mul3A_205 = arith.mulf %get3A_204, %gather3A : vector<16xf32>
            %swap3A_206 = arith.index_cast %scan3A_147 : i32 to index
            %swap3A_207 = arith.constant 112 : index
            %swap3A_208 = tpu.vector_load %arg14[%swap3A_206, %swap3A_207] {strides = array<i32>} : memref<80x128xf32, #tpu.memory_space<vmem>>, vector<16xf32>,
            tpu.vector_store %arg14[%swap3A_206, %swap3A_207], %mul3A_205 {strides = array<i32>} : memref<80x128xf32, #tpu.memory_space<vmem>>, vector<16xf32>,
            %scan3A_209 = arith.constant 0 : i32
            scf.yield %scan3A_209 : i32
          }
          %scan3A_113 = arith.constant 80 : i32
          %mul3A_114 = arith.constant 80 : i32
          %mul3A_115 = arith.muli %scan3A_60, %mul3A_114 : i32
          %add3A_116 = arith.constant 0 : i32
          %add3A_117 = arith.addi %mul3A_115, %add3A_116 : i32
          %get3A = arith.index_cast %add3A_117 : i32 to index
          %get3A_118 = tpu.vector_load %arg9[%get3A] {strides = array<i32>} : memref<2000xi32, #tpu.memory_space<vmem>>, vector<16xi32>,
          %swap3A = arith.constant 0 : index
          %swap3A_119 = tpu.vector_load %arg12[%swap3A] {strides = array<i32>} : memref<80xi32, #tpu.memory_space<vmem>>, vector<16xi32>,
          tpu.vector_store %arg12[%swap3A], %get3A_118 {strides = array<i32>} : memref<80xi32, #tpu.memory_space<vmem>>, vector<16xi32>,
          %add3A_120 = arith.constant 16 : i32
          %add3A_121 = arith.addi %mul3A_115, %add3A_120 : i32
          %get3A_122 = arith.index_cast %add3A_121 : i32 to index
          %get3A_123 = tpu.vector_load %arg9[%get3A_122] {strides = array<i32>} : memref<2000xi32, #tpu.memory_space<vmem>>, vector<16xi32>,
          %swap3A_124 = arith.constant 16 : index
          %swap3A_125 = tpu.vector_load %arg12[%swap3A_124] {strides = array<i32>} : memref<80xi32, #tpu.memory_space<vmem>>, vector<16xi32>,
          tpu.vector_store %arg12[%swap3A_124], %get3A_123 {strides = array<i32>} : memref<80xi32, #tpu.memory_space<vmem>>, vector<16xi32>,
          %add3A_126 = arith.constant 32 : i32
          %add3A_127 = arith.addi %mul3A_115, %add3A_126 : i32
          %get3A_128 = arith.index_cast %add3A_127 : i32 to index
          %get3A_129 = tpu.vector_load %arg9[%get3A_128] {strides = array<i32>} : memref<2000xi32, #tpu.memory_space<vmem>>, vector<16xi32>,
          %swap3A_130 = arith.constant 32 : index
          %swap3A_131 = tpu.vector_load %arg12[%swap3A_130] {strides = array<i32>} : memref<80xi32, #tpu.memory_space<vmem>>, vector<16xi32>,
          tpu.vector_store %arg12[%swap3A_130], %get3A_129 {strides = array<i32>} : memref<80xi32, #tpu.memory_space<vmem>>, vector<16xi32>,
          %add3A_132 = arith.constant 48 : i32
          %add3A_133 = arith.addi %mul3A_115, %add3A_132 : i32
          %get3A_134 = arith.index_cast %add3A_133 : i32 to index
          %get3A_135 = tpu.vector_load %arg9[%get3A_134] {strides = array<i32>} : memref<2000xi32, #tpu.memory_space<vmem>>, vector<16xi32>,
          %swap3A_136 = arith.constant 48 : index
          %swap3A_137 = tpu.vector_load %arg12[%swap3A_136] {strides = array<i32>} : memref<80xi32, #tpu.memory_space<vmem>>, vector<16xi32>,
          tpu.vector_store %arg12[%swap3A_136], %get3A_135 {strides = array<i32>} : memref<80xi32, #tpu.memory_space<vmem>>, vector<16xi32>,
          %add3A_138 = arith.constant 64 : i32
          %add3A_139 = arith.addi %mul3A_115, %add3A_138 : i32
          %get3A_140 = arith.index_cast %add3A_139 : i32 to index
          %get3A_141 = tpu.vector_load %arg9[%get3A_140] {strides = array<i32>} : memref<2000xi32, #tpu.memory_space<vmem>>, vector<16xi32>,
          %swap3A_142 = arith.constant 64 : index
          %swap3A_143 = tpu.vector_load %arg12[%swap3A_142] {strides = array<i32>} : memref<80xi32, #tpu.memory_space<vmem>>, vector<16xi32>,
          tpu.vector_store %arg12[%swap3A_142], %get3A_141 {strides = array<i32>} : memref<80xi32, #tpu.memory_space<vmem>>, vector<16xi32>,
          %dma_start3A_144 = arith.constant 0 : i32
          %dma_start3A_145 = arith.constant 0 : i32
          %dma_start3A_146 = tpu.memref_slice %arg7[%dma_start3A_144, %dma_start3A_145] : memref<10240x128xf32, #tpu.memory_space<vmem_shared>> -> memref<10240x128xf32, #tpu.memory_space<vmem_shared>>
          tpu.enqueue_indirect_dma source(%arg14 : memref<80x128xf32, #tpu.memory_space<vmem>>) target(%dma_start3A_146 : memref<10240x128xf32, #tpu.memory_space<vmem_shared>>) offsets(%arg12 : memref<80xi32, #tpu.memory_space<vmem>>) semaphore(%arg19 : memref<!tpu.dma_semaphore, #tpu.memory_space<semaphore_mem>>) {add = true}
        } else {
        }
        %scan3A_95 = arith.constant 0 : i32
        scf.yield %scan3A_95 : i32
      }
      %scan3A_47 = arith.constant 25 : i32
      %dma_wait3A = arith.constant 0 : i32
      %dma_wait3A_48 = arith.constant 0 : i32
      %dma_wait3A_49 = tpu.memref_slice %arg6[%dma_wait3A, %dma_wait3A_48] : memref<20480x128xf32, #tpu.memory_space<hbm>> -> memref<80x128xf32, #tpu.memory_space<hbm>>
      %dma_wait3A_50 = arith.constant 0 : i32
      %dma_wait3A_51 = arith.constant 0 : i32
      %dma_wait3A_52 = tpu.memref_slice %arg6[%dma_wait3A_50, %dma_wait3A_51] : memref<20480x128xf32, #tpu.memory_space<hbm>> -> memref<80x128xf32, #tpu.memory_space<hbm>>
      tpu.wait_dma2 semaphore(%arg18 : memref<!tpu.dma_semaphore, #tpu.memory_space<semaphore_mem>>) src(%dma_wait3A_52 : memref<80x128xf32, #tpu.memory_space<hbm>>) dst(%arg13 : memref<80x128xf32, #tpu.memory_space<vmem>>)
      %dma_wait3A_53 = arith.constant 0 : i32
      %dma_wait3A_54 = arith.constant 0 : i32
      %dma_wait3A_55 = tpu.memref_slice %arg6[%dma_wait3A_53, %dma_wait3A_54] : memref<20480x128xf32, #tpu.memory_space<hbm>> -> memref<80x128xf32, #tpu.memory_space<hbm>>
      %dma_wait3A_56 = arith.constant 0 : i32
      %dma_wait3A_57 = arith.constant 0 : i32
      %dma_wait3A_58 = tpu.memref_slice %arg6[%dma_wait3A_56, %dma_wait3A_57] : memref<20480x128xf32, #tpu.memory_space<hbm>> -> memref<80x128xf32, #tpu.memory_space<hbm>>
      tpu.wait_dma2 semaphore(%arg19 : memref<!tpu.dma_semaphore, #tpu.memory_space<semaphore_mem>>) src(%dma_wait3A_58 : memref<80x128xf32, #tpu.memory_space<hbm>>) dst(%arg14 : memref<80x128xf32, #tpu.memory_space<vmem>>)
      %scan3A_59 = arith.constant 0 : i32
      scf.yield %scan3A_59 : i32
    }
    %scan3A_21 = arith.constant 5 : i32
    %barrier3A_22 = arith.constant 0 : index
    tpu.barrier barrier_id(%barrier3A_22)
    %scan3A_23 = arith.constant 0 : i32
    %scan3A_24 = arith.constant 0 : i32
    %scan3A_25 = arith.constant 5 : i32
    %scan3A_26 = arith.addi %scan3A_24, %scan3A_25 : i32
    %scan3A_27 = arith.constant 1 : i32
    %scan3A_28 = scf.for %scan3A_30 = %scan3A_24 to %scan3A_26 step %scan3A_27 iter_args(%scan3A_31 = %scan3A_23) -> (i32)  : i32 {
      %mul3A_32 = arith.constant 640 : i32
      %mul3A_33 = arith.muli %arg1, %mul3A_32 : i32
      %mul3A_34 = arith.constant 128 : i32
      %mul3A_35 = arith.muli %scan3A_30, %mul3A_34 : i32
      %add3A_36 = arith.addi %mul3A_33, %mul3A_35 : i32
      "tpu.region"() ({
        %run_scoped3A = tpu.sem_alloc : memref<!tpu.dma_semaphore, #tpu.memory_space<semaphore_mem>>
        %dma_start3A = arith.constant 0 : i32
        %dma_start3A_46 = tpu.memref_slice %arg7[%add3A_36, %dma_start3A] : memref<10240x128xf32, #tpu.memory_space<vmem_shared>> -> memref<128x128xf32, #tpu.memory_space<vmem_shared>>
        %dma_start3A_47 = arith.constant 0 : i32
        %dma_start3A_48 = tpu.memref_slice %arg7[%add3A_36, %dma_start3A_47] : memref<10240x128xf32, #tpu.memory_space<vmem_shared>> -> memref<128x128xf32, #tpu.memory_space<vmem_shared>>
        tpu.enqueue_dma source(%dma_start3A_48 : memref<128x128xf32, #tpu.memory_space<vmem_shared>>) target(%arg15 : memref<128x128xf32, #tpu.memory_space<vmem>>) target_semaphore(%run_scoped3A : memref<!tpu.dma_semaphore, #tpu.memory_space<semaphore_mem>>)
        %dma_wait3A = arith.constant 0 : i32
        %dma_wait3A_49 = tpu.memref_slice %arg7[%add3A_36, %dma_wait3A] : memref<10240x128xf32, #tpu.memory_space<vmem_shared>> -> memref<128x128xf32, #tpu.memory_space<vmem_shared>>
        %dma_wait3A_50 = arith.constant 0 : i32
        %dma_wait3A_51 = tpu.memref_slice %arg7[%add3A_36, %dma_wait3A_50] : memref<10240x128xf32, #tpu.memory_space<vmem_shared>> -> memref<128x128xf32, #tpu.memory_space<vmem_shared>>
        tpu.wait_dma2 semaphore(%run_scoped3A : memref<!tpu.dma_semaphore, #tpu.memory_space<semaphore_mem>>) src(%dma_wait3A_51 : memref<128x128xf32, #tpu.memory_space<vmem_shared>>) dst(%arg15 : memref<128x128xf32, #tpu.memory_space<vmem>>)
        tpu.yield
      }) : () -> ()
      %mul3A_37 = arith.constant 10240 : i32
      %mul3A_38 = arith.muli %arg0, %mul3A_37 : i32
      %mul3A_39 = arith.constant 640 : i32
      %mul3A_40 = arith.muli %arg1, %mul3A_39 : i32
      %add3A_41 = arith.addi %mul3A_38, %mul3A_40 : i32
      %mul3A_42 = arith.constant 128 : i32
      %mul3A_43 = arith.muli %scan3A_30, %mul3A_42 : i32
      %add3A_44 = arith.addi %add3A_41, %mul3A_43 : i32
      "tpu.region"() ({
        %run_scoped3A = tpu.sem_alloc : memref<!tpu.dma_semaphore, #tpu.memory_space<semaphore_mem>>
        %dma_start3A = arith.constant 0 : i32
        %dma_start3A_46 = tpu.memref_slice %arg6[%add3A_44, %dma_start3A] : memref<20480x128xf32, #tpu.memory_space<hbm>> -> memref<128x128xf32, #tpu.memory_space<hbm>>
        %dma_start3A_47 = arith.constant 0 : i32
        %dma_start3A_48 = tpu.memref_slice %arg6[%add3A_44, %dma_start3A_47] : memref<20480x128xf32, #tpu.memory_space<hbm>> -> memref<128x128xf32, #tpu.memory_space<hbm>>
        tpu.enqueue_dma source(%arg15 : memref<128x128xf32, #tpu.memory_space<vmem>>) target(%dma_start3A_48 : memref<128x128xf32, #tpu.memory_space<hbm>>) target_semaphore(%run_scoped3A : memref<!tpu.dma_semaphore, #tpu.memory_space<semaphore_mem>>)
        %dma_wait3A = arith.constant 0 : i32
        %dma_wait3A_49 = tpu.memref_slice %arg6[%add3A_44, %dma_wait3A] : memref<20480x128xf32, #tpu.memory_space<hbm>> -> memref<128x128xf32, #tpu.memory_space<hbm>>
        %dma_wait3A_50 = arith.constant 0 : i32
        %dma_wait3A_51 = tpu.memref_slice %arg6[%add3A_44, %dma_wait3A_50] : memref<20480x128xf32, #tpu.memory_space<hbm>> -> memref<128x128xf32, #tpu.memory_space<hbm>>
        tpu.wait_dma2 semaphore(%run_scoped3A : memref<!tpu.dma_semaphore, #tpu.memory_space<semaphore_mem>>) src(%arg15 : memref<128x128xf32, #tpu.memory_space<vmem>>) dst(%dma_wait3A_51 : memref<128x128xf32, #tpu.memory_space<hbm>>)
        tpu.yield
      }) : () -> ()
      %scan3A_45 = arith.constant 0 : i32
      scf.yield %scan3A_45 : i32
    }
    %scan3A_29 = arith.constant 5 : i32
    return
  }
}

#map = affine_map<(d0, d1) -> (0, 0)>
#map1 = affine_map<(d0, d1) -> (0)>
module attributes {stable_mosaic.version = 14 : i64} {
  func.func @_sc_scatter(%arg0: i32, %arg1: i32, %arg2: memref<10000x128xf32, #tpu.memory_space<hbm>>, %arg3: memref<320000xi32, #tpu.memory_space<hbm>>, %arg4: memref<320000xi32, #tpu.memory_space<hbm>>, %arg5: memref<320000xf32, #tpu.memory_space<hbm>>, %arg6: memref<20480x128xf32, #tpu.memory_space<hbm>>, %arg7: memref<10240x128xf32, #tpu.memory_space<vmem_shared>>, %arg8: memref<2000xi32, #tpu.memory_space<vmem>>, %arg9: memref<2000xi32, #tpu.memory_space<vmem>>, %arg10: memref<2000xf32, #tpu.memory_space<vmem>>, %arg11: memref<80xi32, #tpu.memory_space<vmem>>, %arg12: memref<80xi32, #tpu.memory_space<vmem>>, %arg13: memref<80x128xf32, #tpu.memory_space<vmem>>, %arg14: memref<80x128xf32, #tpu.memory_space<vmem>>, %arg15: memref<128x128xf32, #tpu.memory_space<vmem>>, %arg16: memref<!tpu.dma_semaphore, #tpu.memory_space<semaphore_mem>>, %arg17: memref<!tpu.dma_semaphore, #tpu.memory_space<semaphore_mem>>, %arg18: memref<!tpu.dma_semaphore, #tpu.memory_space<semaphore_mem>>, %arg19: memref<!tpu.dma_semaphore, #tpu.memory_space<semaphore_mem>>) attributes {dimension_semantics = [#tpu.dimension_semantics<core_parallel>, #tpu.dimension_semantics<subcore_parallel>], iteration_bounds = array<i64: 2, 16>, scalar_prefetch = 0 : i64, scratch_operands = 13 : i64, tpu.core_type = #tpu.core_type<sc_vector_subcore>, window_params = [{transform_indices = #map}, {transform_indices = #map1}, {transform_indices = #map1}, {transform_indices = #map1}, {transform_indices = #map}]} {
    %mul3A = arith.constant 2 : i32
    %mul3A_0 = arith.muli %arg1, %mul3A : i32
    %add3A = arith.addi %mul3A_0, %arg0 : i32
    %broadcast_in_dim3A = arith.constant 0.000000e+00 : f32
    %broadcast_in_dim3A_1 = vector.broadcast %broadcast_in_dim3A : f32 to vector<16xf32>
    %scan3A = arith.constant 0 : i32
    %scan3A_2 = arith.constant 0 : i32
    %scan3A_3 = arith.constant 128 : i32
    %scan3A_4 = arith.addi %scan3A_2, %scan3A_3 : i32
    %scan3A_5 = arith.constant 1 : i32
    %scan3A_6 = scf.for %scan3A_30 = %scan3A_2 to %scan3A_4 step %scan3A_5 iter_args(%scan3A_31 = %scan3A) -> (i32)  : i32 {
      %swap3A = arith.index_cast %scan3A_30 : i32 to index
      %swap3A_32 = arith.constant 0 : index
      %swap3A_33 = tpu.vector_load %arg15[%swap3A, %swap3A_32] {strides = array<i32>} : memref<128x128xf32, #tpu.memory_space<vmem>>, vector<16xf32>,
      tpu.vector_store %arg15[%swap3A, %swap3A_32], %broadcast_in_dim3A_1 {strides = array<i32>} : memref<128x128xf32, #tpu.memory_space<vmem>>, vector<16xf32>,
      %swap3A_34 = arith.index_cast %scan3A_30 : i32 to index
      %swap3A_35 = arith.constant 16 : index
      %swap3A_36 = tpu.vector_load %arg15[%swap3A_34, %swap3A_35] {strides = array<i32>} : memref<128x128xf32, #tpu.memory_space<vmem>>, vector<16xf32>,
      tpu.vector_store %arg15[%swap3A_34, %swap3A_35], %broadcast_in_dim3A_1 {strides = array<i32>} : memref<128x128xf32, #tpu.memory_space<vmem>>, vector<16xf32>,
      %swap3A_37 = arith.index_cast %scan3A_30 : i32 to index
      %swap3A_38 = arith.constant 32 : index
      %swap3A_39 = tpu.vector_load %arg15[%swap3A_37, %swap3A_38] {strides = array<i32>} : memref<128x128xf32, #tpu.memory_space<vmem>>, vector<16xf32>,
      tpu.vector_store %arg15[%swap3A_37, %swap3A_38], %broadcast_in_dim3A_1 {strides = array<i32>} : memref<128x128xf32, #tpu.memory_space<vmem>>, vector<16xf32>,
      %swap3A_40 = arith.index_cast %scan3A_30 : i32 to index
      %swap3A_41 = arith.constant 48 : index
      %swap3A_42 = tpu.vector_load %arg15[%swap3A_40, %swap3A_41] {strides = array<i32>} : memref<128x128xf32, #tpu.memory_space<vmem>>, vector<16xf32>,
      tpu.vector_store %arg15[%swap3A_40, %swap3A_41], %broadcast_in_dim3A_1 {strides = array<i32>} : memref<128x128xf32, #tpu.memory_space<vmem>>, vector<16xf32>,
      %swap3A_43 = arith.index_cast %scan3A_30 : i32 to index
      %swap3A_44 = arith.constant 64 : index
      %swap3A_45 = tpu.vector_load %arg15[%swap3A_43, %swap3A_44] {strides = array<i32>} : memref<128x128xf32, #tpu.memory_space<vmem>>, vector<16xf32>,
      tpu.vector_store %arg15[%swap3A_43, %swap3A_44], %broadcast_in_dim3A_1 {strides = array<i32>} : memref<128x128xf32, #tpu.memory_space<vmem>>, vector<16xf32>,
      %swap3A_46 = arith.index_cast %scan3A_30 : i32 to index
      %swap3A_47 = arith.constant 80 : index
      %swap3A_48 = tpu.vector_load %arg15[%swap3A_46, %swap3A_47] {strides = array<i32>} : memref<128x128xf32, #tpu.memory_space<vmem>>, vector<16xf32>,
      tpu.vector_store %arg15[%swap3A_46, %swap3A_47], %broadcast_in_dim3A_1 {strides = array<i32>} : memref<128x128xf32, #tpu.memory_space<vmem>>, vector<16xf32>,
      %swap3A_49 = arith.index_cast %scan3A_30 : i32 to index
      %swap3A_50 = arith.constant 96 : index
      %swap3A_51 = tpu.vector_load %arg15[%swap3A_49, %swap3A_50] {strides = array<i32>} : memref<128x128xf32, #tpu.memory_space<vmem>>, vector<16xf32>,
      tpu.vector_store %arg15[%swap3A_49, %swap3A_50], %broadcast_in_dim3A_1 {strides = array<i32>} : memref<128x128xf32, #tpu.memory_space<vmem>>, vector<16xf32>,
      %swap3A_52 = arith.index_cast %scan3A_30 : i32 to index
      %swap3A_53 = arith.constant 112 : index
      %swap3A_54 = tpu.vector_load %arg15[%swap3A_52, %swap3A_53] {strides = array<i32>} : memref<128x128xf32, #tpu.memory_space<vmem>>, vector<16xf32>,
      tpu.vector_store %arg15[%swap3A_52, %swap3A_53], %broadcast_in_dim3A_1 {strides = array<i32>} : memref<128x128xf32, #tpu.memory_space<vmem>>, vector<16xf32>,
      %scan3A_55 = arith.constant 0 : i32
      scf.yield %scan3A_55 : i32
    }
    %scan3A_7 = arith.constant 128 : i32
    %scan3A_8 = arith.constant 0 : i32
    %scan3A_9 = arith.constant 0 : i32
    %scan3A_10 = arith.constant 5 : i32
    %scan3A_11 = arith.addi %scan3A_9, %scan3A_10 : i32
    %scan3A_12 = arith.constant 1 : i32
    %scan3A_13 = scf.for %scan3A_30 = %scan3A_9 to %scan3A_11 step %scan3A_12 iter_args(%scan3A_31 = %scan3A_8) -> (i32)  : i32 {
      %mul3A_32 = arith.constant 640 : i32
      %mul3A_33 = arith.muli %arg1, %mul3A_32 : i32
      %mul3A_34 = arith.constant 128 : i32
      %mul3A_35 = arith.muli %scan3A_30, %mul3A_34 : i32
      %add3A_36 = arith.addi %mul3A_33, %mul3A_35 : i32
      "tpu.region"() ({
        %run_scoped3A = tpu.sem_alloc : memref<!tpu.dma_semaphore, #tpu.memory_space<semaphore_mem>>
        %dma_start3A = arith.constant 0 : i32
        %dma_start3A_38 = tpu.memref_slice %arg7[%add3A_36, %dma_start3A] : memref<10240x128xf32, #tpu.memory_space<vmem_shared>> -> memref<128x128xf32, #tpu.memory_space<vmem_shared>>
        %dma_start3A_39 = arith.constant 0 : i32
        %dma_start3A_40 = tpu.memref_slice %arg7[%add3A_36, %dma_start3A_39] : memref<10240x128xf32, #tpu.memory_space<vmem_shared>> -> memref<128x128xf32, #tpu.memory_space<vmem_shared>>
        tpu.enqueue_dma source(%arg15 : memref<128x128xf32, #tpu.memory_space<vmem>>) target(%dma_start3A_40 : memref<128x128xf32, #tpu.memory_space<vmem_shared>>) target_semaphore(%run_scoped3A : memref<!tpu.dma_semaphore, #tpu.memory_space<semaphore_mem>>)
        %dma_wait3A = arith.constant 0 : i32
        %dma_wait3A_41 = tpu.memref_slice %arg7[%add3A_36, %dma_wait3A] : memref<10240x128xf32, #tpu.memory_space<vmem_shared>> -> memref<128x128xf32, #tpu.memory_space<vmem_shared>>
        %dma_wait3A_42 = arith.constant 0 : i32
        %dma_wait3A_43 = tpu.memref_slice %arg7[%add3A_36, %dma_wait3A_42] : memref<10240x128xf32, #tpu.memory_space<vmem_shared>> -> memref<128x128xf32, #tpu.memory_space<vmem_shared>>
        tpu.wait_dma2 semaphore(%run_scoped3A : memref<!tpu.dma_semaphore, #tpu.memory_space<semaphore_mem>>) src(%arg15 : memref<128x128xf32, #tpu.memory_space<vmem>>) dst(%dma_wait3A_43 : memref<128x128xf32, #tpu.memory_space<vmem_shared>>)
        tpu.yield
      }) : () -> ()
      %scan3A_37 = arith.constant 0 : i32
      scf.yield %scan3A_37 : i32
    }
    %scan3A_14 = arith.constant 5 : i32
    %barrier3A = arith.constant 0 : index
    tpu.barrier barrier_id(%barrier3A)
    %scan3A_15 = arith.constant 0 : i32
    %scan3A_16 = arith.constant 0 : i32
    %scan3A_17 = arith.constant 5 : i32
    %scan3A_18 = arith.addi %scan3A_16, %scan3A_17 : i32
    %scan3A_19 = arith.constant 1 : i32
    %scan3A_20 = scf.for %scan3A_30 = %scan3A_16 to %scan3A_18 step %scan3A_19 iter_args(%scan3A_31 = %scan3A_15) -> (i32)  : i32 {
      %mul3A_32 = arith.constant 10000 : i32
      %mul3A_33 = arith.muli %add3A, %mul3A_32 : i32
      %mul3A_34 = arith.constant 2000 : i32
      %mul3A_35 = arith.muli %scan3A_30, %mul3A_34 : i32
      %add3A_36 = arith.addi %mul3A_33, %mul3A_35 : i32
      "tpu.region"() ({
        %run_scoped3A = tpu.sem_alloc : memref<!tpu.dma_semaphore, #tpu.memory_space<semaphore_mem>>
        %dma_start3A_60 = tpu.memref_slice %arg3[%add3A_36] : memref<320000xi32, #tpu.memory_space<hbm>> -> memref<2000xi32, #tpu.memory_space<hbm>>
        %dma_start3A_61 = tpu.memref_slice %arg3[%add3A_36] : memref<320000xi32, #tpu.memory_space<hbm>> -> memref<2000xi32, #tpu.memory_space<hbm>>
        tpu.enqueue_dma source(%dma_start3A_61 : memref<2000xi32, #tpu.memory_space<hbm>>) target(%arg8 : memref<2000xi32, #tpu.memory_space<vmem>>) target_semaphore(%run_scoped3A : memref<!tpu.dma_semaphore, #tpu.memory_space<semaphore_mem>>)
        %dma_wait3A_62 = tpu.memref_slice %arg3[%add3A_36] : memref<320000xi32, #tpu.memory_space<hbm>> -> memref<2000xi32, #tpu.memory_space<hbm>>
        %dma_wait3A_63 = tpu.memref_slice %arg3[%add3A_36] : memref<320000xi32, #tpu.memory_space<hbm>> -> memref<2000xi32, #tpu.memory_space<hbm>>
        tpu.wait_dma2 semaphore(%run_scoped3A : memref<!tpu.dma_semaphore, #tpu.memory_space<semaphore_mem>>) src(%dma_wait3A_63 : memref<2000xi32, #tpu.memory_space<hbm>>) dst(%arg8 : memref<2000xi32, #tpu.memory_space<vmem>>)
        tpu.yield
      }) : () -> ()
      "tpu.region"() ({
        %run_scoped3A = tpu.sem_alloc : memref<!tpu.dma_semaphore, #tpu.memory_space<semaphore_mem>>
        %dma_start3A_60 = tpu.memref_slice %arg4[%add3A_36] : memref<320000xi32, #tpu.memory_space<hbm>> -> memref<2000xi32, #tpu.memory_space<hbm>>
        %dma_start3A_61 = tpu.memref_slice %arg4[%add3A_36] : memref<320000xi32, #tpu.memory_space<hbm>> -> memref<2000xi32, #tpu.memory_space<hbm>>
        tpu.enqueue_dma source(%dma_start3A_61 : memref<2000xi32, #tpu.memory_space<hbm>>) target(%arg9 : memref<2000xi32, #tpu.memory_space<vmem>>) target_semaphore(%run_scoped3A : memref<!tpu.dma_semaphore, #tpu.memory_space<semaphore_mem>>)
        %dma_wait3A_62 = tpu.memref_slice %arg4[%add3A_36] : memref<320000xi32, #tpu.memory_space<hbm>> -> memref<2000xi32, #tpu.memory_space<hbm>>
        %dma_wait3A_63 = tpu.memref_slice %arg4[%add3A_36] : memref<320000xi32, #tpu.memory_space<hbm>> -> memref<2000xi32, #tpu.memory_space<hbm>>
        tpu.wait_dma2 semaphore(%run_scoped3A : memref<!tpu.dma_semaphore, #tpu.memory_space<semaphore_mem>>) src(%dma_wait3A_63 : memref<2000xi32, #tpu.memory_space<hbm>>) dst(%arg9 : memref<2000xi32, #tpu.memory_space<vmem>>)
        tpu.yield
      }) : () -> ()
      "tpu.region"() ({
        %run_scoped3A = tpu.sem_alloc : memref<!tpu.dma_semaphore, #tpu.memory_space<semaphore_mem>>
        %dma_start3A_60 = tpu.memref_slice %arg5[%add3A_36] : memref<320000xf32, #tpu.memory_space<hbm>> -> memref<2000xf32, #tpu.memory_space<hbm>>
        %dma_start3A_61 = tpu.memref_slice %arg5[%add3A_36] : memref<320000xf32, #tpu.memory_space<hbm>> -> memref<2000xf32, #tpu.memory_space<hbm>>
        tpu.enqueue_dma source(%dma_start3A_61 : memref<2000xf32, #tpu.memory_space<hbm>>) target(%arg10 : memref<2000xf32, #tpu.memory_space<vmem>>) target_semaphore(%run_scoped3A : memref<!tpu.dma_semaphore, #tpu.memory_space<semaphore_mem>>)
        %dma_wait3A_62 = tpu.memref_slice %arg5[%add3A_36] : memref<320000xf32, #tpu.memory_space<hbm>> -> memref<2000xf32, #tpu.memory_space<hbm>>
        %dma_wait3A_63 = tpu.memref_slice %arg5[%add3A_36] : memref<320000xf32, #tpu.memory_space<hbm>> -> memref<2000xf32, #tpu.memory_space<hbm>>
        tpu.wait_dma2 semaphore(%run_scoped3A : memref<!tpu.dma_semaphore, #tpu.memory_space<semaphore_mem>>) src(%dma_wait3A_63 : memref<2000xf32, #tpu.memory_space<hbm>>) dst(%arg10 : memref<2000xf32, #tpu.memory_space<vmem>>)
        tpu.yield
      }) : () -> ()
      %dma_start3A = arith.constant 0 : i32
      %dma_start3A_37 = tpu.memref_slice %arg8[%dma_start3A] : memref<2000xi32, #tpu.memory_space<vmem>> -> memref<80xi32, #tpu.memory_space<vmem>>
      %dma_start3A_38 = arith.constant 0 : i32
      %dma_start3A_39 = arith.constant 0 : i32
      %dma_start3A_40 = tpu.memref_slice %arg2[%dma_start3A_38, %dma_start3A_39] : memref<10000x128xf32, #tpu.memory_space<hbm>> -> memref<10000x128xf32, #tpu.memory_space<hbm>>
      tpu.enqueue_indirect_dma source(%dma_start3A_40 : memref<10000x128xf32, #tpu.memory_space<hbm>>) target(%arg13 : memref<80x128xf32, #tpu.memory_space<vmem>>) offsets(%dma_start3A_37 : memref<80xi32, #tpu.memory_space<vmem>>) semaphore(%arg16 : memref<!tpu.dma_semaphore, #tpu.memory_space<semaphore_mem>>)
      %scan3A_41 = arith.constant 0 : i32
      %scan3A_42 = arith.constant 0 : i32
      %scan3A_43 = arith.constant 25 : i32
      %scan3A_44 = arith.addi %scan3A_42, %scan3A_43 : i32
      %scan3A_45 = arith.constant 1 : i32
      %scan3A_46 = scf.for %scan3A_60 = %scan3A_42 to %scan3A_44 step %scan3A_45 iter_args(%scan3A_61 = %scan3A_41) -> (i32)  : i32 {
        %jit3A = arith.constant 2 : i32
        %eq3A = arith.constant 0 : i32
        %eq3A_62 = arith.cmpi eq, %jit3A, %eq3A : i32
        %jit3A_63 = arith.constant 1 : i32
        %select_n3A = arith.select %eq3A_62, %jit3A_63, %jit3A : i32
        %rem3A = arith.remsi %scan3A_60, %select_n3A : i32
        %ne3A = arith.constant 0 : i32
        %ne3A_64 = arith.cmpi ne, %rem3A, %ne3A : i32
        %lt3A = arith.constant 0 : i32
        %lt3A_65 = arith.cmpi slt, %rem3A, %lt3A : i32
        %lt3A_66 = arith.constant 0 : i32
        %lt3A_67 = arith.cmpi slt, %select_n3A, %lt3A_66 : i32
        %ne3A_68 = arith.xori %lt3A_65, %lt3A_67 : i1
        %and3A = arith.andi %ne3A_68, %ne3A_64 : i1
        %add3A_69 = arith.addi %rem3A, %select_n3A : i32
        %select_n3A_70 = arith.select %and3A, %add3A_69, %rem3A : i32
        %eq3A_71 = arith.constant 0 : i32
        %eq3A_72 = arith.cmpi eq, %select_n3A_70, %eq3A_71 : i32
        %convert_element_type3A = arith.extui %eq3A_72 : i1 to i32
        %cond3A = arith.constant 0 : i32
        %cond3A_73 = arith.cmpi ne, %convert_element_type3A, %cond3A : i32
        scf.if %cond3A_73 {
          %dma_wait3A_96 = arith.constant 0 : i32
          %dma_wait3A_97 = arith.constant 0 : i32
          %dma_wait3A_98 = tpu.memref_slice %arg2[%dma_wait3A_96, %dma_wait3A_97] : memref<10000x128xf32, #tpu.memory_space<hbm>> -> memref<80x128xf32, #tpu.memory_space<hbm>>
          %dma_wait3A_99 = arith.constant 0 : i32
          %dma_wait3A_100 = arith.constant 0 : i32
          %dma_wait3A_101 = tpu.memref_slice %arg2[%dma_wait3A_99, %dma_wait3A_100] : memref<10000x128xf32, #tpu.memory_space<hbm>> -> memref<80x128xf32, #tpu.memory_space<hbm>>
          tpu.wait_dma2 semaphore(%arg16 : memref<!tpu.dma_semaphore, #tpu.memory_space<semaphore_mem>>) src(%dma_wait3A_101 : memref<80x128xf32, #tpu.memory_space<hbm>>) dst(%arg13 : memref<80x128xf32, #tpu.memory_space<vmem>>)
          %lt3A_102 = arith.constant 24 : i32
          %lt3A_103 = arith.cmpi slt, %scan3A_60, %lt3A_102 : i32
          %convert_element_type3A_104 = arith.extui %lt3A_103 : i1 to i32
          %cond3A_105 = arith.constant 0 : i32
          %cond3A_106 = arith.cmpi ne, %convert_element_type3A_104, %cond3A_105 : i32
          scf.if %cond3A_106 {
            %ge3A = arith.constant 1 : i32
            %ge3A_147 = arith.cmpi sge, %scan3A_60, %ge3A : i32
            %convert_element_type3A_148 = arith.extui %ge3A_147 : i1 to i32
            %cond3A_149 = arith.constant 0 : i32
            %cond3A_150 = arith.cmpi ne, %convert_element_type3A_148, %cond3A_149 : i32
            scf.if %cond3A_150 {
              %dma_wait3A_159 = arith.constant 0 : i32
              %dma_wait3A_160 = arith.constant 0 : i32
              %dma_wait3A_161 = tpu.memref_slice %arg6[%dma_wait3A_159, %dma_wait3A_160] : memref<20480x128xf32, #tpu.memory_space<hbm>> -> memref<80x128xf32, #tpu.memory_space<hbm>>
              %dma_wait3A_162 = arith.constant 0 : i32
              %dma_wait3A_163 = arith.constant 0 : i32
              %dma_wait3A_164 = tpu.memref_slice %arg6[%dma_wait3A_162, %dma_wait3A_163] : memref<20480x128xf32, #tpu.memory_space<hbm>> -> memref<80x128xf32, #tpu.memory_space<hbm>>
              tpu.wait_dma2 semaphore(%arg19 : memref<!tpu.dma_semaphore, #tpu.memory_space<semaphore_mem>>) src(%dma_wait3A_164 : memref<80x128xf32, #tpu.memory_space<hbm>>) dst(%arg14 : memref<80x128xf32, #tpu.memory_space<vmem>>)
            } else {
            }
            %add3A_151 = arith.constant 1 : i32
            %add3A_152 = arith.addi %scan3A_60, %add3A_151 : i32
            %mul3A_153 = arith.constant 80 : i32
            %mul3A_154 = arith.muli %add3A_152, %mul3A_153 : i32
            %dma_start3A_155 = tpu.memref_slice %arg8[%mul3A_154] : memref<2000xi32, #tpu.memory_space<vmem>> -> memref<80xi32, #tpu.memory_space<vmem>>
            %dma_start3A_156 = arith.constant 0 : i32
            %dma_start3A_157 = arith.constant 0 : i32
            %dma_start3A_158 = tpu.memref_slice %arg2[%dma_start3A_156, %dma_start3A_157] : memref<10000x128xf32, #tpu.memory_space<hbm>> -> memref<10000x128xf32, #tpu.memory_space<hbm>>
            tpu.enqueue_indirect_dma source(%dma_start3A_158 : memref<10000x128xf32, #tpu.memory_space<hbm>>) target(%arg14 : memref<80x128xf32, #tpu.memory_space<vmem>>) offsets(%dma_start3A_155 : memref<80xi32, #tpu.memory_space<vmem>>) semaphore(%arg17 : memref<!tpu.dma_semaphore, #tpu.memory_space<semaphore_mem>>)
          } else {
          }
          %scan3A_107 = arith.constant 0 : i32
          %scan3A_108 = arith.constant 0 : i32
          %scan3A_109 = arith.constant 80 : i32
          %scan3A_110 = arith.addi %scan3A_108, %scan3A_109 : i32
          %scan3A_111 = arith.constant 1 : i32
          %scan3A_112 = scf.for %scan3A_147 = %scan3A_108 to %scan3A_110 step %scan3A_111 iter_args(%scan3A_148 = %scan3A_107) -> (i32)  : i32 {
            %mul3A_149 = arith.constant 80 : i32
            %mul3A_150 = arith.muli %scan3A_60, %mul3A_149 : i32
            %add3A_151 = arith.addi %mul3A_150, %scan3A_147 : i32
            %broadcast_in_dim3A_152 = vector.broadcast %add3A_151 : i32 to vector<16xi32>
            %gather3A = tpu.vector_load_idx %arg10[%broadcast_in_dim3A_152] : memref<2000xf32, #tpu.memory_space<vmem>>[vector<16xi32>], vector<16xf32>,
            %get3A_153 = arith.index_cast %scan3A_147 : i32 to index
            %get3A_154 = arith.constant 0 : index
            %get3A_155 = tpu.vector_load %arg13[%get3A_153, %get3A_154] {strides = array<i32>} : memref<80x128xf32, #tpu.memory_space<vmem>>, vector<16xf32>,
            %mul3A_156 = arith.mulf %get3A_155, %gather3A : vector<16xf32>
            %swap3A_157 = arith.index_cast %scan3A_147 : i32 to index
            %swap3A_158 = arith.constant 0 : index
            %swap3A_159 = tpu.vector_load %arg13[%swap3A_157, %swap3A_158] {strides = array<i32>} : memref<80x128xf32, #tpu.memory_space<vmem>>, vector<16xf32>,
            tpu.vector_store %arg13[%swap3A_157, %swap3A_158], %mul3A_156 {strides = array<i32>} : memref<80x128xf32, #tpu.memory_space<vmem>>, vector<16xf32>,
            %get3A_160 = arith.index_cast %scan3A_147 : i32 to index
            %get3A_161 = arith.constant 16 : index
            %get3A_162 = tpu.vector_load %arg13[%get3A_160, %get3A_161] {strides = array<i32>} : memref<80x128xf32, #tpu.memory_space<vmem>>, vector<16xf32>,
            %mul3A_163 = arith.mulf %get3A_162, %gather3A : vector<16xf32>
            %swap3A_164 = arith.index_cast %scan3A_147 : i32 to index
            %swap3A_165 = arith.constant 16 : index
            %swap3A_166 = tpu.vector_load %arg13[%swap3A_164, %swap3A_165] {strides = array<i32>} : memref<80x128xf32, #tpu.memory_space<vmem>>, vector<16xf32>,
            tpu.vector_store %arg13[%swap3A_164, %swap3A_165], %mul3A_163 {strides = array<i32>} : memref<80x128xf32, #tpu.memory_space<vmem>>, vector<16xf32>,
            %get3A_167 = arith.index_cast %scan3A_147 : i32 to index
            %get3A_168 = arith.constant 32 : index
            %get3A_169 = tpu.vector_load %arg13[%get3A_167, %get3A_168] {strides = array<i32>} : memref<80x128xf32, #tpu.memory_space<vmem>>, vector<16xf32>,
            %mul3A_170 = arith.mulf %get3A_169, %gather3A : vector<16xf32>
            %swap3A_171 = arith.index_cast %scan3A_147 : i32 to index
            %swap3A_172 = arith.constant 32 : index
            %swap3A_173 = tpu.vector_load %arg13[%swap3A_171, %swap3A_172] {strides = array<i32>} : memref<80x128xf32, #tpu.memory_space<vmem>>, vector<16xf32>,
            tpu.vector_store %arg13[%swap3A_171, %swap3A_172], %mul3A_170 {strides = array<i32>} : memref<80x128xf32, #tpu.memory_space<vmem>>, vector<16xf32>,
            %get3A_174 = arith.index_cast %scan3A_147 : i32 to index
            %get3A_175 = arith.constant 48 : index
            %get3A_176 = tpu.vector_load %arg13[%get3A_174, %get3A_175] {strides = array<i32>} : memref<80x128xf32, #tpu.memory_space<vmem>>, vector<16xf32>,
            %mul3A_177 = arith.mulf %get3A_176, %gather3A : vector<16xf32>
            %swap3A_178 = arith.index_cast %scan3A_147 : i32 to index
            %swap3A_179 = arith.constant 48 : index
            %swap3A_180 = tpu.vector_load %arg13[%swap3A_178, %swap3A_179] {strides = array<i32>} : memref<80x128xf32, #tpu.memory_space<vmem>>, vector<16xf32>,
            tpu.vector_store %arg13[%swap3A_178, %swap3A_179], %mul3A_177 {strides = array<i32>} : memref<80x128xf32, #tpu.memory_space<vmem>>, vector<16xf32>,
            %get3A_181 = arith.index_cast %scan3A_147 : i32 to index
            %get3A_182 = arith.constant 64 : index
            %get3A_183 = tpu.vector_load %arg13[%get3A_181, %get3A_182] {strides = array<i32>} : memref<80x128xf32, #tpu.memory_space<vmem>>, vector<16xf32>,
            %mul3A_184 = arith.mulf %get3A_183, %gather3A : vector<16xf32>
            %swap3A_185 = arith.index_cast %scan3A_147 : i32 to index
            %swap3A_186 = arith.constant 64 : index
            %swap3A_187 = tpu.vector_load %arg13[%swap3A_185, %swap3A_186] {strides = array<i32>} : memref<80x128xf32, #tpu.memory_space<vmem>>, vector<16xf32>,
            tpu.vector_store %arg13[%swap3A_185, %swap3A_186], %mul3A_184 {strides = array<i32>} : memref<80x128xf32, #tpu.memory_space<vmem>>, vector<16xf32>,
            %get3A_188 = arith.index_cast %scan3A_147 : i32 to index
            %get3A_189 = arith.constant 80 : index
            %get3A_190 = tpu.vector_load %arg13[%get3A_188, %get3A_189] {strides = array<i32>} : memref<80x128xf32, #tpu.memory_space<vmem>>, vector<16xf32>,
            %mul3A_191 = arith.mulf %get3A_190, %gather3A : vector<16xf32>
            %swap3A_192 = arith.index_cast %scan3A_147 : i32 to index
            %swap3A_193 = arith.constant 80 : index
            %swap3A_194 = tpu.vector_load %arg13[%swap3A_192, %swap3A_193] {strides = array<i32>} : memref<80x128xf32, #tpu.memory_space<vmem>>, vector<16xf32>,
            tpu.vector_store %arg13[%swap3A_192, %swap3A_193], %mul3A_191 {strides = array<i32>} : memref<80x128xf32, #tpu.memory_space<vmem>>, vector<16xf32>,
            %get3A_195 = arith.index_cast %scan3A_147 : i32 to index
            %get3A_196 = arith.constant 96 : index
            %get3A_197 = tpu.vector_load %arg13[%get3A_195, %get3A_196] {strides = array<i32>} : memref<80x128xf32, #tpu.memory_space<vmem>>, vector<16xf32>,
            %mul3A_198 = arith.mulf %get3A_197, %gather3A : vector<16xf32>
            %swap3A_199 = arith.index_cast %scan3A_147 : i32 to index
            %swap3A_200 = arith.constant 96 : index
            %swap3A_201 = tpu.vector_load %arg13[%swap3A_199, %swap3A_200] {strides = array<i32>} : memref<80x128xf32, #tpu.memory_space<vmem>>, vector<16xf32>,
            tpu.vector_store %arg13[%swap3A_199, %swap3A_200], %mul3A_198 {strides = array<i32>} : memref<80x128xf32, #tpu.memory_space<vmem>>, vector<16xf32>,
            %get3A_202 = arith.index_cast %scan3A_147 : i32 to index
            %get3A_203 = arith.constant 112 : index
            %get3A_204 = tpu.vector_load %arg13[%get3A_202, %get3A_203] {strides = array<i32>} : memref<80x128xf32, #tpu.memory_space<vmem>>, vector<16xf32>,
            %mul3A_205 = arith.mulf %get3A_204, %gather3A : vector<16xf32>
            %swap3A_206 = arith.index_cast %scan3A_147 : i32 to index
            %swap3A_207 = arith.constant 112 : index
            %swap3A_208 = tpu.vector_load %arg13[%swap3A_206, %swap3A_207] {strides = array<i32>} : memref<80x128xf32, #tpu.memory_space<vmem>>, vector<16xf32>,
            tpu.vector_store %arg13[%swap3A_206, %swap3A_207], %mul3A_205 {strides = array<i32>} : memref<80x128xf32, #tpu.memory_space<vmem>>, vector<16xf32>,
            %scan3A_209 = arith.constant 0 : i32
            scf.yield %scan3A_209 : i32
          }
          %scan3A_113 = arith.constant 80 : i32
          %mul3A_114 = arith.constant 80 : i32
          %mul3A_115 = arith.muli %scan3A_60, %mul3A_114 : i32
          %add3A_116 = arith.constant 0 : i32
          %add3A_117 = arith.addi %mul3A_115, %add3A_116 : i32
          %get3A = arith.index_cast %add3A_117 : i32 to index
          %get3A_118 = tpu.vector_load %arg9[%get3A] {strides = array<i32>} : memref<2000xi32, #tpu.memory_space<vmem>>, vector<16xi32>,
          %swap3A = arith.constant 0 : index
          %swap3A_119 = tpu.vector_load %arg11[%swap3A] {strides = array<i32>} : memref<80xi32, #tpu.memory_space<vmem>>, vector<16xi32>,
          tpu.vector_store %arg11[%swap3A], %get3A_118 {strides = array<i32>} : memref<80xi32, #tpu.memory_space<vmem>>, vector<16xi32>,
          %add3A_120 = arith.constant 16 : i32
          %add3A_121 = arith.addi %mul3A_115, %add3A_120 : i32
          %get3A_122 = arith.index_cast %add3A_121 : i32 to index
          %get3A_123 = tpu.vector_load %arg9[%get3A_122] {strides = array<i32>} : memref<2000xi32, #tpu.memory_space<vmem>>, vector<16xi32>,
          %swap3A_124 = arith.constant 16 : index
          %swap3A_125 = tpu.vector_load %arg11[%swap3A_124] {strides = array<i32>} : memref<80xi32, #tpu.memory_space<vmem>>, vector<16xi32>,
          tpu.vector_store %arg11[%swap3A_124], %get3A_123 {strides = array<i32>} : memref<80xi32, #tpu.memory_space<vmem>>, vector<16xi32>,
          %add3A_126 = arith.constant 32 : i32
          %add3A_127 = arith.addi %mul3A_115, %add3A_126 : i32
          %get3A_128 = arith.index_cast %add3A_127 : i32 to index
          %get3A_129 = tpu.vector_load %arg9[%get3A_128] {strides = array<i32>} : memref<2000xi32, #tpu.memory_space<vmem>>, vector<16xi32>,
          %swap3A_130 = arith.constant 32 : index
          %swap3A_131 = tpu.vector_load %arg11[%swap3A_130] {strides = array<i32>} : memref<80xi32, #tpu.memory_space<vmem>>, vector<16xi32>,
          tpu.vector_store %arg11[%swap3A_130], %get3A_129 {strides = array<i32>} : memref<80xi32, #tpu.memory_space<vmem>>, vector<16xi32>,
          %add3A_132 = arith.constant 48 : i32
          %add3A_133 = arith.addi %mul3A_115, %add3A_132 : i32
          %get3A_134 = arith.index_cast %add3A_133 : i32 to index
          %get3A_135 = tpu.vector_load %arg9[%get3A_134] {strides = array<i32>} : memref<2000xi32, #tpu.memory_space<vmem>>, vector<16xi32>,
          %swap3A_136 = arith.constant 48 : index
          %swap3A_137 = tpu.vector_load %arg11[%swap3A_136] {strides = array<i32>} : memref<80xi32, #tpu.memory_space<vmem>>, vector<16xi32>,
          tpu.vector_store %arg11[%swap3A_136], %get3A_135 {strides = array<i32>} : memref<80xi32, #tpu.memory_space<vmem>>, vector<16xi32>,
          %add3A_138 = arith.constant 64 : i32
          %add3A_139 = arith.addi %mul3A_115, %add3A_138 : i32
          %get3A_140 = arith.index_cast %add3A_139 : i32 to index
          %get3A_141 = tpu.vector_load %arg9[%get3A_140] {strides = array<i32>} : memref<2000xi32, #tpu.memory_space<vmem>>, vector<16xi32>,
          %swap3A_142 = arith.constant 64 : index
          %swap3A_143 = tpu.vector_load %arg11[%swap3A_142] {strides = array<i32>} : memref<80xi32, #tpu.memory_space<vmem>>, vector<16xi32>,
          tpu.vector_store %arg11[%swap3A_142], %get3A_141 {strides = array<i32>} : memref<80xi32, #tpu.memory_space<vmem>>, vector<16xi32>,
          %dma_start3A_144 = arith.constant 0 : i32
          %dma_start3A_145 = arith.constant 0 : i32
          %dma_start3A_146 = tpu.memref_slice %arg7[%dma_start3A_144, %dma_start3A_145] : memref<10240x128xf32, #tpu.memory_space<vmem_shared>> -> memref<10240x128xf32, #tpu.memory_space<vmem_shared>>
          tpu.enqueue_indirect_dma source(%arg13 : memref<80x128xf32, #tpu.memory_space<vmem>>) target(%dma_start3A_146 : memref<10240x128xf32, #tpu.memory_space<vmem_shared>>) offsets(%arg11 : memref<80xi32, #tpu.memory_space<vmem>>) semaphore(%arg18 : memref<!tpu.dma_semaphore, #tpu.memory_space<semaphore_mem>>) {add = true}
        } else {
        }
        %jit3A_74 = arith.constant 2 : i32
        %eq3A_75 = arith.constant 0 : i32
        %eq3A_76 = arith.cmpi eq, %jit3A_74, %eq3A_75 : i32
        %jit3A_77 = arith.constant 1 : i32
        %select_n3A_78 = arith.select %eq3A_76, %jit3A_77, %jit3A_74 : i32
        %rem3A_79 = arith.remsi %scan3A_60, %select_n3A_78 : i32
        %ne3A_80 = arith.constant 0 : i32
        %ne3A_81 = arith.cmpi ne, %rem3A_79, %ne3A_80 : i32
        %lt3A_82 = arith.constant 0 : i32
        %lt3A_83 = arith.cmpi slt, %rem3A_79, %lt3A_82 : i32
        %lt3A_84 = arith.constant 0 : i32
        %lt3A_85 = arith.cmpi slt, %select_n3A_78, %lt3A_84 : i32
        %ne3A_86 = arith.xori %lt3A_83, %lt3A_85 : i1
        %and3A_87 = arith.andi %ne3A_86, %ne3A_81 : i1
        %add3A_88 = arith.addi %rem3A_79, %select_n3A_78 : i32
        %select_n3A_89 = arith.select %and3A_87, %add3A_88, %rem3A_79 : i32
        %eq3A_90 = arith.constant 1 : i32
        %eq3A_91 = arith.cmpi eq, %select_n3A_89, %eq3A_90 : i32
        %convert_element_type3A_92 = arith.extui %eq3A_91 : i1 to i32
        %cond3A_93 = arith.constant 0 : i32
        %cond3A_94 = arith.cmpi ne, %convert_element_type3A_92, %cond3A_93 : i32
        scf.if %cond3A_94 {
          %dma_wait3A_96 = arith.constant 0 : i32
          %dma_wait3A_97 = arith.constant 0 : i32
          %dma_wait3A_98 = tpu.memref_slice %arg2[%dma_wait3A_96, %dma_wait3A_97] : memref<10000x128xf32, #tpu.memory_space<hbm>> -> memref<80x128xf32, #tpu.memory_space<hbm>>
          %dma_wait3A_99 = arith.constant 0 : i32
          %dma_wait3A_100 = arith.constant 0 : i32
          %dma_wait3A_101 = tpu.memref_slice %arg2[%dma_wait3A_99, %dma_wait3A_100] : memref<10000x128xf32, #tpu.memory_space<hbm>> -> memref<80x128xf32, #tpu.memory_space<hbm>>
          tpu.wait_dma2 semaphore(%arg17 : memref<!tpu.dma_semaphore, #tpu.memory_space<semaphore_mem>>) src(%dma_wait3A_101 : memref<80x128xf32, #tpu.memory_space<hbm>>) dst(%arg14 : memref<80x128xf32, #tpu.memory_space<vmem>>)
          %lt3A_102 = arith.constant 24 : i32
          %lt3A_103 = arith.cmpi slt, %scan3A_60, %lt3A_102 : i32
          %convert_element_type3A_104 = arith.extui %lt3A_103 : i1 to i32
          %cond3A_105 = arith.constant 0 : i32
          %cond3A_106 = arith.cmpi ne, %convert_element_type3A_104, %cond3A_105 : i32
          scf.if %cond3A_106 {
            %ge3A = arith.constant 1 : i32
            %ge3A_147 = arith.cmpi sge, %scan3A_60, %ge3A : i32
            %convert_element_type3A_148 = arith.extui %ge3A_147 : i1 to i32
            %cond3A_149 = arith.constant 0 : i32
            %cond3A_150 = arith.cmpi ne, %convert_element_type3A_148, %cond3A_149 : i32
            scf.if %cond3A_150 {
              %dma_wait3A_159 = arith.constant 0 : i32
              %dma_wait3A_160 = arith.constant 0 : i32
              %dma_wait3A_161 = tpu.memref_slice %arg6[%dma_wait3A_159, %dma_wait3A_160] : memref<20480x128xf32, #tpu.memory_space<hbm>> -> memref<80x128xf32, #tpu.memory_space<hbm>>
              %dma_wait3A_162 = arith.constant 0 : i32
              %dma_wait3A_163 = arith.constant 0 : i32
              %dma_wait3A_164 = tpu.memref_slice %arg6[%dma_wait3A_162, %dma_wait3A_163] : memref<20480x128xf32, #tpu.memory_space<hbm>> -> memref<80x128xf32, #tpu.memory_space<hbm>>
              tpu.wait_dma2 semaphore(%arg18 : memref<!tpu.dma_semaphore, #tpu.memory_space<semaphore_mem>>) src(%dma_wait3A_164 : memref<80x128xf32, #tpu.memory_space<hbm>>) dst(%arg13 : memref<80x128xf32, #tpu.memory_space<vmem>>)
            } else {
            }
            %add3A_151 = arith.constant 1 : i32
            %add3A_152 = arith.addi %scan3A_60, %add3A_151 : i32
            %mul3A_153 = arith.constant 80 : i32
            %mul3A_154 = arith.muli %add3A_152, %mul3A_153 : i32
            %dma_start3A_155 = tpu.memref_slice %arg8[%mul3A_154] : memref<2000xi32, #tpu.memory_space<vmem>> -> memref<80xi32, #tpu.memory_space<vmem>>
            %dma_start3A_156 = arith.constant 0 : i32
            %dma_start3A_157 = arith.constant 0 : i32
            %dma_start3A_158 = tpu.memref_slice %arg2[%dma_start3A_156, %dma_start3A_157] : memref<10000x128xf32, #tpu.memory_space<hbm>> -> memref<10000x128xf32, #tpu.memory_space<hbm>>
            tpu.enqueue_indirect_dma source(%dma_start3A_158 : memref<10000x128xf32, #tpu.memory_space<hbm>>) target(%arg13 : memref<80x128xf32, #tpu.memory_space<vmem>>) offsets(%dma_start3A_155 : memref<80xi32, #tpu.memory_space<vmem>>) semaphore(%arg16 : memref<!tpu.dma_semaphore, #tpu.memory_space<semaphore_mem>>)
          } else {
          }
          %scan3A_107 = arith.constant 0 : i32
          %scan3A_108 = arith.constant 0 : i32
          %scan3A_109 = arith.constant 80 : i32
          %scan3A_110 = arith.addi %scan3A_108, %scan3A_109 : i32
          %scan3A_111 = arith.constant 1 : i32
          %scan3A_112 = scf.for %scan3A_147 = %scan3A_108 to %scan3A_110 step %scan3A_111 iter_args(%scan3A_148 = %scan3A_107) -> (i32)  : i32 {
            %mul3A_149 = arith.constant 80 : i32
            %mul3A_150 = arith.muli %scan3A_60, %mul3A_149 : i32
            %add3A_151 = arith.addi %mul3A_150, %scan3A_147 : i32
            %broadcast_in_dim3A_152 = vector.broadcast %add3A_151 : i32 to vector<16xi32>
            %gather3A = tpu.vector_load_idx %arg10[%broadcast_in_dim3A_152] : memref<2000xf32, #tpu.memory_space<vmem>>[vector<16xi32>], vector<16xf32>,
            %get3A_153 = arith.index_cast %scan3A_147 : i32 to index
            %get3A_154 = arith.constant 0 : index
            %get3A_155 = tpu.vector_load %arg14[%get3A_153, %get3A_154] {strides = array<i32>} : memref<80x128xf32, #tpu.memory_space<vmem>>, vector<16xf32>,
            %mul3A_156 = arith.mulf %get3A_155, %gather3A : vector<16xf32>
            %swap3A_157 = arith.index_cast %scan3A_147 : i32 to index
            %swap3A_158 = arith.constant 0 : index
            %swap3A_159 = tpu.vector_load %arg14[%swap3A_157, %swap3A_158] {strides = array<i32>} : memref<80x128xf32, #tpu.memory_space<vmem>>, vector<16xf32>,
            tpu.vector_store %arg14[%swap3A_157, %swap3A_158], %mul3A_156 {strides = array<i32>} : memref<80x128xf32, #tpu.memory_space<vmem>>, vector<16xf32>,
            %get3A_160 = arith.index_cast %scan3A_147 : i32 to index
            %get3A_161 = arith.constant 16 : index
            %get3A_162 = tpu.vector_load %arg14[%get3A_160, %get3A_161] {strides = array<i32>} : memref<80x128xf32, #tpu.memory_space<vmem>>, vector<16xf32>,
            %mul3A_163 = arith.mulf %get3A_162, %gather3A : vector<16xf32>
            %swap3A_164 = arith.index_cast %scan3A_147 : i32 to index
            %swap3A_165 = arith.constant 16 : index
            %swap3A_166 = tpu.vector_load %arg14[%swap3A_164, %swap3A_165] {strides = array<i32>} : memref<80x128xf32, #tpu.memory_space<vmem>>, vector<16xf32>,
            tpu.vector_store %arg14[%swap3A_164, %swap3A_165], %mul3A_163 {strides = array<i32>} : memref<80x128xf32, #tpu.memory_space<vmem>>, vector<16xf32>,
            %get3A_167 = arith.index_cast %scan3A_147 : i32 to index
            %get3A_168 = arith.constant 32 : index
            %get3A_169 = tpu.vector_load %arg14[%get3A_167, %get3A_168] {strides = array<i32>} : memref<80x128xf32, #tpu.memory_space<vmem>>, vector<16xf32>,
            %mul3A_170 = arith.mulf %get3A_169, %gather3A : vector<16xf32>
            %swap3A_171 = arith.index_cast %scan3A_147 : i32 to index
            %swap3A_172 = arith.constant 32 : index
            %swap3A_173 = tpu.vector_load %arg14[%swap3A_171, %swap3A_172] {strides = array<i32>} : memref<80x128xf32, #tpu.memory_space<vmem>>, vector<16xf32>,
            tpu.vector_store %arg14[%swap3A_171, %swap3A_172], %mul3A_170 {strides = array<i32>} : memref<80x128xf32, #tpu.memory_space<vmem>>, vector<16xf32>,
            %get3A_174 = arith.index_cast %scan3A_147 : i32 to index
            %get3A_175 = arith.constant 48 : index
            %get3A_176 = tpu.vector_load %arg14[%get3A_174, %get3A_175] {strides = array<i32>} : memref<80x128xf32, #tpu.memory_space<vmem>>, vector<16xf32>,
            %mul3A_177 = arith.mulf %get3A_176, %gather3A : vector<16xf32>
            %swap3A_178 = arith.index_cast %scan3A_147 : i32 to index
            %swap3A_179 = arith.constant 48 : index
            %swap3A_180 = tpu.vector_load %arg14[%swap3A_178, %swap3A_179] {strides = array<i32>} : memref<80x128xf32, #tpu.memory_space<vmem>>, vector<16xf32>,
            tpu.vector_store %arg14[%swap3A_178, %swap3A_179], %mul3A_177 {strides = array<i32>} : memref<80x128xf32, #tpu.memory_space<vmem>>, vector<16xf32>,
            %get3A_181 = arith.index_cast %scan3A_147 : i32 to index
            %get3A_182 = arith.constant 64 : index
            %get3A_183 = tpu.vector_load %arg14[%get3A_181, %get3A_182] {strides = array<i32>} : memref<80x128xf32, #tpu.memory_space<vmem>>, vector<16xf32>,
            %mul3A_184 = arith.mulf %get3A_183, %gather3A : vector<16xf32>
            %swap3A_185 = arith.index_cast %scan3A_147 : i32 to index
            %swap3A_186 = arith.constant 64 : index
            %swap3A_187 = tpu.vector_load %arg14[%swap3A_185, %swap3A_186] {strides = array<i32>} : memref<80x128xf32, #tpu.memory_space<vmem>>, vector<16xf32>,
            tpu.vector_store %arg14[%swap3A_185, %swap3A_186], %mul3A_184 {strides = array<i32>} : memref<80x128xf32, #tpu.memory_space<vmem>>, vector<16xf32>,
            %get3A_188 = arith.index_cast %scan3A_147 : i32 to index
            %get3A_189 = arith.constant 80 : index
            %get3A_190 = tpu.vector_load %arg14[%get3A_188, %get3A_189] {strides = array<i32>} : memref<80x128xf32, #tpu.memory_space<vmem>>, vector<16xf32>,
            %mul3A_191 = arith.mulf %get3A_190, %gather3A : vector<16xf32>
            %swap3A_192 = arith.index_cast %scan3A_147 : i32 to index
            %swap3A_193 = arith.constant 80 : index
            %swap3A_194 = tpu.vector_load %arg14[%swap3A_192, %swap3A_193] {strides = array<i32>} : memref<80x128xf32, #tpu.memory_space<vmem>>, vector<16xf32>,
            tpu.vector_store %arg14[%swap3A_192, %swap3A_193], %mul3A_191 {strides = array<i32>} : memref<80x128xf32, #tpu.memory_space<vmem>>, vector<16xf32>,
            %get3A_195 = arith.index_cast %scan3A_147 : i32 to index
            %get3A_196 = arith.constant 96 : index
            %get3A_197 = tpu.vector_load %arg14[%get3A_195, %get3A_196] {strides = array<i32>} : memref<80x128xf32, #tpu.memory_space<vmem>>, vector<16xf32>,
            %mul3A_198 = arith.mulf %get3A_197, %gather3A : vector<16xf32>
            %swap3A_199 = arith.index_cast %scan3A_147 : i32 to index
            %swap3A_200 = arith.constant 96 : index
            %swap3A_201 = tpu.vector_load %arg14[%swap3A_199, %swap3A_200] {strides = array<i32>} : memref<80x128xf32, #tpu.memory_space<vmem>>, vector<16xf32>,
            tpu.vector_store %arg14[%swap3A_199, %swap3A_200], %mul3A_198 {strides = array<i32>} : memref<80x128xf32, #tpu.memory_space<vmem>>, vector<16xf32>,
            %get3A_202 = arith.index_cast %scan3A_147 : i32 to index
            %get3A_203 = arith.constant 112 : index
            %get3A_204 = tpu.vector_load %arg14[%get3A_202, %get3A_203] {strides = array<i32>} : memref<80x128xf32, #tpu.memory_space<vmem>>, vector<16xf32>,
            %mul3A_205 = arith.mulf %get3A_204, %gather3A : vector<16xf32>
            %swap3A_206 = arith.index_cast %scan3A_147 : i32 to index
            %swap3A_207 = arith.constant 112 : index
            %swap3A_208 = tpu.vector_load %arg14[%swap3A_206, %swap3A_207] {strides = array<i32>} : memref<80x128xf32, #tpu.memory_space<vmem>>, vector<16xf32>,
            tpu.vector_store %arg14[%swap3A_206, %swap3A_207], %mul3A_205 {strides = array<i32>} : memref<80x128xf32, #tpu.memory_space<vmem>>, vector<16xf32>,
            %scan3A_209 = arith.constant 0 : i32
            scf.yield %scan3A_209 : i32
          }
          %scan3A_113 = arith.constant 80 : i32
          %mul3A_114 = arith.constant 80 : i32
          %mul3A_115 = arith.muli %scan3A_60, %mul3A_114 : i32
          %add3A_116 = arith.constant 0 : i32
          %add3A_117 = arith.addi %mul3A_115, %add3A_116 : i32
          %get3A = arith.index_cast %add3A_117 : i32 to index
          %get3A_118 = tpu.vector_load %arg9[%get3A] {strides = array<i32>} : memref<2000xi32, #tpu.memory_space<vmem>>, vector<16xi32>,
          %swap3A = arith.constant 0 : index
          %swap3A_119 = tpu.vector_load %arg12[%swap3A] {strides = array<i32>} : memref<80xi32, #tpu.memory_space<vmem>>, vector<16xi32>,
          tpu.vector_store %arg12[%swap3A], %get3A_118 {strides = array<i32>} : memref<80xi32, #tpu.memory_space<vmem>>, vector<16xi32>,
          %add3A_120 = arith.constant 16 : i32
          %add3A_121 = arith.addi %mul3A_115, %add3A_120 : i32
          %get3A_122 = arith.index_cast %add3A_121 : i32 to index
          %get3A_123 = tpu.vector_load %arg9[%get3A_122] {strides = array<i32>} : memref<2000xi32, #tpu.memory_space<vmem>>, vector<16xi32>,
          %swap3A_124 = arith.constant 16 : index
          %swap3A_125 = tpu.vector_load %arg12[%swap3A_124] {strides = array<i32>} : memref<80xi32, #tpu.memory_space<vmem>>, vector<16xi32>,
          tpu.vector_store %arg12[%swap3A_124], %get3A_123 {strides = array<i32>} : memref<80xi32, #tpu.memory_space<vmem>>, vector<16xi32>,
          %add3A_126 = arith.constant 32 : i32
          %add3A_127 = arith.addi %mul3A_115, %add3A_126 : i32
          %get3A_128 = arith.index_cast %add3A_127 : i32 to index
          %get3A_129 = tpu.vector_load %arg9[%get3A_128] {strides = array<i32>} : memref<2000xi32, #tpu.memory_space<vmem>>, vector<16xi32>,
          %swap3A_130 = arith.constant 32 : index
          %swap3A_131 = tpu.vector_load %arg12[%swap3A_130] {strides = array<i32>} : memref<80xi32, #tpu.memory_space<vmem>>, vector<16xi32>,
          tpu.vector_store %arg12[%swap3A_130], %get3A_129 {strides = array<i32>} : memref<80xi32, #tpu.memory_space<vmem>>, vector<16xi32>,
          %add3A_132 = arith.constant 48 : i32
          %add3A_133 = arith.addi %mul3A_115, %add3A_132 : i32
          %get3A_134 = arith.index_cast %add3A_133 : i32 to index
          %get3A_135 = tpu.vector_load %arg9[%get3A_134] {strides = array<i32>} : memref<2000xi32, #tpu.memory_space<vmem>>, vector<16xi32>,
          %swap3A_136 = arith.constant 48 : index
          %swap3A_137 = tpu.vector_load %arg12[%swap3A_136] {strides = array<i32>} : memref<80xi32, #tpu.memory_space<vmem>>, vector<16xi32>,
          tpu.vector_store %arg12[%swap3A_136], %get3A_135 {strides = array<i32>} : memref<80xi32, #tpu.memory_space<vmem>>, vector<16xi32>,
          %add3A_138 = arith.constant 64 : i32
          %add3A_139 = arith.addi %mul3A_115, %add3A_138 : i32
          %get3A_140 = arith.index_cast %add3A_139 : i32 to index
          %get3A_141 = tpu.vector_load %arg9[%get3A_140] {strides = array<i32>} : memref<2000xi32, #tpu.memory_space<vmem>>, vector<16xi32>,
          %swap3A_142 = arith.constant 64 : index
          %swap3A_143 = tpu.vector_load %arg12[%swap3A_142] {strides = array<i32>} : memref<80xi32, #tpu.memory_space<vmem>>, vector<16xi32>,
          tpu.vector_store %arg12[%swap3A_142], %get3A_141 {strides = array<i32>} : memref<80xi32, #tpu.memory_space<vmem>>, vector<16xi32>,
          %dma_start3A_144 = arith.constant 0 : i32
          %dma_start3A_145 = arith.constant 0 : i32
          %dma_start3A_146 = tpu.memref_slice %arg7[%dma_start3A_144, %dma_start3A_145] : memref<10240x128xf32, #tpu.memory_space<vmem_shared>> -> memref<10240x128xf32, #tpu.memory_space<vmem_shared>>
          tpu.enqueue_indirect_dma source(%arg14 : memref<80x128xf32, #tpu.memory_space<vmem>>) target(%dma_start3A_146 : memref<10240x128xf32, #tpu.memory_space<vmem_shared>>) offsets(%arg12 : memref<80xi32, #tpu.memory_space<vmem>>) semaphore(%arg19 : memref<!tpu.dma_semaphore, #tpu.memory_space<semaphore_mem>>) {add = true}
        } else {
        }
        %scan3A_95 = arith.constant 0 : i32
        scf.yield %scan3A_95 : i32
      }
      %scan3A_47 = arith.constant 25 : i32
      %dma_wait3A = arith.constant 0 : i32
      %dma_wait3A_48 = arith.constant 0 : i32
      %dma_wait3A_49 = tpu.memref_slice %arg6[%dma_wait3A, %dma_wait3A_48] : memref<20480x128xf32, #tpu.memory_space<hbm>> -> memref<80x128xf32, #tpu.memory_space<hbm>>
      %dma_wait3A_50 = arith.constant 0 : i32
      %dma_wait3A_51 = arith.constant 0 : i32
      %dma_wait3A_52 = tpu.memref_slice %arg6[%dma_wait3A_50, %dma_wait3A_51] : memref<20480x128xf32, #tpu.memory_space<hbm>> -> memref<80x128xf32, #tpu.memory_space<hbm>>
      tpu.wait_dma2 semaphore(%arg18 : memref<!tpu.dma_semaphore, #tpu.memory_space<semaphore_mem>>) src(%dma_wait3A_52 : memref<80x128xf32, #tpu.memory_space<hbm>>) dst(%arg13 : memref<80x128xf32, #tpu.memory_space<vmem>>)
      %dma_wait3A_53 = arith.constant 0 : i32
      %dma_wait3A_54 = arith.constant 0 : i32
      %dma_wait3A_55 = tpu.memref_slice %arg6[%dma_wait3A_53, %dma_wait3A_54] : memref<20480x128xf32, #tpu.memory_space<hbm>> -> memref<80x128xf32, #tpu.memory_space<hbm>>
      %dma_wait3A_56 = arith.constant 0 : i32
      %dma_wait3A_57 = arith.constant 0 : i32
      %dma_wait3A_58 = tpu.memref_slice %arg6[%dma_wait3A_56, %dma_wait3A_57] : memref<20480x128xf32, #tpu.memory_space<hbm>> -> memref<80x128xf32, #tpu.memory_space<hbm>>
      tpu.wait_dma2 semaphore(%arg19 : memref<!tpu.dma_semaphore, #tpu.memory_space<semaphore_mem>>) src(%dma_wait3A_58 : memref<80x128xf32, #tpu.memory_space<hbm>>) dst(%arg14 : memref<80x128xf32, #tpu.memory_space<vmem>>)
      %scan3A_59 = arith.constant 0 : i32
      scf.yield %scan3A_59 : i32
    }
    %scan3A_21 = arith.constant 5 : i32
    %barrier3A_22 = arith.constant 0 : index
    tpu.barrier barrier_id(%barrier3A_22)
    %scan3A_23 = arith.constant 0 : i32
    %scan3A_24 = arith.constant 0 : i32
    %scan3A_25 = arith.constant 5 : i32
    %scan3A_26 = arith.addi %scan3A_24, %scan3A_25 : i32
    %scan3A_27 = arith.constant 1 : i32
    %scan3A_28 = scf.for %scan3A_30 = %scan3A_24 to %scan3A_26 step %scan3A_27 iter_args(%scan3A_31 = %scan3A_23) -> (i32)  : i32 {
      %mul3A_32 = arith.constant 640 : i32
      %mul3A_33 = arith.muli %arg1, %mul3A_32 : i32
      %mul3A_34 = arith.constant 128 : i32
      %mul3A_35 = arith.muli %scan3A_30, %mul3A_34 : i32
      %add3A_36 = arith.addi %mul3A_33, %mul3A_35 : i32
      "tpu.region"() ({
        %run_scoped3A = tpu.sem_alloc : memref<!tpu.dma_semaphore, #tpu.memory_space<semaphore_mem>>
        %dma_start3A = arith.constant 0 : i32
        %dma_start3A_46 = tpu.memref_slice %arg7[%add3A_36, %dma_start3A] : memref<10240x128xf32, #tpu.memory_space<vmem_shared>> -> memref<128x128xf32, #tpu.memory_space<vmem_shared>>
        %dma_start3A_47 = arith.constant 0 : i32
        %dma_start3A_48 = tpu.memref_slice %arg7[%add3A_36, %dma_start3A_47] : memref<10240x128xf32, #tpu.memory_space<vmem_shared>> -> memref<128x128xf32, #tpu.memory_space<vmem_shared>>
        tpu.enqueue_dma source(%dma_start3A_48 : memref<128x128xf32, #tpu.memory_space<vmem_shared>>) target(%arg15 : memref<128x128xf32, #tpu.memory_space<vmem>>) target_semaphore(%run_scoped3A : memref<!tpu.dma_semaphore, #tpu.memory_space<semaphore_mem>>)
        %dma_wait3A = arith.constant 0 : i32
        %dma_wait3A_49 = tpu.memref_slice %arg7[%add3A_36, %dma_wait3A] : memref<10240x128xf32, #tpu.memory_space<vmem_shared>> -> memref<128x128xf32, #tpu.memory_space<vmem_shared>>
        %dma_wait3A_50 = arith.constant 0 : i32
        %dma_wait3A_51 = tpu.memref_slice %arg7[%add3A_36, %dma_wait3A_50] : memref<10240x128xf32, #tpu.memory_space<vmem_shared>> -> memref<128x128xf32, #tpu.memory_space<vmem_shared>>
        tpu.wait_dma2 semaphore(%run_scoped3A : memref<!tpu.dma_semaphore, #tpu.memory_space<semaphore_mem>>) src(%dma_wait3A_51 : memref<128x128xf32, #tpu.memory_space<vmem_shared>>) dst(%arg15 : memref<128x128xf32, #tpu.memory_space<vmem>>)
        tpu.yield
      }) : () -> ()
      %mul3A_37 = arith.constant 10240 : i32
      %mul3A_38 = arith.muli %arg0, %mul3A_37 : i32
      %mul3A_39 = arith.constant 640 : i32
      %mul3A_40 = arith.muli %arg1, %mul3A_39 : i32
      %add3A_41 = arith.addi %mul3A_38, %mul3A_40 : i32
      %mul3A_42 = arith.constant 128 : i32
      %mul3A_43 = arith.muli %scan3A_30, %mul3A_42 : i32
      %add3A_44 = arith.addi %add3A_41, %mul3A_43 : i32
      "tpu.region"() ({
        %run_scoped3A = tpu.sem_alloc : memref<!tpu.dma_semaphore, #tpu.memory_space<semaphore_mem>>
        %dma_start3A = arith.constant 0 : i32
        %dma_start3A_46 = tpu.memref_slice %arg6[%add3A_44, %dma_start3A] : memref<20480x128xf32, #tpu.memory_space<hbm>> -> memref<128x128xf32, #tpu.memory_space<hbm>>
        %dma_start3A_47 = arith.constant 0 : i32
        %dma_start3A_48 = tpu.memref_slice %arg6[%add3A_44, %dma_start3A_47] : memref<20480x128xf32, #tpu.memory_space<hbm>> -> memref<128x128xf32, #tpu.memory_space<hbm>>
        tpu.enqueue_dma source(%arg15 : memref<128x128xf32, #tpu.memory_space<vmem>>) target(%dma_start3A_48 : memref<128x128xf32, #tpu.memory_space<hbm>>) target_semaphore(%run_scoped3A : memref<!tpu.dma_semaphore, #tpu.memory_space<semaphore_mem>>)
        %dma_wait3A = arith.constant 0 : i32
        %dma_wait3A_49 = tpu.memref_slice %arg6[%add3A_44, %dma_wait3A] : memref<20480x128xf32, #tpu.memory_space<hbm>> -> memref<128x128xf32, #tpu.memory_space<hbm>>
        %dma_wait3A_50 = arith.constant 0 : i32
        %dma_wait3A_51 = tpu.memref_slice %arg6[%add3A_44, %dma_wait3A_50] : memref<20480x128xf32, #tpu.memory_space<hbm>> -> memref<128x128xf32, #tpu.memory_space<hbm>>
        tpu.wait_dma2 semaphore(%run_scoped3A : memref<!tpu.dma_semaphore, #tpu.memory_space<semaphore_mem>>) src(%arg15 : memref<128x128xf32, #tpu.memory_space<vmem>>) dst(%dma_wait3A_51 : memref<128x128xf32, #tpu.memory_space<hbm>>)
        tpu.yield
      }) : () -> ()
      %scan3A_45 = arith.constant 0 : i32
      scf.yield %scan3A_45 : i32
    }
    %scan3A_29 = arith.constant 5 : i32
    return
  }
}

#map = affine_map<(d0, d1) -> (0, 0)>
#map1 = affine_map<(d0, d1) -> (0)>
module attributes {stable_mosaic.version = 14 : i64} {
  func.func @_sc_scatter(%arg0: i32, %arg1: i32, %arg2: memref<90000x128xf32, #tpu.memory_space<hbm>>, %arg3: memref<320000xi32, #tpu.memory_space<hbm>>, %arg4: memref<320000xi32, #tpu.memory_space<hbm>>, %arg5: memref<320000xf32, #tpu.memory_space<hbm>>, %arg6: memref<20480x128xf32, #tpu.memory_space<hbm>>, %arg7: memref<10240x128xf32, #tpu.memory_space<vmem_shared>>, %arg8: memref<2000xi32, #tpu.memory_space<vmem>>, %arg9: memref<2000xi32, #tpu.memory_space<vmem>>, %arg10: memref<2000xf32, #tpu.memory_space<vmem>>, %arg11: memref<80xi32, #tpu.memory_space<vmem>>, %arg12: memref<80xi32, #tpu.memory_space<vmem>>, %arg13: memref<80x128xf32, #tpu.memory_space<vmem>>, %arg14: memref<80x128xf32, #tpu.memory_space<vmem>>, %arg15: memref<128x128xf32, #tpu.memory_space<vmem>>, %arg16: memref<!tpu.dma_semaphore, #tpu.memory_space<semaphore_mem>>, %arg17: memref<!tpu.dma_semaphore, #tpu.memory_space<semaphore_mem>>, %arg18: memref<!tpu.dma_semaphore, #tpu.memory_space<semaphore_mem>>, %arg19: memref<!tpu.dma_semaphore, #tpu.memory_space<semaphore_mem>>) attributes {dimension_semantics = [#tpu.dimension_semantics<core_parallel>, #tpu.dimension_semantics<subcore_parallel>], iteration_bounds = array<i64: 2, 16>, scalar_prefetch = 0 : i64, scratch_operands = 13 : i64, tpu.core_type = #tpu.core_type<sc_vector_subcore>, window_params = [{transform_indices = #map}, {transform_indices = #map1}, {transform_indices = #map1}, {transform_indices = #map1}, {transform_indices = #map}]} {
    %mul3A = arith.constant 2 : i32
    %mul3A_0 = arith.muli %arg1, %mul3A : i32
    %add3A = arith.addi %mul3A_0, %arg0 : i32
    %broadcast_in_dim3A = arith.constant 0.000000e+00 : f32
    %broadcast_in_dim3A_1 = vector.broadcast %broadcast_in_dim3A : f32 to vector<16xf32>
    %scan3A = arith.constant 0 : i32
    %scan3A_2 = arith.constant 0 : i32
    %scan3A_3 = arith.constant 128 : i32
    %scan3A_4 = arith.addi %scan3A_2, %scan3A_3 : i32
    %scan3A_5 = arith.constant 1 : i32
    %scan3A_6 = scf.for %scan3A_30 = %scan3A_2 to %scan3A_4 step %scan3A_5 iter_args(%scan3A_31 = %scan3A) -> (i32)  : i32 {
      %swap3A = arith.index_cast %scan3A_30 : i32 to index
      %swap3A_32 = arith.constant 0 : index
      %swap3A_33 = tpu.vector_load %arg15[%swap3A, %swap3A_32] {strides = array<i32>} : memref<128x128xf32, #tpu.memory_space<vmem>>, vector<16xf32>,
      tpu.vector_store %arg15[%swap3A, %swap3A_32], %broadcast_in_dim3A_1 {strides = array<i32>} : memref<128x128xf32, #tpu.memory_space<vmem>>, vector<16xf32>,
      %swap3A_34 = arith.index_cast %scan3A_30 : i32 to index
      %swap3A_35 = arith.constant 16 : index
      %swap3A_36 = tpu.vector_load %arg15[%swap3A_34, %swap3A_35] {strides = array<i32>} : memref<128x128xf32, #tpu.memory_space<vmem>>, vector<16xf32>,
      tpu.vector_store %arg15[%swap3A_34, %swap3A_35], %broadcast_in_dim3A_1 {strides = array<i32>} : memref<128x128xf32, #tpu.memory_space<vmem>>, vector<16xf32>,
      %swap3A_37 = arith.index_cast %scan3A_30 : i32 to index
      %swap3A_38 = arith.constant 32 : index
      %swap3A_39 = tpu.vector_load %arg15[%swap3A_37, %swap3A_38] {strides = array<i32>} : memref<128x128xf32, #tpu.memory_space<vmem>>, vector<16xf32>,
      tpu.vector_store %arg15[%swap3A_37, %swap3A_38], %broadcast_in_dim3A_1 {strides = array<i32>} : memref<128x128xf32, #tpu.memory_space<vmem>>, vector<16xf32>,
      %swap3A_40 = arith.index_cast %scan3A_30 : i32 to index
      %swap3A_41 = arith.constant 48 : index
      %swap3A_42 = tpu.vector_load %arg15[%swap3A_40, %swap3A_41] {strides = array<i32>} : memref<128x128xf32, #tpu.memory_space<vmem>>, vector<16xf32>,
      tpu.vector_store %arg15[%swap3A_40, %swap3A_41], %broadcast_in_dim3A_1 {strides = array<i32>} : memref<128x128xf32, #tpu.memory_space<vmem>>, vector<16xf32>,
      %swap3A_43 = arith.index_cast %scan3A_30 : i32 to index
      %swap3A_44 = arith.constant 64 : index
      %swap3A_45 = tpu.vector_load %arg15[%swap3A_43, %swap3A_44] {strides = array<i32>} : memref<128x128xf32, #tpu.memory_space<vmem>>, vector<16xf32>,
      tpu.vector_store %arg15[%swap3A_43, %swap3A_44], %broadcast_in_dim3A_1 {strides = array<i32>} : memref<128x128xf32, #tpu.memory_space<vmem>>, vector<16xf32>,
      %swap3A_46 = arith.index_cast %scan3A_30 : i32 to index
      %swap3A_47 = arith.constant 80 : index
      %swap3A_48 = tpu.vector_load %arg15[%swap3A_46, %swap3A_47] {strides = array<i32>} : memref<128x128xf32, #tpu.memory_space<vmem>>, vector<16xf32>,
      tpu.vector_store %arg15[%swap3A_46, %swap3A_47], %broadcast_in_dim3A_1 {strides = array<i32>} : memref<128x128xf32, #tpu.memory_space<vmem>>, vector<16xf32>,
      %swap3A_49 = arith.index_cast %scan3A_30 : i32 to index
      %swap3A_50 = arith.constant 96 : index
      %swap3A_51 = tpu.vector_load %arg15[%swap3A_49, %swap3A_50] {strides = array<i32>} : memref<128x128xf32, #tpu.memory_space<vmem>>, vector<16xf32>,
      tpu.vector_store %arg15[%swap3A_49, %swap3A_50], %broadcast_in_dim3A_1 {strides = array<i32>} : memref<128x128xf32, #tpu.memory_space<vmem>>, vector<16xf32>,
      %swap3A_52 = arith.index_cast %scan3A_30 : i32 to index
      %swap3A_53 = arith.constant 112 : index
      %swap3A_54 = tpu.vector_load %arg15[%swap3A_52, %swap3A_53] {strides = array<i32>} : memref<128x128xf32, #tpu.memory_space<vmem>>, vector<16xf32>,
      tpu.vector_store %arg15[%swap3A_52, %swap3A_53], %broadcast_in_dim3A_1 {strides = array<i32>} : memref<128x128xf32, #tpu.memory_space<vmem>>, vector<16xf32>,
      %scan3A_55 = arith.constant 0 : i32
      scf.yield %scan3A_55 : i32
    }
    %scan3A_7 = arith.constant 128 : i32
    %scan3A_8 = arith.constant 0 : i32
    %scan3A_9 = arith.constant 0 : i32
    %scan3A_10 = arith.constant 5 : i32
    %scan3A_11 = arith.addi %scan3A_9, %scan3A_10 : i32
    %scan3A_12 = arith.constant 1 : i32
    %scan3A_13 = scf.for %scan3A_30 = %scan3A_9 to %scan3A_11 step %scan3A_12 iter_args(%scan3A_31 = %scan3A_8) -> (i32)  : i32 {
      %mul3A_32 = arith.constant 640 : i32
      %mul3A_33 = arith.muli %arg1, %mul3A_32 : i32
      %mul3A_34 = arith.constant 128 : i32
      %mul3A_35 = arith.muli %scan3A_30, %mul3A_34 : i32
      %add3A_36 = arith.addi %mul3A_33, %mul3A_35 : i32
      "tpu.region"() ({
        %run_scoped3A = tpu.sem_alloc : memref<!tpu.dma_semaphore, #tpu.memory_space<semaphore_mem>>
        %dma_start3A = arith.constant 0 : i32
        %dma_start3A_38 = tpu.memref_slice %arg7[%add3A_36, %dma_start3A] : memref<10240x128xf32, #tpu.memory_space<vmem_shared>> -> memref<128x128xf32, #tpu.memory_space<vmem_shared>>
        %dma_start3A_39 = arith.constant 0 : i32
        %dma_start3A_40 = tpu.memref_slice %arg7[%add3A_36, %dma_start3A_39] : memref<10240x128xf32, #tpu.memory_space<vmem_shared>> -> memref<128x128xf32, #tpu.memory_space<vmem_shared>>
        tpu.enqueue_dma source(%arg15 : memref<128x128xf32, #tpu.memory_space<vmem>>) target(%dma_start3A_40 : memref<128x128xf32, #tpu.memory_space<vmem_shared>>) target_semaphore(%run_scoped3A : memref<!tpu.dma_semaphore, #tpu.memory_space<semaphore_mem>>)
        %dma_wait3A = arith.constant 0 : i32
        %dma_wait3A_41 = tpu.memref_slice %arg7[%add3A_36, %dma_wait3A] : memref<10240x128xf32, #tpu.memory_space<vmem_shared>> -> memref<128x128xf32, #tpu.memory_space<vmem_shared>>
        %dma_wait3A_42 = arith.constant 0 : i32
        %dma_wait3A_43 = tpu.memref_slice %arg7[%add3A_36, %dma_wait3A_42] : memref<10240x128xf32, #tpu.memory_space<vmem_shared>> -> memref<128x128xf32, #tpu.memory_space<vmem_shared>>
        tpu.wait_dma2 semaphore(%run_scoped3A : memref<!tpu.dma_semaphore, #tpu.memory_space<semaphore_mem>>) src(%arg15 : memref<128x128xf32, #tpu.memory_space<vmem>>) dst(%dma_wait3A_43 : memref<128x128xf32, #tpu.memory_space<vmem_shared>>)
        tpu.yield
      }) : () -> ()
      %scan3A_37 = arith.constant 0 : i32
      scf.yield %scan3A_37 : i32
    }
    %scan3A_14 = arith.constant 5 : i32
    %barrier3A = arith.constant 0 : index
    tpu.barrier barrier_id(%barrier3A)
    %scan3A_15 = arith.constant 0 : i32
    %scan3A_16 = arith.constant 0 : i32
    %scan3A_17 = arith.constant 5 : i32
    %scan3A_18 = arith.addi %scan3A_16, %scan3A_17 : i32
    %scan3A_19 = arith.constant 1 : i32
    %scan3A_20 = scf.for %scan3A_30 = %scan3A_16 to %scan3A_18 step %scan3A_19 iter_args(%scan3A_31 = %scan3A_15) -> (i32)  : i32 {
      %mul3A_32 = arith.constant 10000 : i32
      %mul3A_33 = arith.muli %add3A, %mul3A_32 : i32
      %mul3A_34 = arith.constant 2000 : i32
      %mul3A_35 = arith.muli %scan3A_30, %mul3A_34 : i32
      %add3A_36 = arith.addi %mul3A_33, %mul3A_35 : i32
      "tpu.region"() ({
        %run_scoped3A = tpu.sem_alloc : memref<!tpu.dma_semaphore, #tpu.memory_space<semaphore_mem>>
        %dma_start3A_60 = tpu.memref_slice %arg3[%add3A_36] : memref<320000xi32, #tpu.memory_space<hbm>> -> memref<2000xi32, #tpu.memory_space<hbm>>
        %dma_start3A_61 = tpu.memref_slice %arg3[%add3A_36] : memref<320000xi32, #tpu.memory_space<hbm>> -> memref<2000xi32, #tpu.memory_space<hbm>>
        tpu.enqueue_dma source(%dma_start3A_61 : memref<2000xi32, #tpu.memory_space<hbm>>) target(%arg8 : memref<2000xi32, #tpu.memory_space<vmem>>) target_semaphore(%run_scoped3A : memref<!tpu.dma_semaphore, #tpu.memory_space<semaphore_mem>>)
        %dma_wait3A_62 = tpu.memref_slice %arg3[%add3A_36] : memref<320000xi32, #tpu.memory_space<hbm>> -> memref<2000xi32, #tpu.memory_space<hbm>>
        %dma_wait3A_63 = tpu.memref_slice %arg3[%add3A_36] : memref<320000xi32, #tpu.memory_space<hbm>> -> memref<2000xi32, #tpu.memory_space<hbm>>
        tpu.wait_dma2 semaphore(%run_scoped3A : memref<!tpu.dma_semaphore, #tpu.memory_space<semaphore_mem>>) src(%dma_wait3A_63 : memref<2000xi32, #tpu.memory_space<hbm>>) dst(%arg8 : memref<2000xi32, #tpu.memory_space<vmem>>)
        tpu.yield
      }) : () -> ()
      "tpu.region"() ({
        %run_scoped3A = tpu.sem_alloc : memref<!tpu.dma_semaphore, #tpu.memory_space<semaphore_mem>>
        %dma_start3A_60 = tpu.memref_slice %arg4[%add3A_36] : memref<320000xi32, #tpu.memory_space<hbm>> -> memref<2000xi32, #tpu.memory_space<hbm>>
        %dma_start3A_61 = tpu.memref_slice %arg4[%add3A_36] : memref<320000xi32, #tpu.memory_space<hbm>> -> memref<2000xi32, #tpu.memory_space<hbm>>
        tpu.enqueue_dma source(%dma_start3A_61 : memref<2000xi32, #tpu.memory_space<hbm>>) target(%arg9 : memref<2000xi32, #tpu.memory_space<vmem>>) target_semaphore(%run_scoped3A : memref<!tpu.dma_semaphore, #tpu.memory_space<semaphore_mem>>)
        %dma_wait3A_62 = tpu.memref_slice %arg4[%add3A_36] : memref<320000xi32, #tpu.memory_space<hbm>> -> memref<2000xi32, #tpu.memory_space<hbm>>
        %dma_wait3A_63 = tpu.memref_slice %arg4[%add3A_36] : memref<320000xi32, #tpu.memory_space<hbm>> -> memref<2000xi32, #tpu.memory_space<hbm>>
        tpu.wait_dma2 semaphore(%run_scoped3A : memref<!tpu.dma_semaphore, #tpu.memory_space<semaphore_mem>>) src(%dma_wait3A_63 : memref<2000xi32, #tpu.memory_space<hbm>>) dst(%arg9 : memref<2000xi32, #tpu.memory_space<vmem>>)
        tpu.yield
      }) : () -> ()
      "tpu.region"() ({
        %run_scoped3A = tpu.sem_alloc : memref<!tpu.dma_semaphore, #tpu.memory_space<semaphore_mem>>
        %dma_start3A_60 = tpu.memref_slice %arg5[%add3A_36] : memref<320000xf32, #tpu.memory_space<hbm>> -> memref<2000xf32, #tpu.memory_space<hbm>>
        %dma_start3A_61 = tpu.memref_slice %arg5[%add3A_36] : memref<320000xf32, #tpu.memory_space<hbm>> -> memref<2000xf32, #tpu.memory_space<hbm>>
        tpu.enqueue_dma source(%dma_start3A_61 : memref<2000xf32, #tpu.memory_space<hbm>>) target(%arg10 : memref<2000xf32, #tpu.memory_space<vmem>>) target_semaphore(%run_scoped3A : memref<!tpu.dma_semaphore, #tpu.memory_space<semaphore_mem>>)
        %dma_wait3A_62 = tpu.memref_slice %arg5[%add3A_36] : memref<320000xf32, #tpu.memory_space<hbm>> -> memref<2000xf32, #tpu.memory_space<hbm>>
        %dma_wait3A_63 = tpu.memref_slice %arg5[%add3A_36] : memref<320000xf32, #tpu.memory_space<hbm>> -> memref<2000xf32, #tpu.memory_space<hbm>>
        tpu.wait_dma2 semaphore(%run_scoped3A : memref<!tpu.dma_semaphore, #tpu.memory_space<semaphore_mem>>) src(%dma_wait3A_63 : memref<2000xf32, #tpu.memory_space<hbm>>) dst(%arg10 : memref<2000xf32, #tpu.memory_space<vmem>>)
        tpu.yield
      }) : () -> ()
      %dma_start3A = arith.constant 0 : i32
      %dma_start3A_37 = tpu.memref_slice %arg8[%dma_start3A] : memref<2000xi32, #tpu.memory_space<vmem>> -> memref<80xi32, #tpu.memory_space<vmem>>
      %dma_start3A_38 = arith.constant 0 : i32
      %dma_start3A_39 = arith.constant 0 : i32
      %dma_start3A_40 = tpu.memref_slice %arg2[%dma_start3A_38, %dma_start3A_39] : memref<90000x128xf32, #tpu.memory_space<hbm>> -> memref<90000x128xf32, #tpu.memory_space<hbm>>
      tpu.enqueue_indirect_dma source(%dma_start3A_40 : memref<90000x128xf32, #tpu.memory_space<hbm>>) target(%arg13 : memref<80x128xf32, #tpu.memory_space<vmem>>) offsets(%dma_start3A_37 : memref<80xi32, #tpu.memory_space<vmem>>) semaphore(%arg16 : memref<!tpu.dma_semaphore, #tpu.memory_space<semaphore_mem>>)
      %scan3A_41 = arith.constant 0 : i32
      %scan3A_42 = arith.constant 0 : i32
      %scan3A_43 = arith.constant 25 : i32
      %scan3A_44 = arith.addi %scan3A_42, %scan3A_43 : i32
      %scan3A_45 = arith.constant 1 : i32
      %scan3A_46 = scf.for %scan3A_60 = %scan3A_42 to %scan3A_44 step %scan3A_45 iter_args(%scan3A_61 = %scan3A_41) -> (i32)  : i32 {
        %jit3A = arith.constant 2 : i32
        %eq3A = arith.constant 0 : i32
        %eq3A_62 = arith.cmpi eq, %jit3A, %eq3A : i32
        %jit3A_63 = arith.constant 1 : i32
        %select_n3A = arith.select %eq3A_62, %jit3A_63, %jit3A : i32
        %rem3A = arith.remsi %scan3A_60, %select_n3A : i32
        %ne3A = arith.constant 0 : i32
        %ne3A_64 = arith.cmpi ne, %rem3A, %ne3A : i32
        %lt3A = arith.constant 0 : i32
        %lt3A_65 = arith.cmpi slt, %rem3A, %lt3A : i32
        %lt3A_66 = arith.constant 0 : i32
        %lt3A_67 = arith.cmpi slt, %select_n3A, %lt3A_66 : i32
        %ne3A_68 = arith.xori %lt3A_65, %lt3A_67 : i1
        %and3A = arith.andi %ne3A_68, %ne3A_64 : i1
        %add3A_69 = arith.addi %rem3A, %select_n3A : i32
        %select_n3A_70 = arith.select %and3A, %add3A_69, %rem3A : i32
        %eq3A_71 = arith.constant 0 : i32
        %eq3A_72 = arith.cmpi eq, %select_n3A_70, %eq3A_71 : i32
        %convert_element_type3A = arith.extui %eq3A_72 : i1 to i32
        %cond3A = arith.constant 0 : i32
        %cond3A_73 = arith.cmpi ne, %convert_element_type3A, %cond3A : i32
        scf.if %cond3A_73 {
          %dma_wait3A_96 = arith.constant 0 : i32
          %dma_wait3A_97 = arith.constant 0 : i32
          %dma_wait3A_98 = tpu.memref_slice %arg2[%dma_wait3A_96, %dma_wait3A_97] : memref<90000x128xf32, #tpu.memory_space<hbm>> -> memref<80x128xf32, #tpu.memory_space<hbm>>
          %dma_wait3A_99 = arith.constant 0 : i32
          %dma_wait3A_100 = arith.constant 0 : i32
          %dma_wait3A_101 = tpu.memref_slice %arg2[%dma_wait3A_99, %dma_wait3A_100] : memref<90000x128xf32, #tpu.memory_space<hbm>> -> memref<80x128xf32, #tpu.memory_space<hbm>>
          tpu.wait_dma2 semaphore(%arg16 : memref<!tpu.dma_semaphore, #tpu.memory_space<semaphore_mem>>) src(%dma_wait3A_101 : memref<80x128xf32, #tpu.memory_space<hbm>>) dst(%arg13 : memref<80x128xf32, #tpu.memory_space<vmem>>)
          %lt3A_102 = arith.constant 24 : i32
          %lt3A_103 = arith.cmpi slt, %scan3A_60, %lt3A_102 : i32
          %convert_element_type3A_104 = arith.extui %lt3A_103 : i1 to i32
          %cond3A_105 = arith.constant 0 : i32
          %cond3A_106 = arith.cmpi ne, %convert_element_type3A_104, %cond3A_105 : i32
          scf.if %cond3A_106 {
            %ge3A = arith.constant 1 : i32
            %ge3A_147 = arith.cmpi sge, %scan3A_60, %ge3A : i32
            %convert_element_type3A_148 = arith.extui %ge3A_147 : i1 to i32
            %cond3A_149 = arith.constant 0 : i32
            %cond3A_150 = arith.cmpi ne, %convert_element_type3A_148, %cond3A_149 : i32
            scf.if %cond3A_150 {
              %dma_wait3A_159 = arith.constant 0 : i32
              %dma_wait3A_160 = arith.constant 0 : i32
              %dma_wait3A_161 = tpu.memref_slice %arg6[%dma_wait3A_159, %dma_wait3A_160] : memref<20480x128xf32, #tpu.memory_space<hbm>> -> memref<80x128xf32, #tpu.memory_space<hbm>>
              %dma_wait3A_162 = arith.constant 0 : i32
              %dma_wait3A_163 = arith.constant 0 : i32
              %dma_wait3A_164 = tpu.memref_slice %arg6[%dma_wait3A_162, %dma_wait3A_163] : memref<20480x128xf32, #tpu.memory_space<hbm>> -> memref<80x128xf32, #tpu.memory_space<hbm>>
              tpu.wait_dma2 semaphore(%arg19 : memref<!tpu.dma_semaphore, #tpu.memory_space<semaphore_mem>>) src(%dma_wait3A_164 : memref<80x128xf32, #tpu.memory_space<hbm>>) dst(%arg14 : memref<80x128xf32, #tpu.memory_space<vmem>>)
            } else {
            }
            %add3A_151 = arith.constant 1 : i32
            %add3A_152 = arith.addi %scan3A_60, %add3A_151 : i32
            %mul3A_153 = arith.constant 80 : i32
            %mul3A_154 = arith.muli %add3A_152, %mul3A_153 : i32
            %dma_start3A_155 = tpu.memref_slice %arg8[%mul3A_154] : memref<2000xi32, #tpu.memory_space<vmem>> -> memref<80xi32, #tpu.memory_space<vmem>>
            %dma_start3A_156 = arith.constant 0 : i32
            %dma_start3A_157 = arith.constant 0 : i32
            %dma_start3A_158 = tpu.memref_slice %arg2[%dma_start3A_156, %dma_start3A_157] : memref<90000x128xf32, #tpu.memory_space<hbm>> -> memref<90000x128xf32, #tpu.memory_space<hbm>>
            tpu.enqueue_indirect_dma source(%dma_start3A_158 : memref<90000x128xf32, #tpu.memory_space<hbm>>) target(%arg14 : memref<80x128xf32, #tpu.memory_space<vmem>>) offsets(%dma_start3A_155 : memref<80xi32, #tpu.memory_space<vmem>>) semaphore(%arg17 : memref<!tpu.dma_semaphore, #tpu.memory_space<semaphore_mem>>)
          } else {
          }
          %scan3A_107 = arith.constant 0 : i32
          %scan3A_108 = arith.constant 0 : i32
          %scan3A_109 = arith.constant 80 : i32
          %scan3A_110 = arith.addi %scan3A_108, %scan3A_109 : i32
          %scan3A_111 = arith.constant 1 : i32
          %scan3A_112 = scf.for %scan3A_147 = %scan3A_108 to %scan3A_110 step %scan3A_111 iter_args(%scan3A_148 = %scan3A_107) -> (i32)  : i32 {
            %mul3A_149 = arith.constant 80 : i32
            %mul3A_150 = arith.muli %scan3A_60, %mul3A_149 : i32
            %add3A_151 = arith.addi %mul3A_150, %scan3A_147 : i32
            %broadcast_in_dim3A_152 = vector.broadcast %add3A_151 : i32 to vector<16xi32>
            %gather3A = tpu.vector_load_idx %arg10[%broadcast_in_dim3A_152] : memref<2000xf32, #tpu.memory_space<vmem>>[vector<16xi32>], vector<16xf32>,
            %get3A_153 = arith.index_cast %scan3A_147 : i32 to index
            %get3A_154 = arith.constant 0 : index
            %get3A_155 = tpu.vector_load %arg13[%get3A_153, %get3A_154] {strides = array<i32>} : memref<80x128xf32, #tpu.memory_space<vmem>>, vector<16xf32>,
            %mul3A_156 = arith.mulf %get3A_155, %gather3A : vector<16xf32>
            %swap3A_157 = arith.index_cast %scan3A_147 : i32 to index
            %swap3A_158 = arith.constant 0 : index
            %swap3A_159 = tpu.vector_load %arg13[%swap3A_157, %swap3A_158] {strides = array<i32>} : memref<80x128xf32, #tpu.memory_space<vmem>>, vector<16xf32>,
            tpu.vector_store %arg13[%swap3A_157, %swap3A_158], %mul3A_156 {strides = array<i32>} : memref<80x128xf32, #tpu.memory_space<vmem>>, vector<16xf32>,
            %get3A_160 = arith.index_cast %scan3A_147 : i32 to index
            %get3A_161 = arith.constant 16 : index
            %get3A_162 = tpu.vector_load %arg13[%get3A_160, %get3A_161] {strides = array<i32>} : memref<80x128xf32, #tpu.memory_space<vmem>>, vector<16xf32>,
            %mul3A_163 = arith.mulf %get3A_162, %gather3A : vector<16xf32>
            %swap3A_164 = arith.index_cast %scan3A_147 : i32 to index
            %swap3A_165 = arith.constant 16 : index
            %swap3A_166 = tpu.vector_load %arg13[%swap3A_164, %swap3A_165] {strides = array<i32>} : memref<80x128xf32, #tpu.memory_space<vmem>>, vector<16xf32>,
            tpu.vector_store %arg13[%swap3A_164, %swap3A_165], %mul3A_163 {strides = array<i32>} : memref<80x128xf32, #tpu.memory_space<vmem>>, vector<16xf32>,
            %get3A_167 = arith.index_cast %scan3A_147 : i32 to index
            %get3A_168 = arith.constant 32 : index
            %get3A_169 = tpu.vector_load %arg13[%get3A_167, %get3A_168] {strides = array<i32>} : memref<80x128xf32, #tpu.memory_space<vmem>>, vector<16xf32>,
            %mul3A_170 = arith.mulf %get3A_169, %gather3A : vector<16xf32>
            %swap3A_171 = arith.index_cast %scan3A_147 : i32 to index
            %swap3A_172 = arith.constant 32 : index
            %swap3A_173 = tpu.vector_load %arg13[%swap3A_171, %swap3A_172] {strides = array<i32>} : memref<80x128xf32, #tpu.memory_space<vmem>>, vector<16xf32>,
            tpu.vector_store %arg13[%swap3A_171, %swap3A_172], %mul3A_170 {strides = array<i32>} : memref<80x128xf32, #tpu.memory_space<vmem>>, vector<16xf32>,
            %get3A_174 = arith.index_cast %scan3A_147 : i32 to index
            %get3A_175 = arith.constant 48 : index
            %get3A_176 = tpu.vector_load %arg13[%get3A_174, %get3A_175] {strides = array<i32>} : memref<80x128xf32, #tpu.memory_space<vmem>>, vector<16xf32>,
            %mul3A_177 = arith.mulf %get3A_176, %gather3A : vector<16xf32>
            %swap3A_178 = arith.index_cast %scan3A_147 : i32 to index
            %swap3A_179 = arith.constant 48 : index
            %swap3A_180 = tpu.vector_load %arg13[%swap3A_178, %swap3A_179] {strides = array<i32>} : memref<80x128xf32, #tpu.memory_space<vmem>>, vector<16xf32>,
            tpu.vector_store %arg13[%swap3A_178, %swap3A_179], %mul3A_177 {strides = array<i32>} : memref<80x128xf32, #tpu.memory_space<vmem>>, vector<16xf32>,
            %get3A_181 = arith.index_cast %scan3A_147 : i32 to index
            %get3A_182 = arith.constant 64 : index
            %get3A_183 = tpu.vector_load %arg13[%get3A_181, %get3A_182] {strides = array<i32>} : memref<80x128xf32, #tpu.memory_space<vmem>>, vector<16xf32>,
            %mul3A_184 = arith.mulf %get3A_183, %gather3A : vector<16xf32>
            %swap3A_185 = arith.index_cast %scan3A_147 : i32 to index
            %swap3A_186 = arith.constant 64 : index
            %swap3A_187 = tpu.vector_load %arg13[%swap3A_185, %swap3A_186] {strides = array<i32>} : memref<80x128xf32, #tpu.memory_space<vmem>>, vector<16xf32>,
            tpu.vector_store %arg13[%swap3A_185, %swap3A_186], %mul3A_184 {strides = array<i32>} : memref<80x128xf32, #tpu.memory_space<vmem>>, vector<16xf32>,
            %get3A_188 = arith.index_cast %scan3A_147 : i32 to index
            %get3A_189 = arith.constant 80 : index
            %get3A_190 = tpu.vector_load %arg13[%get3A_188, %get3A_189] {strides = array<i32>} : memref<80x128xf32, #tpu.memory_space<vmem>>, vector<16xf32>,
            %mul3A_191 = arith.mulf %get3A_190, %gather3A : vector<16xf32>
            %swap3A_192 = arith.index_cast %scan3A_147 : i32 to index
            %swap3A_193 = arith.constant 80 : index
            %swap3A_194 = tpu.vector_load %arg13[%swap3A_192, %swap3A_193] {strides = array<i32>} : memref<80x128xf32, #tpu.memory_space<vmem>>, vector<16xf32>,
            tpu.vector_store %arg13[%swap3A_192, %swap3A_193], %mul3A_191 {strides = array<i32>} : memref<80x128xf32, #tpu.memory_space<vmem>>, vector<16xf32>,
            %get3A_195 = arith.index_cast %scan3A_147 : i32 to index
            %get3A_196 = arith.constant 96 : index
            %get3A_197 = tpu.vector_load %arg13[%get3A_195, %get3A_196] {strides = array<i32>} : memref<80x128xf32, #tpu.memory_space<vmem>>, vector<16xf32>,
            %mul3A_198 = arith.mulf %get3A_197, %gather3A : vector<16xf32>
            %swap3A_199 = arith.index_cast %scan3A_147 : i32 to index
            %swap3A_200 = arith.constant 96 : index
            %swap3A_201 = tpu.vector_load %arg13[%swap3A_199, %swap3A_200] {strides = array<i32>} : memref<80x128xf32, #tpu.memory_space<vmem>>, vector<16xf32>,
            tpu.vector_store %arg13[%swap3A_199, %swap3A_200], %mul3A_198 {strides = array<i32>} : memref<80x128xf32, #tpu.memory_space<vmem>>, vector<16xf32>,
            %get3A_202 = arith.index_cast %scan3A_147 : i32 to index
            %get3A_203 = arith.constant 112 : index
            %get3A_204 = tpu.vector_load %arg13[%get3A_202, %get3A_203] {strides = array<i32>} : memref<80x128xf32, #tpu.memory_space<vmem>>, vector<16xf32>,
            %mul3A_205 = arith.mulf %get3A_204, %gather3A : vector<16xf32>
            %swap3A_206 = arith.index_cast %scan3A_147 : i32 to index
            %swap3A_207 = arith.constant 112 : index
            %swap3A_208 = tpu.vector_load %arg13[%swap3A_206, %swap3A_207] {strides = array<i32>} : memref<80x128xf32, #tpu.memory_space<vmem>>, vector<16xf32>,
            tpu.vector_store %arg13[%swap3A_206, %swap3A_207], %mul3A_205 {strides = array<i32>} : memref<80x128xf32, #tpu.memory_space<vmem>>, vector<16xf32>,
            %scan3A_209 = arith.constant 0 : i32
            scf.yield %scan3A_209 : i32
          }
          %scan3A_113 = arith.constant 80 : i32
          %mul3A_114 = arith.constant 80 : i32
          %mul3A_115 = arith.muli %scan3A_60, %mul3A_114 : i32
          %add3A_116 = arith.constant 0 : i32
          %add3A_117 = arith.addi %mul3A_115, %add3A_116 : i32
          %get3A = arith.index_cast %add3A_117 : i32 to index
          %get3A_118 = tpu.vector_load %arg9[%get3A] {strides = array<i32>} : memref<2000xi32, #tpu.memory_space<vmem>>, vector<16xi32>,
          %swap3A = arith.constant 0 : index
          %swap3A_119 = tpu.vector_load %arg11[%swap3A] {strides = array<i32>} : memref<80xi32, #tpu.memory_space<vmem>>, vector<16xi32>,
          tpu.vector_store %arg11[%swap3A], %get3A_118 {strides = array<i32>} : memref<80xi32, #tpu.memory_space<vmem>>, vector<16xi32>,
          %add3A_120 = arith.constant 16 : i32
          %add3A_121 = arith.addi %mul3A_115, %add3A_120 : i32
          %get3A_122 = arith.index_cast %add3A_121 : i32 to index
          %get3A_123 = tpu.vector_load %arg9[%get3A_122] {strides = array<i32>} : memref<2000xi32, #tpu.memory_space<vmem>>, vector<16xi32>,
          %swap3A_124 = arith.constant 16 : index
          %swap3A_125 = tpu.vector_load %arg11[%swap3A_124] {strides = array<i32>} : memref<80xi32, #tpu.memory_space<vmem>>, vector<16xi32>,
          tpu.vector_store %arg11[%swap3A_124], %get3A_123 {strides = array<i32>} : memref<80xi32, #tpu.memory_space<vmem>>, vector<16xi32>,
          %add3A_126 = arith.constant 32 : i32
          %add3A_127 = arith.addi %mul3A_115, %add3A_126 : i32
          %get3A_128 = arith.index_cast %add3A_127 : i32 to index
          %get3A_129 = tpu.vector_load %arg9[%get3A_128] {strides = array<i32>} : memref<2000xi32, #tpu.memory_space<vmem>>, vector<16xi32>,
          %swap3A_130 = arith.constant 32 : index
          %swap3A_131 = tpu.vector_load %arg11[%swap3A_130] {strides = array<i32>} : memref<80xi32, #tpu.memory_space<vmem>>, vector<16xi32>,
          tpu.vector_store %arg11[%swap3A_130], %get3A_129 {strides = array<i32>} : memref<80xi32, #tpu.memory_space<vmem>>, vector<16xi32>,
          %add3A_132 = arith.constant 48 : i32
          %add3A_133 = arith.addi %mul3A_115, %add3A_132 : i32
          %get3A_134 = arith.index_cast %add3A_133 : i32 to index
          %get3A_135 = tpu.vector_load %arg9[%get3A_134] {strides = array<i32>} : memref<2000xi32, #tpu.memory_space<vmem>>, vector<16xi32>,
          %swap3A_136 = arith.constant 48 : index
          %swap3A_137 = tpu.vector_load %arg11[%swap3A_136] {strides = array<i32>} : memref<80xi32, #tpu.memory_space<vmem>>, vector<16xi32>,
          tpu.vector_store %arg11[%swap3A_136], %get3A_135 {strides = array<i32>} : memref<80xi32, #tpu.memory_space<vmem>>, vector<16xi32>,
          %add3A_138 = arith.constant 64 : i32
          %add3A_139 = arith.addi %mul3A_115, %add3A_138 : i32
          %get3A_140 = arith.index_cast %add3A_139 : i32 to index
          %get3A_141 = tpu.vector_load %arg9[%get3A_140] {strides = array<i32>} : memref<2000xi32, #tpu.memory_space<vmem>>, vector<16xi32>,
          %swap3A_142 = arith.constant 64 : index
          %swap3A_143 = tpu.vector_load %arg11[%swap3A_142] {strides = array<i32>} : memref<80xi32, #tpu.memory_space<vmem>>, vector<16xi32>,
          tpu.vector_store %arg11[%swap3A_142], %get3A_141 {strides = array<i32>} : memref<80xi32, #tpu.memory_space<vmem>>, vector<16xi32>,
          %dma_start3A_144 = arith.constant 0 : i32
          %dma_start3A_145 = arith.constant 0 : i32
          %dma_start3A_146 = tpu.memref_slice %arg7[%dma_start3A_144, %dma_start3A_145] : memref<10240x128xf32, #tpu.memory_space<vmem_shared>> -> memref<10240x128xf32, #tpu.memory_space<vmem_shared>>
          tpu.enqueue_indirect_dma source(%arg13 : memref<80x128xf32, #tpu.memory_space<vmem>>) target(%dma_start3A_146 : memref<10240x128xf32, #tpu.memory_space<vmem_shared>>) offsets(%arg11 : memref<80xi32, #tpu.memory_space<vmem>>) semaphore(%arg18 : memref<!tpu.dma_semaphore, #tpu.memory_space<semaphore_mem>>) {add = true}
        } else {
        }
        %jit3A_74 = arith.constant 2 : i32
        %eq3A_75 = arith.constant 0 : i32
        %eq3A_76 = arith.cmpi eq, %jit3A_74, %eq3A_75 : i32
        %jit3A_77 = arith.constant 1 : i32
        %select_n3A_78 = arith.select %eq3A_76, %jit3A_77, %jit3A_74 : i32
        %rem3A_79 = arith.remsi %scan3A_60, %select_n3A_78 : i32
        %ne3A_80 = arith.constant 0 : i32
        %ne3A_81 = arith.cmpi ne, %rem3A_79, %ne3A_80 : i32
        %lt3A_82 = arith.constant 0 : i32
        %lt3A_83 = arith.cmpi slt, %rem3A_79, %lt3A_82 : i32
        %lt3A_84 = arith.constant 0 : i32
        %lt3A_85 = arith.cmpi slt, %select_n3A_78, %lt3A_84 : i32
        %ne3A_86 = arith.xori %lt3A_83, %lt3A_85 : i1
        %and3A_87 = arith.andi %ne3A_86, %ne3A_81 : i1
        %add3A_88 = arith.addi %rem3A_79, %select_n3A_78 : i32
        %select_n3A_89 = arith.select %and3A_87, %add3A_88, %rem3A_79 : i32
        %eq3A_90 = arith.constant 1 : i32
        %eq3A_91 = arith.cmpi eq, %select_n3A_89, %eq3A_90 : i32
        %convert_element_type3A_92 = arith.extui %eq3A_91 : i1 to i32
        %cond3A_93 = arith.constant 0 : i32
        %cond3A_94 = arith.cmpi ne, %convert_element_type3A_92, %cond3A_93 : i32
        scf.if %cond3A_94 {
          %dma_wait3A_96 = arith.constant 0 : i32
          %dma_wait3A_97 = arith.constant 0 : i32
          %dma_wait3A_98 = tpu.memref_slice %arg2[%dma_wait3A_96, %dma_wait3A_97] : memref<90000x128xf32, #tpu.memory_space<hbm>> -> memref<80x128xf32, #tpu.memory_space<hbm>>
          %dma_wait3A_99 = arith.constant 0 : i32
          %dma_wait3A_100 = arith.constant 0 : i32
          %dma_wait3A_101 = tpu.memref_slice %arg2[%dma_wait3A_99, %dma_wait3A_100] : memref<90000x128xf32, #tpu.memory_space<hbm>> -> memref<80x128xf32, #tpu.memory_space<hbm>>
          tpu.wait_dma2 semaphore(%arg17 : memref<!tpu.dma_semaphore, #tpu.memory_space<semaphore_mem>>) src(%dma_wait3A_101 : memref<80x128xf32, #tpu.memory_space<hbm>>) dst(%arg14 : memref<80x128xf32, #tpu.memory_space<vmem>>)
          %lt3A_102 = arith.constant 24 : i32
          %lt3A_103 = arith.cmpi slt, %scan3A_60, %lt3A_102 : i32
          %convert_element_type3A_104 = arith.extui %lt3A_103 : i1 to i32
          %cond3A_105 = arith.constant 0 : i32
          %cond3A_106 = arith.cmpi ne, %convert_element_type3A_104, %cond3A_105 : i32
          scf.if %cond3A_106 {
            %ge3A = arith.constant 1 : i32
            %ge3A_147 = arith.cmpi sge, %scan3A_60, %ge3A : i32
            %convert_element_type3A_148 = arith.extui %ge3A_147 : i1 to i32
            %cond3A_149 = arith.constant 0 : i32
            %cond3A_150 = arith.cmpi ne, %convert_element_type3A_148, %cond3A_149 : i32
            scf.if %cond3A_150 {
              %dma_wait3A_159 = arith.constant 0 : i32
              %dma_wait3A_160 = arith.constant 0 : i32
              %dma_wait3A_161 = tpu.memref_slice %arg6[%dma_wait3A_159, %dma_wait3A_160] : memref<20480x128xf32, #tpu.memory_space<hbm>> -> memref<80x128xf32, #tpu.memory_space<hbm>>
              %dma_wait3A_162 = arith.constant 0 : i32
              %dma_wait3A_163 = arith.constant 0 : i32
              %dma_wait3A_164 = tpu.memref_slice %arg6[%dma_wait3A_162, %dma_wait3A_163] : memref<20480x128xf32, #tpu.memory_space<hbm>> -> memref<80x128xf32, #tpu.memory_space<hbm>>
              tpu.wait_dma2 semaphore(%arg18 : memref<!tpu.dma_semaphore, #tpu.memory_space<semaphore_mem>>) src(%dma_wait3A_164 : memref<80x128xf32, #tpu.memory_space<hbm>>) dst(%arg13 : memref<80x128xf32, #tpu.memory_space<vmem>>)
            } else {
            }
            %add3A_151 = arith.constant 1 : i32
            %add3A_152 = arith.addi %scan3A_60, %add3A_151 : i32
            %mul3A_153 = arith.constant 80 : i32
            %mul3A_154 = arith.muli %add3A_152, %mul3A_153 : i32
            %dma_start3A_155 = tpu.memref_slice %arg8[%mul3A_154] : memref<2000xi32, #tpu.memory_space<vmem>> -> memref<80xi32, #tpu.memory_space<vmem>>
            %dma_start3A_156 = arith.constant 0 : i32
            %dma_start3A_157 = arith.constant 0 : i32
            %dma_start3A_158 = tpu.memref_slice %arg2[%dma_start3A_156, %dma_start3A_157] : memref<90000x128xf32, #tpu.memory_space<hbm>> -> memref<90000x128xf32, #tpu.memory_space<hbm>>
            tpu.enqueue_indirect_dma source(%dma_start3A_158 : memref<90000x128xf32, #tpu.memory_space<hbm>>) target(%arg13 : memref<80x128xf32, #tpu.memory_space<vmem>>) offsets(%dma_start3A_155 : memref<80xi32, #tpu.memory_space<vmem>>) semaphore(%arg16 : memref<!tpu.dma_semaphore, #tpu.memory_space<semaphore_mem>>)
          } else {
          }
          %scan3A_107 = arith.constant 0 : i32
          %scan3A_108 = arith.constant 0 : i32
          %scan3A_109 = arith.constant 80 : i32
          %scan3A_110 = arith.addi %scan3A_108, %scan3A_109 : i32
          %scan3A_111 = arith.constant 1 : i32
          %scan3A_112 = scf.for %scan3A_147 = %scan3A_108 to %scan3A_110 step %scan3A_111 iter_args(%scan3A_148 = %scan3A_107) -> (i32)  : i32 {
            %mul3A_149 = arith.constant 80 : i32
            %mul3A_150 = arith.muli %scan3A_60, %mul3A_149 : i32
            %add3A_151 = arith.addi %mul3A_150, %scan3A_147 : i32
            %broadcast_in_dim3A_152 = vector.broadcast %add3A_151 : i32 to vector<16xi32>
            %gather3A = tpu.vector_load_idx %arg10[%broadcast_in_dim3A_152] : memref<2000xf32, #tpu.memory_space<vmem>>[vector<16xi32>], vector<16xf32>,
            %get3A_153 = arith.index_cast %scan3A_147 : i32 to index
            %get3A_154 = arith.constant 0 : index
            %get3A_155 = tpu.vector_load %arg14[%get3A_153, %get3A_154] {strides = array<i32>} : memref<80x128xf32, #tpu.memory_space<vmem>>, vector<16xf32>,
            %mul3A_156 = arith.mulf %get3A_155, %gather3A : vector<16xf32>
            %swap3A_157 = arith.index_cast %scan3A_147 : i32 to index
            %swap3A_158 = arith.constant 0 : index
            %swap3A_159 = tpu.vector_load %arg14[%swap3A_157, %swap3A_158] {strides = array<i32>} : memref<80x128xf32, #tpu.memory_space<vmem>>, vector<16xf32>,
            tpu.vector_store %arg14[%swap3A_157, %swap3A_158], %mul3A_156 {strides = array<i32>} : memref<80x128xf32, #tpu.memory_space<vmem>>, vector<16xf32>,
            %get3A_160 = arith.index_cast %scan3A_147 : i32 to index
            %get3A_161 = arith.constant 16 : index
            %get3A_162 = tpu.vector_load %arg14[%get3A_160, %get3A_161] {strides = array<i32>} : memref<80x128xf32, #tpu.memory_space<vmem>>, vector<16xf32>,
            %mul3A_163 = arith.mulf %get3A_162, %gather3A : vector<16xf32>
            %swap3A_164 = arith.index_cast %scan3A_147 : i32 to index
            %swap3A_165 = arith.constant 16 : index
            %swap3A_166 = tpu.vector_load %arg14[%swap3A_164, %swap3A_165] {strides = array<i32>} : memref<80x128xf32, #tpu.memory_space<vmem>>, vector<16xf32>,
            tpu.vector_store %arg14[%swap3A_164, %swap3A_165], %mul3A_163 {strides = array<i32>} : memref<80x128xf32, #tpu.memory_space<vmem>>, vector<16xf32>,
            %get3A_167 = arith.index_cast %scan3A_147 : i32 to index
            %get3A_168 = arith.constant 32 : index
            %get3A_169 = tpu.vector_load %arg14[%get3A_167, %get3A_168] {strides = array<i32>} : memref<80x128xf32, #tpu.memory_space<vmem>>, vector<16xf32>,
            %mul3A_170 = arith.mulf %get3A_169, %gather3A : vector<16xf32>
            %swap3A_171 = arith.index_cast %scan3A_147 : i32 to index
            %swap3A_172 = arith.constant 32 : index
            %swap3A_173 = tpu.vector_load %arg14[%swap3A_171, %swap3A_172] {strides = array<i32>} : memref<80x128xf32, #tpu.memory_space<vmem>>, vector<16xf32>,
            tpu.vector_store %arg14[%swap3A_171, %swap3A_172], %mul3A_170 {strides = array<i32>} : memref<80x128xf32, #tpu.memory_space<vmem>>, vector<16xf32>,
            %get3A_174 = arith.index_cast %scan3A_147 : i32 to index
            %get3A_175 = arith.constant 48 : index
            %get3A_176 = tpu.vector_load %arg14[%get3A_174, %get3A_175] {strides = array<i32>} : memref<80x128xf32, #tpu.memory_space<vmem>>, vector<16xf32>,
            %mul3A_177 = arith.mulf %get3A_176, %gather3A : vector<16xf32>
            %swap3A_178 = arith.index_cast %scan3A_147 : i32 to index
            %swap3A_179 = arith.constant 48 : index
            %swap3A_180 = tpu.vector_load %arg14[%swap3A_178, %swap3A_179] {strides = array<i32>} : memref<80x128xf32, #tpu.memory_space<vmem>>, vector<16xf32>,
            tpu.vector_store %arg14[%swap3A_178, %swap3A_179], %mul3A_177 {strides = array<i32>} : memref<80x128xf32, #tpu.memory_space<vmem>>, vector<16xf32>,
            %get3A_181 = arith.index_cast %scan3A_147 : i32 to index
            %get3A_182 = arith.constant 64 : index
            %get3A_183 = tpu.vector_load %arg14[%get3A_181, %get3A_182] {strides = array<i32>} : memref<80x128xf32, #tpu.memory_space<vmem>>, vector<16xf32>,
            %mul3A_184 = arith.mulf %get3A_183, %gather3A : vector<16xf32>
            %swap3A_185 = arith.index_cast %scan3A_147 : i32 to index
            %swap3A_186 = arith.constant 64 : index
            %swap3A_187 = tpu.vector_load %arg14[%swap3A_185, %swap3A_186] {strides = array<i32>} : memref<80x128xf32, #tpu.memory_space<vmem>>, vector<16xf32>,
            tpu.vector_store %arg14[%swap3A_185, %swap3A_186], %mul3A_184 {strides = array<i32>} : memref<80x128xf32, #tpu.memory_space<vmem>>, vector<16xf32>,
            %get3A_188 = arith.index_cast %scan3A_147 : i32 to index
            %get3A_189 = arith.constant 80 : index
            %get3A_190 = tpu.vector_load %arg14[%get3A_188, %get3A_189] {strides = array<i32>} : memref<80x128xf32, #tpu.memory_space<vmem>>, vector<16xf32>,
            %mul3A_191 = arith.mulf %get3A_190, %gather3A : vector<16xf32>
            %swap3A_192 = arith.index_cast %scan3A_147 : i32 to index
            %swap3A_193 = arith.constant 80 : index
            %swap3A_194 = tpu.vector_load %arg14[%swap3A_192, %swap3A_193] {strides = array<i32>} : memref<80x128xf32, #tpu.memory_space<vmem>>, vector<16xf32>,
            tpu.vector_store %arg14[%swap3A_192, %swap3A_193], %mul3A_191 {strides = array<i32>} : memref<80x128xf32, #tpu.memory_space<vmem>>, vector<16xf32>,
            %get3A_195 = arith.index_cast %scan3A_147 : i32 to index
            %get3A_196 = arith.constant 96 : index
            %get3A_197 = tpu.vector_load %arg14[%get3A_195, %get3A_196] {strides = array<i32>} : memref<80x128xf32, #tpu.memory_space<vmem>>, vector<16xf32>,
            %mul3A_198 = arith.mulf %get3A_197, %gather3A : vector<16xf32>
            %swap3A_199 = arith.index_cast %scan3A_147 : i32 to index
            %swap3A_200 = arith.constant 96 : index
            %swap3A_201 = tpu.vector_load %arg14[%swap3A_199, %swap3A_200] {strides = array<i32>} : memref<80x128xf32, #tpu.memory_space<vmem>>, vector<16xf32>,
            tpu.vector_store %arg14[%swap3A_199, %swap3A_200], %mul3A_198 {strides = array<i32>} : memref<80x128xf32, #tpu.memory_space<vmem>>, vector<16xf32>,
            %get3A_202 = arith.index_cast %scan3A_147 : i32 to index
            %get3A_203 = arith.constant 112 : index
            %get3A_204 = tpu.vector_load %arg14[%get3A_202, %get3A_203] {strides = array<i32>} : memref<80x128xf32, #tpu.memory_space<vmem>>, vector<16xf32>,
            %mul3A_205 = arith.mulf %get3A_204, %gather3A : vector<16xf32>
            %swap3A_206 = arith.index_cast %scan3A_147 : i32 to index
            %swap3A_207 = arith.constant 112 : index
            %swap3A_208 = tpu.vector_load %arg14[%swap3A_206, %swap3A_207] {strides = array<i32>} : memref<80x128xf32, #tpu.memory_space<vmem>>, vector<16xf32>,
            tpu.vector_store %arg14[%swap3A_206, %swap3A_207], %mul3A_205 {strides = array<i32>} : memref<80x128xf32, #tpu.memory_space<vmem>>, vector<16xf32>,
            %scan3A_209 = arith.constant 0 : i32
            scf.yield %scan3A_209 : i32
          }
          %scan3A_113 = arith.constant 80 : i32
          %mul3A_114 = arith.constant 80 : i32
          %mul3A_115 = arith.muli %scan3A_60, %mul3A_114 : i32
          %add3A_116 = arith.constant 0 : i32
          %add3A_117 = arith.addi %mul3A_115, %add3A_116 : i32
          %get3A = arith.index_cast %add3A_117 : i32 to index
          %get3A_118 = tpu.vector_load %arg9[%get3A] {strides = array<i32>} : memref<2000xi32, #tpu.memory_space<vmem>>, vector<16xi32>,
          %swap3A = arith.constant 0 : index
          %swap3A_119 = tpu.vector_load %arg12[%swap3A] {strides = array<i32>} : memref<80xi32, #tpu.memory_space<vmem>>, vector<16xi32>,
          tpu.vector_store %arg12[%swap3A], %get3A_118 {strides = array<i32>} : memref<80xi32, #tpu.memory_space<vmem>>, vector<16xi32>,
          %add3A_120 = arith.constant 16 : i32
          %add3A_121 = arith.addi %mul3A_115, %add3A_120 : i32
          %get3A_122 = arith.index_cast %add3A_121 : i32 to index
          %get3A_123 = tpu.vector_load %arg9[%get3A_122] {strides = array<i32>} : memref<2000xi32, #tpu.memory_space<vmem>>, vector<16xi32>,
          %swap3A_124 = arith.constant 16 : index
          %swap3A_125 = tpu.vector_load %arg12[%swap3A_124] {strides = array<i32>} : memref<80xi32, #tpu.memory_space<vmem>>, vector<16xi32>,
          tpu.vector_store %arg12[%swap3A_124], %get3A_123 {strides = array<i32>} : memref<80xi32, #tpu.memory_space<vmem>>, vector<16xi32>,
          %add3A_126 = arith.constant 32 : i32
          %add3A_127 = arith.addi %mul3A_115, %add3A_126 : i32
          %get3A_128 = arith.index_cast %add3A_127 : i32 to index
          %get3A_129 = tpu.vector_load %arg9[%get3A_128] {strides = array<i32>} : memref<2000xi32, #tpu.memory_space<vmem>>, vector<16xi32>,
          %swap3A_130 = arith.constant 32 : index
          %swap3A_131 = tpu.vector_load %arg12[%swap3A_130] {strides = array<i32>} : memref<80xi32, #tpu.memory_space<vmem>>, vector<16xi32>,
          tpu.vector_store %arg12[%swap3A_130], %get3A_129 {strides = array<i32>} : memref<80xi32, #tpu.memory_space<vmem>>, vector<16xi32>,
          %add3A_132 = arith.constant 48 : i32
          %add3A_133 = arith.addi %mul3A_115, %add3A_132 : i32
          %get3A_134 = arith.index_cast %add3A_133 : i32 to index
          %get3A_135 = tpu.vector_load %arg9[%get3A_134] {strides = array<i32>} : memref<2000xi32, #tpu.memory_space<vmem>>, vector<16xi32>,
          %swap3A_136 = arith.constant 48 : index
          %swap3A_137 = tpu.vector_load %arg12[%swap3A_136] {strides = array<i32>} : memref<80xi32, #tpu.memory_space<vmem>>, vector<16xi32>,
          tpu.vector_store %arg12[%swap3A_136], %get3A_135 {strides = array<i32>} : memref<80xi32, #tpu.memory_space<vmem>>, vector<16xi32>,
          %add3A_138 = arith.constant 64 : i32
          %add3A_139 = arith.addi %mul3A_115, %add3A_138 : i32
          %get3A_140 = arith.index_cast %add3A_139 : i32 to index
          %get3A_141 = tpu.vector_load %arg9[%get3A_140] {strides = array<i32>} : memref<2000xi32, #tpu.memory_space<vmem>>, vector<16xi32>,
          %swap3A_142 = arith.constant 64 : index
          %swap3A_143 = tpu.vector_load %arg12[%swap3A_142] {strides = array<i32>} : memref<80xi32, #tpu.memory_space<vmem>>, vector<16xi32>,
          tpu.vector_store %arg12[%swap3A_142], %get3A_141 {strides = array<i32>} : memref<80xi32, #tpu.memory_space<vmem>>, vector<16xi32>,
          %dma_start3A_144 = arith.constant 0 : i32
          %dma_start3A_145 = arith.constant 0 : i32
          %dma_start3A_146 = tpu.memref_slice %arg7[%dma_start3A_144, %dma_start3A_145] : memref<10240x128xf32, #tpu.memory_space<vmem_shared>> -> memref<10240x128xf32, #tpu.memory_space<vmem_shared>>
          tpu.enqueue_indirect_dma source(%arg14 : memref<80x128xf32, #tpu.memory_space<vmem>>) target(%dma_start3A_146 : memref<10240x128xf32, #tpu.memory_space<vmem_shared>>) offsets(%arg12 : memref<80xi32, #tpu.memory_space<vmem>>) semaphore(%arg19 : memref<!tpu.dma_semaphore, #tpu.memory_space<semaphore_mem>>) {add = true}
        } else {
        }
        %scan3A_95 = arith.constant 0 : i32
        scf.yield %scan3A_95 : i32
      }
      %scan3A_47 = arith.constant 25 : i32
      %dma_wait3A = arith.constant 0 : i32
      %dma_wait3A_48 = arith.constant 0 : i32
      %dma_wait3A_49 = tpu.memref_slice %arg6[%dma_wait3A, %dma_wait3A_48] : memref<20480x128xf32, #tpu.memory_space<hbm>> -> memref<80x128xf32, #tpu.memory_space<hbm>>
      %dma_wait3A_50 = arith.constant 0 : i32
      %dma_wait3A_51 = arith.constant 0 : i32
      %dma_wait3A_52 = tpu.memref_slice %arg6[%dma_wait3A_50, %dma_wait3A_51] : memref<20480x128xf32, #tpu.memory_space<hbm>> -> memref<80x128xf32, #tpu.memory_space<hbm>>
      tpu.wait_dma2 semaphore(%arg18 : memref<!tpu.dma_semaphore, #tpu.memory_space<semaphore_mem>>) src(%dma_wait3A_52 : memref<80x128xf32, #tpu.memory_space<hbm>>) dst(%arg13 : memref<80x128xf32, #tpu.memory_space<vmem>>)
      %dma_wait3A_53 = arith.constant 0 : i32
      %dma_wait3A_54 = arith.constant 0 : i32
      %dma_wait3A_55 = tpu.memref_slice %arg6[%dma_wait3A_53, %dma_wait3A_54] : memref<20480x128xf32, #tpu.memory_space<hbm>> -> memref<80x128xf32, #tpu.memory_space<hbm>>
      %dma_wait3A_56 = arith.constant 0 : i32
      %dma_wait3A_57 = arith.constant 0 : i32
      %dma_wait3A_58 = tpu.memref_slice %arg6[%dma_wait3A_56, %dma_wait3A_57] : memref<20480x128xf32, #tpu.memory_space<hbm>> -> memref<80x128xf32, #tpu.memory_space<hbm>>
      tpu.wait_dma2 semaphore(%arg19 : memref<!tpu.dma_semaphore, #tpu.memory_space<semaphore_mem>>) src(%dma_wait3A_58 : memref<80x128xf32, #tpu.memory_space<hbm>>) dst(%arg14 : memref<80x128xf32, #tpu.memory_space<vmem>>)
      %scan3A_59 = arith.constant 0 : i32
      scf.yield %scan3A_59 : i32
    }
    %scan3A_21 = arith.constant 5 : i32
    %barrier3A_22 = arith.constant 0 : index
    tpu.barrier barrier_id(%barrier3A_22)
    %scan3A_23 = arith.constant 0 : i32
    %scan3A_24 = arith.constant 0 : i32
    %scan3A_25 = arith.constant 5 : i32
    %scan3A_26 = arith.addi %scan3A_24, %scan3A_25 : i32
    %scan3A_27 = arith.constant 1 : i32
    %scan3A_28 = scf.for %scan3A_30 = %scan3A_24 to %scan3A_26 step %scan3A_27 iter_args(%scan3A_31 = %scan3A_23) -> (i32)  : i32 {
      %mul3A_32 = arith.constant 640 : i32
      %mul3A_33 = arith.muli %arg1, %mul3A_32 : i32
      %mul3A_34 = arith.constant 128 : i32
      %mul3A_35 = arith.muli %scan3A_30, %mul3A_34 : i32
      %add3A_36 = arith.addi %mul3A_33, %mul3A_35 : i32
      "tpu.region"() ({
        %run_scoped3A = tpu.sem_alloc : memref<!tpu.dma_semaphore, #tpu.memory_space<semaphore_mem>>
        %dma_start3A = arith.constant 0 : i32
        %dma_start3A_46 = tpu.memref_slice %arg7[%add3A_36, %dma_start3A] : memref<10240x128xf32, #tpu.memory_space<vmem_shared>> -> memref<128x128xf32, #tpu.memory_space<vmem_shared>>
        %dma_start3A_47 = arith.constant 0 : i32
        %dma_start3A_48 = tpu.memref_slice %arg7[%add3A_36, %dma_start3A_47] : memref<10240x128xf32, #tpu.memory_space<vmem_shared>> -> memref<128x128xf32, #tpu.memory_space<vmem_shared>>
        tpu.enqueue_dma source(%dma_start3A_48 : memref<128x128xf32, #tpu.memory_space<vmem_shared>>) target(%arg15 : memref<128x128xf32, #tpu.memory_space<vmem>>) target_semaphore(%run_scoped3A : memref<!tpu.dma_semaphore, #tpu.memory_space<semaphore_mem>>)
        %dma_wait3A = arith.constant 0 : i32
        %dma_wait3A_49 = tpu.memref_slice %arg7[%add3A_36, %dma_wait3A] : memref<10240x128xf32, #tpu.memory_space<vmem_shared>> -> memref<128x128xf32, #tpu.memory_space<vmem_shared>>
        %dma_wait3A_50 = arith.constant 0 : i32
        %dma_wait3A_51 = tpu.memref_slice %arg7[%add3A_36, %dma_wait3A_50] : memref<10240x128xf32, #tpu.memory_space<vmem_shared>> -> memref<128x128xf32, #tpu.memory_space<vmem_shared>>
        tpu.wait_dma2 semaphore(%run_scoped3A : memref<!tpu.dma_semaphore, #tpu.memory_space<semaphore_mem>>) src(%dma_wait3A_51 : memref<128x128xf32, #tpu.memory_space<vmem_shared>>) dst(%arg15 : memref<128x128xf32, #tpu.memory_space<vmem>>)
        tpu.yield
      }) : () -> ()
      %mul3A_37 = arith.constant 10240 : i32
      %mul3A_38 = arith.muli %arg0, %mul3A_37 : i32
      %mul3A_39 = arith.constant 640 : i32
      %mul3A_40 = arith.muli %arg1, %mul3A_39 : i32
      %add3A_41 = arith.addi %mul3A_38, %mul3A_40 : i32
      %mul3A_42 = arith.constant 128 : i32
      %mul3A_43 = arith.muli %scan3A_30, %mul3A_42 : i32
      %add3A_44 = arith.addi %add3A_41, %mul3A_43 : i32
      "tpu.region"() ({
        %run_scoped3A = tpu.sem_alloc : memref<!tpu.dma_semaphore, #tpu.memory_space<semaphore_mem>>
        %dma_start3A = arith.constant 0 : i32
        %dma_start3A_46 = tpu.memref_slice %arg6[%add3A_44, %dma_start3A] : memref<20480x128xf32, #tpu.memory_space<hbm>> -> memref<128x128xf32, #tpu.memory_space<hbm>>
        %dma_start3A_47 = arith.constant 0 : i32
        %dma_start3A_48 = tpu.memref_slice %arg6[%add3A_44, %dma_start3A_47] : memref<20480x128xf32, #tpu.memory_space<hbm>> -> memref<128x128xf32, #tpu.memory_space<hbm>>
        tpu.enqueue_dma source(%arg15 : memref<128x128xf32, #tpu.memory_space<vmem>>) target(%dma_start3A_48 : memref<128x128xf32, #tpu.memory_space<hbm>>) target_semaphore(%run_scoped3A : memref<!tpu.dma_semaphore, #tpu.memory_space<semaphore_mem>>)
        %dma_wait3A = arith.constant 0 : i32
        %dma_wait3A_49 = tpu.memref_slice %arg6[%add3A_44, %dma_wait3A] : memref<20480x128xf32, #tpu.memory_space<hbm>> -> memref<128x128xf32, #tpu.memory_space<hbm>>
        %dma_wait3A_50 = arith.constant 0 : i32
        %dma_wait3A_51 = tpu.memref_slice %arg6[%add3A_44, %dma_wait3A_50] : memref<20480x128xf32, #tpu.memory_space<hbm>> -> memref<128x128xf32, #tpu.memory_space<hbm>>
        tpu.wait_dma2 semaphore(%run_scoped3A : memref<!tpu.dma_semaphore, #tpu.memory_space<semaphore_mem>>) src(%arg15 : memref<128x128xf32, #tpu.memory_space<vmem>>) dst(%dma_wait3A_51 : memref<128x128xf32, #tpu.memory_space<hbm>>)
        tpu.yield
      }) : () -> ()
      %scan3A_45 = arith.constant 0 : i32
      scf.yield %scan3A_45 : i32
    }
    %scan3A_29 = arith.constant 5 : i32
    return
  }
}

module attributes {stable_mosaic.version = 14 : i64} {
  func.func @_tc_transform_body(%arg0: i32, %arg1: i32, %arg2: memref<1000x128xf32, #tpu.memory_space<vmem>>, %arg3: memref<1x128x128xf32, #tpu.memory_space<vmem>>, %arg4: memref<1x128xf32, #tpu.memory_space<vmem>>, %arg5: memref<1000x128xf32, #tpu.memory_space<vmem>>) attributes {dimension_semantics = [#tpu.dimension_semantics<arbitrary>, #tpu.dimension_semantics<arbitrary>], iteration_bounds = array<i64: 10, 9>, scalar_prefetch = 0 : i64, scratch_operands = 0 : i64, tpu.core_type = #tpu.core_type<tc>, window_params = [{transform_indices = @transform_0, window_bounds = array<i64: 1000, 128>}, {transform_indices = @transform_1, window_bounds = array<i64: 1, 128, 128>}, {pipeline_mode = #tpu.pipeline_mode<synchronous>, transform_indices = @transform_2, window_bounds = array<i64: 1, 128>}, {transform_indices = @transform_3, window_bounds = array<i64: 1000, 128>}]} {
    %get3A = arith.constant 0 : index
    %get3A_0 = arith.constant 0 : index
    %get3A_1 = vector.load %arg2[%get3A, %get3A_0] : memref<1000x128xf32, #tpu.memory_space<vmem>>, vector<1000x128xf32>
    %get3A_2 = arith.constant 0 : index
    %get3A_3 = arith.constant 0 : index
    %get3A_4 = arith.constant 0 : index
    %get3A_5 = vector.load %arg3[%get3A_2, %get3A_3, %get3A_4] : memref<1x128x128xf32, #tpu.memory_space<vmem>>, vector<1x128x128xf32>
    %get3A_6 = vector.shape_cast %get3A_5 : vector<1x128x128xf32> to vector<128x128xf32>
    %dot_general3A = arith.constant dense<0.000000e+00> : vector<1000x128xf32>
    %dot_general3A_7 = tpu.matmul %get3A_1, %get3A_6, %dot_general3A {dimension_numbers = #tpu.dot_dimension_numbers<[1], [0], [0], [1], [0, 0, 1, 1], [], []>, transpose_lhs_hint = false} : vector<1000x128xf32>, vector<128x128xf32>, vector<1000x128xf32> -> vector<1000x128xf32>
    %eq3A = arith.constant 8 : i32
    %eq3A_8 = arith.cmpi eq, %arg1, %eq3A : i32
    %jit3A = arith.constant 1.000000e+00 : f32
    %jit3A_9 = arith.constant 0.000000e+00 : f32
    %select_n3A = arith.select %eq3A_8, %jit3A, %jit3A_9 : f32
    %get3A_10 = arith.constant 0 : index
    %get3A_11 = arith.constant 0 : index
    %get3A_12 = vector.load %arg4[%get3A_10, %get3A_11] : memref<1x128xf32, #tpu.memory_space<vmem>>, vector<1x128xf32>
    %get3A_13 = vector.shape_cast %get3A_12 : vector<1x128xf32> to vector<128xf32>
    %broadcast_in_dim3A = vector.shape_cast %get3A_13 : vector<128xf32> to vector<1x128xf32>
    %mul3A = vector.broadcast %select_n3A : f32 to vector<1x128xf32>
    %mul3A_14 = arith.mulf %mul3A, %broadcast_in_dim3A : vector<1x128xf32>
    %add3A = vector.broadcast %mul3A_14 : vector<1x128xf32> to vector<1000x128xf32>
    %add3A_15 = arith.addf %dot_general3A_7, %add3A : vector<1000x128xf32>
    %swap3A = arith.constant 0 : index
    %swap3A_16 = arith.constant 0 : index
    %swap3A_17 = vector.load %arg5[%swap3A, %swap3A_16] : memref<1000x128xf32, #tpu.memory_space<vmem>>, vector<1000x128xf32>
    tpu.vector_store %arg5[%swap3A, %swap3A_16], %add3A_15 {strides = array<i32>} : memref<1000x128xf32, #tpu.memory_space<vmem>>, vector<1000x128xf32>,
    return
  }
  func.func @transform_0(%arg0: i32, %arg1: i32) -> (i32, i32) {
    %c0_i32 = arith.constant 0 : i32
    %c0_i32_0 = arith.constant 0 : i32
    return %arg0, %c0_i32 : i32, i32
  }
  func.func @transform_1(%arg0: i32, %arg1: i32) -> (i32, i32, i32) {
    %c0_i32 = arith.constant 0 : i32
    %c0_i32_0 = arith.constant 0 : i32
    %c0_i32_1 = arith.constant 0 : i32
    return %arg1, %c0_i32, %c0_i32_0 : i32, i32, i32
  }
  func.func @transform_2(%arg0: i32, %arg1: i32) -> (i32, i32) {
    %c0_i32 = arith.constant 0 : i32
    %c0_i32_0 = arith.constant 0 : i32
    %c0_i32_1 = arith.constant 0 : i32
    return %c0_i32, %c0_i32_0 : i32, i32
  }
  func.func @transform_3(%arg0: i32, %arg1: i32) -> (i32, i32) {
    %mul3A = arith.constant 10 : i32
    %mul3A_0 = arith.muli %arg1, %mul3A : i32
    %add3A = arith.addi %mul3A_0, %arg0 : i32
    %c0_i32 = arith.constant 0 : i32
    %c0_i32_1 = arith.constant 0 : i32
    return %add3A, %c0_i32 : i32, i32
  }
}

module attributes {stable_mosaic.version = 14 : i64} {
  func.func @_tc_combine_body(%arg0: i32, %arg1: memref<1000x128xf32, #tpu.memory_space<vmem>>, %arg2: memref<1000x128xf32, #tpu.memory_space<vmem>>, %arg3: memref<1000x128xf32, #tpu.memory_space<vmem>>, %arg4: memref<1000x128xf32, #tpu.memory_space<vmem>>) attributes {dimension_semantics = [#tpu.dimension_semantics<arbitrary>], iteration_bounds = array<i64: 10>, scalar_prefetch = 0 : i64, scratch_operands = 0 : i64, tpu.core_type = #tpu.core_type<tc>, window_params = [{transform_indices = @transform_0, window_bounds = array<i64: 1000, 128>}, {transform_indices = @transform_1, window_bounds = array<i64: 1000, 128>}, {transform_indices = @transform_2, window_bounds = array<i64: 1000, 128>}, {transform_indices = @transform_3, window_bounds = array<i64: 1000, 128>}]} {
    %get3A = arith.constant 0 : index
    %get3A_0 = arith.constant 0 : index
    %get3A_1 = vector.load %arg1[%get3A, %get3A_0] : memref<1000x128xf32, #tpu.memory_space<vmem>>, vector<1000x128xf32>
    %get3A_2 = arith.constant 0 : index
    %get3A_3 = arith.constant 0 : index
    %get3A_4 = vector.load %arg2[%get3A_2, %get3A_3] : memref<1000x128xf32, #tpu.memory_space<vmem>>, vector<1000x128xf32>
    %add3A = arith.addf %get3A_1, %get3A_4 : vector<1000x128xf32>
    %get3A_5 = arith.constant 0 : index
    %get3A_6 = arith.constant 0 : index
    %get3A_7 = vector.load %arg3[%get3A_5, %get3A_6] : memref<1000x128xf32, #tpu.memory_space<vmem>>, vector<1000x128xf32>
    %add3A_8 = arith.addf %add3A, %get3A_7 : vector<1000x128xf32>
    %max3A = arith.constant 0.000000e+00 : f32
    %max3A_9 = vector.broadcast %max3A : f32 to vector<1000x128xf32>
    %max3A_10 = arith.maximumf %add3A_8, %max3A_9 : vector<1000x128xf32>
    %swap3A = arith.constant 0 : index
    %swap3A_11 = arith.constant 0 : index
    %swap3A_12 = vector.load %arg4[%swap3A, %swap3A_11] : memref<1000x128xf32, #tpu.memory_space<vmem>>, vector<1000x128xf32>
    tpu.vector_store %arg4[%swap3A, %swap3A_11], %max3A_10 {strides = array<i32>} : memref<1000x128xf32, #tpu.memory_space<vmem>>, vector<1000x128xf32>,
    return
  }
  func.func @transform_0(%arg0: i32) -> (i32, i32) {
    %c0_i32 = arith.constant 0 : i32
    %c0_i32_0 = arith.constant 0 : i32
    return %arg0, %c0_i32 : i32, i32
  }
  func.func @transform_1(%arg0: i32) -> (i32, i32) {
    %c0_i32 = arith.constant 0 : i32
    %c0_i32_0 = arith.constant 0 : i32
    return %arg0, %c0_i32 : i32, i32
  }
  func.func @transform_2(%arg0: i32) -> (i32, i32) {
    %c0_i32 = arith.constant 0 : i32
    %c0_i32_0 = arith.constant 0 : i32
    return %arg0, %c0_i32 : i32, i32
  }
  func.func @transform_3(%arg0: i32) -> (i32, i32) {
    %c0_i32 = arith.constant 0 : i32
    %c0_i32_0 = arith.constant 0 : i32
    return %arg0, %c0_i32 : i32, i32
  }
}

module attributes {stable_mosaic.version = 14 : i64} {
  func.func @_tc_combine_body(%arg0: i32, %arg1: memref<1000x128xf32, #tpu.memory_space<vmem>>, %arg2: memref<1000x128xf32, #tpu.memory_space<vmem>>, %arg3: memref<1000x128xf32, #tpu.memory_space<vmem>>, %arg4: memref<1000x128xf32, #tpu.memory_space<vmem>>) attributes {dimension_semantics = [#tpu.dimension_semantics<arbitrary>], iteration_bounds = array<i64: 10>, scalar_prefetch = 0 : i64, scratch_operands = 0 : i64, tpu.core_type = #tpu.core_type<tc>, window_params = [{transform_indices = @transform_0, window_bounds = array<i64: 1000, 128>}, {transform_indices = @transform_1, window_bounds = array<i64: 1000, 128>}, {transform_indices = @transform_2, window_bounds = array<i64: 1000, 128>}, {transform_indices = @transform_3, window_bounds = array<i64: 1000, 128>}]} {
    %get3A = arith.constant 0 : index
    %get3A_0 = arith.constant 0 : index
    %get3A_1 = vector.load %arg1[%get3A, %get3A_0] : memref<1000x128xf32, #tpu.memory_space<vmem>>, vector<1000x128xf32>
    %get3A_2 = arith.constant 0 : index
    %get3A_3 = arith.constant 0 : index
    %get3A_4 = vector.load %arg2[%get3A_2, %get3A_3] : memref<1000x128xf32, #tpu.memory_space<vmem>>, vector<1000x128xf32>
    %add3A = arith.addf %get3A_1, %get3A_4 : vector<1000x128xf32>
    %get3A_5 = arith.constant 0 : index
    %get3A_6 = arith.constant 0 : index
    %get3A_7 = vector.load %arg3[%get3A_5, %get3A_6] : memref<1000x128xf32, #tpu.memory_space<vmem>>, vector<1000x128xf32>
    %add3A_8 = arith.addf %add3A, %get3A_7 : vector<1000x128xf32>
    %max3A = arith.constant 0.000000e+00 : f32
    %max3A_9 = vector.broadcast %max3A : f32 to vector<1000x128xf32>
    %max3A_10 = arith.maximumf %add3A_8, %max3A_9 : vector<1000x128xf32>
    %swap3A = arith.constant 0 : index
    %swap3A_11 = arith.constant 0 : index
    %swap3A_12 = vector.load %arg4[%swap3A, %swap3A_11] : memref<1000x128xf32, #tpu.memory_space<vmem>>, vector<1000x128xf32>
    tpu.vector_store %arg4[%swap3A, %swap3A_11], %max3A_10 {strides = array<i32>} : memref<1000x128xf32, #tpu.memory_space<vmem>>, vector<1000x128xf32>,
    return
  }
  func.func @transform_0(%arg0: i32) -> (i32, i32) {
    %c0_i32 = arith.constant 0 : i32
    %c0_i32_0 = arith.constant 0 : i32
    return %arg0, %c0_i32 : i32, i32
  }
  func.func @transform_1(%arg0: i32) -> (i32, i32) {
    %c0_i32 = arith.constant 0 : i32
    %c0_i32_0 = arith.constant 0 : i32
    return %arg0, %c0_i32 : i32, i32
  }
  func.func @transform_2(%arg0: i32) -> (i32, i32) {
    %c0_i32 = arith.constant 0 : i32
    %c0_i32_0 = arith.constant 0 : i32
    return %arg0, %c0_i32 : i32, i32
  }
  func.func @transform_3(%arg0: i32) -> (i32, i32) {
    %c0_i32 = arith.constant 0 : i32
    %c0_i32_0 = arith.constant 0 : i32
    return %arg0, %c0_i32 : i32, i32
  }
}

</mosaic_0001>

<sc_bundles>
// kernel: kernel.10.cloned.1.call-start
scs
__scs_entry_jumppad:
0x0: {  	(pc) =	sbr.rel $0x88, $3  }
0x1: {  	(tag) =	ssettag $0x0;
	lr =	simm.s32 $0x1  }
0x2: {  	[smem:$0x3F98] =	sst lr;
	_ =	strace $0xD0000000  }
0x3: {  	_ = 	snop  }
0x4: {  	_ = 	snop  }
0x5: {  	_ = 	snop  }
0x6: {  	_ = 	snop  }
0x7: {  	_ = 	snop  }
__scs_overlays_trampoline_lowered:
0x8: {  	[smem:$0x3FA7] =	sst s0  }
0x9: {  	[smem:$0x3FA8] =	sst s1  }
0xa: {  	[smem:$0x3FA9] =	sst s2  }
0xb: {  	[smem:$0x3FAA] =	sst s3  }
0xc: {  	[smem:$0x3FAB] =	sst s4  }
0xd: {  	[smem:$0x3FAC] =	sst s5  }
0xe: {  	[smem:$0x3FAD] =	sst s6  }
0xf: {  	[smem:$0x3FAE] =	sst s7  }
0x10: {  	[smem:$0x3FAF] =	sst s8  }
0x11: {  	[smem:$0x3FB0] =	sst s9;
	s0 =	simm.s32 @!p0 $0x0  }
0x12: {  	s1 =	sld [smem:$0x3F96];
	s0 =	simm.s32 @p0 $0x1  }
0x13: {  	[smem:$0x3FB1] =	sst s0;
	s0 =	simm.s32 @!p1 $0x0  }
0x14: {  	s2 =	sld [smem:$0x3F95];
	s0 =	simm.s32 @p1 $0x1  }
0x15: {  	[smem:$0x3FB2] =	sst s0;
	s0 =	simm.s32 @!p2 $0x0  }
0x16: {  	s3 =	sld [smem:$0x3FDB];
	s0 =	simm.s32 @p2 $0x1  }
0x17: {  	s4 =	simm.s32 $0x1BF5;
	[smem:$0x3FB4] =	sst s0  }
0x18: {  	s0 =	sld [smem:$0x3F97];
	_ =	swait.ge [sflag:s4], $0x0  }
0x19: {  	s7 =	sld [smem:$0x3F98]  }
0x1a: {  	s8 =	sadd.s32 $0xFFFFE003, lr  }
0x1b: {  	s9 =	sadd.s32 $0xFFFFFEF7, lr;
	s5 =	simm.s32 $0xFFFFFFFF;
	p2 =	slt.u32 s8, $0xFFFFF086  }
0x1c: {  	p1 =	slt.u32 s9, $0xF7A;
	s5 =	simm.s32 @!p2 $0x0  }
0x1d: {  	s5 =	simm.s32 @p1 $0x1;
	p0 =	seq.s32 s7, s2  }
0x1e: {  	s7 =	smul.u32 @!p0 $0xF7A, s2;
	p2 =	seq.s32 @!p0 s5, $0x0  }
0x1f: {  	s9 =	smul.u32 $0xF7A, s1;
	s8 =	simm.s32 @!p0 $0x1BF5;
	p2 =	por !p2, p0  }
0x20: {  	[sflag:s8] =	ssyncset.s32 @!p0 $0xFFFFF086;
	s6 =	sadd.s32 @!p0 s3, s7;
	s7 =	simm.s32 @!p0 $0x108  }
0x21: {  	s3 =	sadd.s32 s3, s9;
	s6 =	sadd.s32 @!p0 $0x88, s6;
	s7 =	simm.s32 @p2 $0x1082  }
0x22: {  	[simem:s7], [sflag:s8] =	dma.local @!p0 [hbm:s6], $0xF7A  }
0x23: {  	s9 =	sor.u32 $0xD0000000, s2;
	s6 =	simm.s32 $0x108;
	_ =	swait.ge @!p0 [sflag:s8], $0x0  }
0x24: {  	s3 =	sadd.s32 $0x88, s3;
	s6 =	simm.s32 @!p1 $0x1082;
	[sflag:s4] =	ssyncset.s32 $0xFFFFF086  }
0x25: {  	[simem:s6], [sflag:s4] =	dma.local [hbm:s3], $0xF7A  }
0x26: {  	[smem:$0x3F98] =	sst s1;
	(tag) =	ssettag s2;
	_ =	strace s9  }
0x27: {  	s1 =	sld [smem:$0x3FA8]  }
0x28: {  	s2 =	sld [smem:$0x3FA9]  }
0x29: {  	s4 =	sld [smem:$0x3FAB]  }
0x2a: {  	p0 =	seq.s32 s5, $0x0;
	s5 =	sld [smem:$0x3FAC]  }
0x2b: {  	s6 =	sld [smem:$0x3FAD]  }
0x2c: {  	s7 =	sld [smem:$0x3FAE]  }
0x2d: {  	s3 =	simm.s32 $0x108;
	s8 =	sld [smem:$0x3FAF]  }
0x2e: {  	s3 =	simm.s32 @!p0 $0x1082;
	s9 =	sld [smem:$0x3FB0]  }
0x2f: {  	lr =	sadd.s32 s0, s3;
	s0 =	sld [smem:$0x3FA7]  }
0x30: {  	s3 =	sld [smem:$0x3FAA]  }
0x31: {  	[smem:$0x3FB3] =	sst s10  }
0x32: {  	s10 =	sld [smem:$0x3FB1];
	_ =	sdelay $0x3  }
0x33: {  	p0 =	seq.s32 s10, $0x1;
	s10 =	sld [smem:$0x3FB3];
	_ =	sdelay $0x3  }
0x34: {  	[smem:$0x3FB3] =	sst s10  }
0x35: {  	s10 =	sld [smem:$0x3FB2];
	_ =	sdelay $0x3  }
0x36: {  	p1 =	seq.s32 s10, $0x1;
	s10 =	sld [smem:$0x3FB3];
	_ =	sdelay $0x3  }
0x37: {  	[smem:$0x3FB3] =	sst s10  }
0x38: {  	s10 =	sld [smem:$0x3FB4]  }
0x39: {  	_ = 	snop;
	(pc) =	sbr.ind lr, $3  }
0x3a: {  	_ = 	snop  }
0x3b: {  	_ = 	snop  }
0x3c: {  	p2 =	seq.s32 s10, $0x1;
	s10 =	sld [smem:$0x3FB3]  }
0x3d: {  	_ =	shalt  }
0x3e: {  	_ =	shalt  }
0x3f: {  	_ =	shalt  }
0x40: {  	_ =	shalt  }
0x41: {  	_ =	shalt  }
0x42: {  	_ =	shalt  }
0x43: {  	_ =	shalt  }
0x44: {  	_ =	shalt  }
0x45: {  	_ =	shalt  }
0x46: {  	_ =	shalt  }
0x47: {  	_ =	shalt  }
0x48: {  	_ =	shalt  }
0x49: {  	_ =	shalt  }
0x4a: {  	_ =	shalt  }
0x4b: {  	_ =	shalt  }
0x4c: {  	_ =	shalt  }
0x4d: {  	_ =	shalt  }
0x4e: {  	_ =	shalt  }
0x4f: {  	_ =	shalt  }
0x50: {  	_ =	shalt  }
0x51: {  	_ =	shalt  }
0x52: {  	_ =	shalt  }
0x53: {  	_ =	shalt  }
0x54: {  	_ =	shalt  }
0x55: {  	_ =	shalt  }
0x56: {  	_ =	shalt  }
0x57: {  	_ =	shalt  }
0x58: {  	_ =	shalt  }
0x59: {  	_ =	shalt  }
0x5a: {  	_ =	shalt  }
0x5b: {  	_ =	shalt  }
0x5c: {  	_ =	shalt  }
0x5d: {  	_ =	shalt  }
0x5e: {  	_ =	shalt  }
0x5f: {  	_ =	shalt  }
0x60: {  	_ =	shalt  }
0x61: {  	_ =	shalt  }
0x62: {  	_ =	shalt  }
0x63: {  	_ =	shalt  }
0x64: {  	_ =	shalt  }
0x65: {  	_ =	shalt  }
0x66: {  	_ =	shalt  }
0x67: {  	_ =	shalt  }
0x68: {  	_ =	shalt  }
0x69: {  	_ =	shalt  }
0x6a: {  	_ =	shalt  }
0x6b: {  	_ =	shalt  }
0x6c: {  	_ =	shalt  }
0x6d: {  	_ =	shalt  }
0x6e: {  	_ =	shalt  }
0x6f: {  	_ =	shalt  }
0x70: {  	_ =	shalt  }
0x71: {  	_ =	shalt  }
0x72: {  	_ =	shalt  }
0x73: {  	_ =	shalt  }
0x74: {  	_ =	shalt  }
0x75: {  	_ =	shalt  }
0x76: {  	_ =	shalt  }
0x77: {  	_ =	shalt  }
0x78: {  	_ =	shalt  }
0x79: {  	_ =	shalt  }
0x7a: {  	_ =	shalt  }
0x7b: {  	_ =	shalt  }
0x7c: {  	_ =	shalt  }
0x7d: {  	_ =	shalt  }
0x7e: {  	_ =	shalt  }
0x7f: {  	_ =	shalt  }
0x80: {  	_ =	shalt  }
0x81: {  	_ =	shalt  }
0x82: {  	_ =	shalt  }
0x83: {  	_ =	shalt  }
0x84: {  	_ =	shalt  }
0x85: {  	_ =	shalt  }
0x86: {  	_ =	shalt  }
0x87: {  	_ =	shalt  }
.Lfunc_end0:
.L_simem_size_0:
called_computation_lowered:
.L_overlay_start_0:
0x88: {  	s2 =	sld [smem:$0x3FD9]  }
0x89: {  	s3 =	sld [smem:$0x3FFE];
	_ =	sdelay $0x1  }
0x8a: {  	s1 =	srdreg.scid  }
0x8b: {  	s0 =	sand.u32 $0x1, s1  }
0x8c: {  	s17 =	sshll.u32 s0, $0xA;
	s2 =	sadd.s32 s3, s2  }
0x8d: {  	s2 =	sadd.s32 s2, s17  }
0x8e: {  	[smem:$0x3FBF] =	sst s2  }
0x8f: {  	_ = 	snop  }
0x90: {  	s2 =	sld [smem:$0x3FD0];
	(tm) =	ssettm $0x1  }
0x91: {  	s18 =	sld [smem:$0x3FFB];
	_ =	sdelay $0x3  }
0x92: {  	_ =	strace s18  }
0x93: {  	s3 =	sld [smem:$0x3FFC];
	_ =	sdelay $0x3  }
0x94: {  	_ =	strace s3  }
0x95: {  	s3 =	sld [smem:$0x3FFD];
	_ =	sdelay $0x3  }
0x96: {  	_ =	strace s3  }
0x97: {  	_ =	strace $0x8FFFFFFF  }
0x98: {  	s19 =	sld [smem:$0x3FDB];
	_ =	sdelay $0x1  }
0x99: {  	s4 =	simm.s32 $_scs_section_size  }
0x9a: {  	s5 =	simm.s32 $_size__tile_overlayer_lowered;
	s6 =	simm.s32 $_tile_overlayer_lowered  }
0x9b: {  	s22 =	simm.s32 $0x1BFF;
	s21 =	sshll.u32 s6, $0x1;
	s3 =	sadd.s32 s4, s19  }
0x9c: {  	s7 =	simm.s32 $0x0;
	s20 =	sshll.u32 s5, $0x1;
	s5 =	sadd.s32 s21, s3  }
0x9d: {  	[timem:s7], [sflag:s22] =	dma.local [hbm:s5], s20  }
0x9e: {  	_ =	swait.ge [sflag:s22], s20  }
0x9f: {  	s4 =	ssub.s32 $0x0, s20;
	[sflag:s22] =	ssyncset.done $0x0  }
0xa0: {  	[sflag:s22] =	ssyncadd.s32 s4;
	_ =	sdelay $0x1  }
0xa1: {  	s23 =	simm.s32 $0x1B8B  }
0xa2: {  	_ =	swait.ge [sflag:s23], $0x1  }
0xa3: {  	[sflag:s23] =	ssyncset.done $0x0  }
0xa4: {  	s25 =	simm.s32 $0x1B8E;
	s24 =	sld [smem:$0x3FFE];
	[sflag:s23] =	ssyncadd.s32 $0xFFFFFFFF  }
0xa5: {  	s26 =	simm.s32 $execute0_lowered;
	[smem:$0x3FD2] =	sst s25  }
0xa6: {  	s5 =	sshll.u32 s26, $0x1;
	_ =	strace $0x80000046;
	[dreg:$0x1] =	wrdreg $0xFFFFFFFF  }
0xa7: {  	s28 =	simm.s32 $_size_execute0_lowered;
	s3 =	sadd.s32 s3, s5;
	[dreg:$0x0] =	wrdreg $0x0  }
0xa8: {  	s5 =	sshll.u32 s28, $0x1;
	[dreg:$0x2] =	wrdreg s3  }
0xa9: {  	[dreg:$0x3] =	wrdreg s5  }
0xaa: {  	[dreg:$0x4] =	wrdreg $0xC0  }
0xab: {  	_ =	task [dreg:s7], $0x5FFFF  }
0xac: {  	[dreg:$0x1] =	wrdreg $0xFFFFFFFF  }
0xad: {  	[dreg:$0x0] =	wrdreg $0x60  }
0xae: {  	[dreg:$0x2] =	wrdreg s2  }
0xaf: {  	[dreg:$0x3] =	wrdreg s24  }
0xb0: {  	[dreg:$0x4] =	wrdreg $0x0  }
0xb1: {  	[dreg:$0x5] =	wrdreg $0x9  }
0xb2: {  	_ =	task.clear_ibuf [dreg:s7], $0x6FFFF;
	_ =	strace $0x90000046  }
0xb3: {  	s29 =	simm.s32 $0x9;
	_ =	strace $0x80000048  }
0xb4: {  	_ =	swait.ge [sflag:s29], $0x1  }
0xb5: {  	[sflag:s29] =	ssyncadd.s32 $0xFFFFFFFF  }
0xb6: {  	_ =	strace $0x90000048  }
0xb7: {  	_ =	sfence  }
0xb8: {  	s30 =	sld [smem:$0x0];
	_ =	sdelay $0x2  }
0xb9: {  	s31 =	sshll.u32 s1, $0xD;
	s1 =	sshrl.u32 s1, $0x2  }
0xba: {  	s3 =	sand.u32 $0x4000, s31;
	s1 =	sadd.s32 s1, s30  }
0xbb: {  	s0 =	sor.u32 s3, s0;
	s1 =	sshll.u32 s1, $0x11  }
0xbc: {  	s0 =	sor.u32 s1, s0  }
0xbd: {  	s0 =	sadd.s32 $0x8F2B, s0  }
0xbe: {  	[sflag:s0] =	ssyncadd.remote.s32 $0x1  }
0xbf: {  	_ =	sfence.sel $0xFFFF  }
0xc0: {  	[dreg:$0x0] =	wrdreg $0xFFFFFFFF;
	(pc) =	sbr.abs _section_cstart, $3  }
0xc1: {  	[dreg:$0x1] =	wrdreg $0xFFFFFFFF  }
0xc2: {  	_ =	task.clear_ibuf [dreg:s7], $0x2FFFF;
	_ =	strace $0x9FFFFFFF  }
0xc3: {  	(tm) =	ssettm $0x7FFFFFFF  }
tec
execute0_lowered:
.L_overlay_start_1:
0x0: {  	(tag) =	ssettag $0x1  }
0x1: {  	s1 =	rddreg [dreg:$0x0]  }
0x2: {  	s0 =	rddreg [dreg:$0x1]  }
0x3: {  	s3 =	rddreg [dreg:$0x2]  }
0x4: {  	s2 =	srdreg.scid;
	s11 =	stileid.u32  }
0x5: {  	s4 =	simm.s32 $0x0;
	s28 =	simm.s32 $0x2;
	s29 =	simm.s32 $0x15880  }
0x6: {  	s30 =	simm.s32 $0x18100;
	s31 =	simm.s32 $0x3;
	s15 =	simm.s32 $0x0  }
0x7: {  	s2 =	sand.u32 $0x1, s2;
	s8 =	smul.u32 $0x280, s11;
	[smem:$0x7FF] =	sst s4  }
0x8: {  	s5 =	sadd.s32 $0xC600, s0;
	s6 =	sadd.s32 $0x2800, s0;
	s10 =	smul.u32 $0x50000, s11  }
0x9: {  	s7 =	sadd.s32 $0x2A000, s0;
	s11 =	sshll.u32 s11, $0x1;
	s9 =	smul.u32 $0x2800, s2  }
0xa: {  	_ =	strace $0x80000047;
	s19 =	ssub.s32 $0x2, s2;
	s2 =	sor.u32 s2, s11  }
0xb: {  	s20 =	sshrl.u32 s19, $0x1;
	s21 =	sshrl.u32 s10, $0x2;
	s8 =	sadd.s32 s9, s8  }
0xc: {  	s10 =	simm.s32 $0x15800;
	s12 =	ssub.s32 s19, s20;
	s8 =	sshll.u32 s8, $0x4  }
0xd: {  	s9 =	smul.u32 $0x2710, s2;
	s22 =	smax.u32 s12, $0x1;
	s0 =	sadd.s32 s8, s0  }
0xe: {  	s20 =	simm.s32 $0x1A900;
	[dreg:$0x4] =	wrdreg s22;
	s23 =	sadd.s32 $0x33E00, s0  }
0xf: {  	s2 =	simm.s32 $0x1;
	s24 =	sadd.s32 $0x34600, s0;
	[dreg:$0x9] =	wrdreg s23  }
0x10: {  	s8 =	sadd.s32 s21, s3;
	s25 =	sadd.s32 $0x34E00, s0;
	[dreg:$0xa] =	wrdreg s24  }
0x11: {  	s21 =	simm.s32 $0x5;
	s26 =	sadd.s32 $0x35600, s0;
	[dreg:$0xb] =	wrdreg s25  }
0x12: {  	s22 =	simm.s32 $0x14000;
	s0 =	sadd.s32 $0x35E00, s0;
	[dreg:$0xc] =	wrdreg s26  }
.Ltmp0:
0x13: {  	s13 =	sadd.s32 $0x4000, s8;
	[dreg:$0xd] =	wrdreg s0;
	(pc) =	sbr.rel .LBB2_1-.Ltmp0, $4  }
0x14: {  	s14 =	sadd.s32 $0x8000, s8;
	s16 =	sadd.s32 $0xC000, s8;
	[dreg:$0x5] =	wrdreg s13  }
0x15: {  	s17 =	sadd.s32 $0x10000, s8;
	s23 =	simm.s32 $0x14800;
	[dreg:$0x6] =	wrdreg s14  }
0x16: {  	s24 =	simm.s32 $0x15000;
	s25 =	simm.s32 $0x50;
	[dreg:$0x7] =	wrdreg s16  }
0x17: {  	v0 =	vimm.f32 $0.0e+00;
	s26 =	simm.s32 $0x15900;
	s0 =	simm.s32 $0x4;
	[dreg:$0x8] =	wrdreg s17  }
.LBB2_18:
0x18: {  	[bflag:$0x0] =	sbarrier.arrive $0xFFFF  }
0x19: {  	[tilespmem:s20], [sflag:$0x5] =	stream.linear.gather [spmem:s4], $0x4000, $0x38;
	[tilespmem:$0x1E900] =	vst v63  }
0x1a: {  	_ =	swait.ge [sflag:s21], $0x4000  }
0x1b: {  	[sflag:s21] =	ssyncset.done $0x0  }
0x1c: {  	s12 =	simm.s32 $0x0;
	s11 =	rddreg [dreg:$0x9];
	[sflag:s21] =	ssyncadd.s32 $0xFFFFC000  }
0x1d: {  	[hbm4b:s11+s12] =	stream.linear.scatter [tilespmem:s20], [sflag:$0x5], $0x4000, $0x38;
	[tilespmem:$0x1E900] =	vst v63  }
0x1e: {  	_ =	swait.ge [sflag:s21], $0x4000  }
0x1f: {  	[sflag:s21] =	ssyncset.done $0x0  }
0x20: {  	s13 =	rddreg [dreg:$0x5];
	[sflag:s21] =	ssyncadd.s32 $0xFFFFC000  }
0x21: {  	[tilespmem:s20], [sflag:$0x5] =	stream.linear.gather [spmem:s13], $0x4000, $0x38;
	[tilespmem:$0x1E900] =	vst v63  }
0x22: {  	_ =	swait.ge [sflag:s21], $0x4000  }
0x23: {  	[sflag:s21] =	ssyncset.done $0x0  }
0x24: {  	s14 =	rddreg [dreg:$0xa];
	[sflag:s21] =	ssyncadd.s32 $0xFFFFC000  }
0x25: {  	[hbm4b:s14+s12] =	stream.linear.scatter [tilespmem:s20], [sflag:$0x5], $0x4000, $0x38;
	[tilespmem:$0x1E900] =	vst v63  }
0x26: {  	_ =	swait.ge [sflag:s21], $0x4000  }
0x27: {  	[sflag:s21] =	ssyncset.done $0x0  }
0x28: {  	s14 =	rddreg [dreg:$0x6];
	[sflag:s21] =	ssyncadd.s32 $0xFFFFC000  }
0x29: {  	[tilespmem:s20], [sflag:$0x5] =	stream.linear.gather [spmem:s14], $0x4000, $0x38;
	[tilespmem:$0x1E900] =	vst v63  }
0x2a: {  	_ =	swait.ge [sflag:s21], $0x4000  }
0x2b: {  	[sflag:s21] =	ssyncset.done $0x0  }
0x2c: {  	s16 =	rddreg [dreg:$0xb];
	[sflag:s21] =	ssyncadd.s32 $0xFFFFC000  }
0x2d: {  	[hbm4b:s16+s12] =	stream.linear.scatter [tilespmem:s20], [sflag:$0x5], $0x4000, $0x38;
	[tilespmem:$0x1E900] =	vst v63  }
0x2e: {  	_ =	swait.ge [sflag:s21], $0x4000  }
0x2f: {  	[sflag:s21] =	ssyncset.done $0x0  }
0x30: {  	s16 =	rddreg [dreg:$0x7];
	[sflag:s21] =	ssyncadd.s32 $0xFFFFC000  }
0x31: {  	[tilespmem:s20], [sflag:$0x5] =	stream.linear.gather [spmem:s16], $0x4000, $0x38;
	[tilespmem:$0x1E900] =	vst v63  }
0x32: {  	_ =	swait.ge [sflag:s21], $0x4000  }
0x33: {  	[sflag:s21] =	ssyncset.done $0x0  }
0x34: {  	s17 =	rddreg [dreg:$0xc];
	[sflag:s21] =	ssyncadd.s32 $0xFFFFC000  }
0x35: {  	[hbm4b:s17+s12] =	stream.linear.scatter [tilespmem:s20], [sflag:$0x5], $0x4000, $0x38;
	[tilespmem:$0x1E900] =	vst v63  }
0x36: {  	_ =	swait.ge [sflag:s21], $0x4000  }
0x37: {  	[sflag:s21] =	ssyncset.done $0x0  }
0x38: {  	s17 =	rddreg [dreg:$0x8];
	[sflag:s21] =	ssyncadd.s32 $0xFFFFC000  }
0x39: {  	[tilespmem:s20], [sflag:$0x5] =	stream.linear.gather [spmem:s17], $0x4000, $0x38;
	[tilespmem:$0x1E900] =	vst v63  }
0x3a: {  	_ =	swait.ge [sflag:s21], $0x4000  }
0x3b: {  	[sflag:s21] =	ssyncset.done $0x0  }
0x3c: {  	s18 =	rddreg [dreg:$0xd];
	[sflag:s21] =	ssyncadd.s32 $0xFFFFC000  }
0x3d: {  	[hbm4b:s18+s12] =	stream.linear.scatter [tilespmem:s20], [sflag:$0x5], $0x4000, $0x38;
	[tilespmem:$0x1E900] =	vst v63  }
0x3e: {  	_ =	swait.ge [sflag:s21], $0x4000  }
0x3f: {  	s15 =	sadd.s32 $0x1, s15;
	s19 =	rddreg [dreg:$0x4]  }
0x40: {  	p0 =	sne.s32 s15, s19  }
.Ltmp1:
0x41: {  	_ = 	snop;
	(pc) =	sbr.rel @!p0 .LBB2_19-.Ltmp1, $3  }
0x42: {  	_ =	sdelay $0x1  }
0x43: {  	[sflag:s21] =	ssyncset.done $0x0  }
0x44: {  	s8 =	smov.u32 s4;
	[sflag:s21] =	ssyncadd.s32 $0xFFFFC000  }
.LBB2_1:
0x45: {  	s11 =	simm.s32 $0x0;
	s12 =	simm.s32 $0x200  }
.LBB2_2:
0x46: {  	p0 =	sne.s32 s12, $0xFE00;
	[tilespmem:s11+$0x1A970] =	vst v0  }
0x47: {  	[tilespmem:s11+$0x1A900] =	vst v0  }
0x48: {  	[tilespmem:s11+$0x1A910] =	vst v0  }
.Ltmp2:
0x49: {  	[tilespmem:s11+$0x1A920] =	vst v0;
	(pc) =	sbr.rel @p0 .LBB2_2-.Ltmp2, $4  }
0x4a: {  	[tilespmem:s11+$0x1A930] =	vst v0  }
0x4b: {  	[tilespmem:s11+$0x1A940] =	vst v0  }
0x4c: {  	[tilespmem:s11+$0x1A950] =	vst v0  }
0x4d: {  	[tilespmem:s11+$0x1A960] =	vst v0;
	s11 =	sshra.s32 s12, $0x2;
	s12 =	sadd.s32 $0x200, s12  }
0x4e: {  	[tilespmem:s11+$0x1A970] =	vst v0  }
0x4f: {  	[tilespmem:s11+$0x1A900] =	vst v0  }
0x50: {  	[tilespmem:s11+$0x1A910] =	vst v0  }
0x51: {  	[tilespmem:s11+$0x1A920] =	vst v0  }
0x52: {  	[tilespmem:s11+$0x1A930] =	vst v0  }
0x53: {  	[tilespmem:s11+$0x1A940] =	vst v0  }
0x54: {  	[tilespmem:s11+$0x1A950] =	vst v0  }
0x55: {  	[tilespmem:s11+$0x1A960] =	vst v0  }
0x56: {  	[spmem:s8] =	stream.linear.scatter [tilespmem:s20], [sflag:$0x5], $0x4000, $0x38;
	[tilespmem:$0x1E900] =	vst v63  }
0x57: {  	_ =	swait.ge [sflag:s21], $0x4000  }
0x58: {  	[sflag:s21] =	ssyncset.done $0x0  }
0x59: {  	[sflag:s21] =	ssyncadd.s32 $0xFFFFC000  }
0x5a: {  	[spmem:s13] =	stream.linear.scatter [tilespmem:s20], [sflag:$0x5], $0x4000, $0x38;
	[tilespmem:$0x1E900] =	vst v63  }
0x5b: {  	_ =	swait.ge [sflag:s21], $0x4000  }
0x5c: {  	[sflag:s21] =	ssyncset.done $0x0  }
0x5d: {  	[sflag:s21] =	ssyncadd.s32 $0xFFFFC000  }
0x5e: {  	[spmem:s14] =	stream.linear.scatter [tilespmem:s20], [sflag:$0x5], $0x4000, $0x38;
	[tilespmem:$0x1E900] =	vst v63  }
0x5f: {  	_ =	swait.ge [sflag:s21], $0x4000  }
0x60: {  	[sflag:s21] =	ssyncset.done $0x0  }
0x61: {  	[sflag:s21] =	ssyncadd.s32 $0xFFFFC000  }
0x62: {  	[spmem:s16] =	stream.linear.scatter [tilespmem:s20], [sflag:$0x5], $0x4000, $0x38;
	[tilespmem:$0x1E900] =	vst v63  }
0x63: {  	_ =	swait.ge [sflag:s21], $0x4000  }
0x64: {  	[sflag:s21] =	ssyncset.done $0x0  }
0x65: {  	[sflag:s21] =	ssyncadd.s32 $0xFFFFC000  }
0x66: {  	[spmem:s17] =	stream.linear.scatter [tilespmem:s20], [sflag:$0x5], $0x4000, $0x38;
	[tilespmem:$0x1E900] =	vst v63  }
.Ltmp3:
0x67: {  	_ =	swait.ge [sflag:s21], $0x4000;
	(pc) =	sbr.rel .LBB2_4-.Ltmp3, $4  }
0x68: {  	[sflag:s21] =	ssyncset.done $0x0  }
0x69: {  	[sflag:s21] =	ssyncadd.s32 $0xFFFFC000  }
0x6a: {  	[bflag:$0x0] =	sbarrier.arrive $0xFFFF  }
0x6b: {  	s4 =	smov.u32 s8;
	s16 =	simm.s32 $0x0;
	s17 =	simm.s32 $0x0  }
.LBB2_17:
0x6c: {  	s17 =	sadd.s32 $0x1, s17  }
0x6d: {  	_ =	swait.ge [sflag:s31], $0x2800;
	p0 =	sne.s32 s17, $0x5  }
.Ltmp4:
0x6e: {  	[sflag:s31] =	ssyncset.done $0x0;
	(pc) =	sbr.rel @!p0 .LBB2_18-.Ltmp4, $4  }
0x6f: {  	[sflag:s31] =	ssyncadd.s32 $0xFFFFD800  }
0x70: {  	_ =	swait.ge [sflag:s0], $0x2800  }
0x71: {  	[sflag:s0] =	ssyncset.done $0x0  }
0x72: {  	[sflag:s0] =	ssyncadd.s32 $0xFFFFD800  }
.LBB2_4:
0x73: {  	s11 =	smul.u32 $0x7D0, s17;
	_ =	sdelay $0x1  }
0x74: {  	s11 =	sadd.s32 s9, s11  }
0x75: {  	s11 =	sshrl.u32 s11, $0x3  }
0x76: {  	s12 =	sadd.s32 s5, s11  }
0x77: {  	[tilespmem:s22], [sflag:$0x5] =	stream.linear.gather [hbm4b:s12+s16], $0x7D0, $0x38;
	[tilespmem:$0x1E900] =	vst v63  }
0x78: {  	_ =	swait.ge [sflag:s21], $0x7D0  }
0x79: {  	[sflag:s21] =	ssyncset.done $0x0  }
0x7a: {  	s19 =	sadd.s32 s6, s11;
	[sflag:s21] =	ssyncadd.s32 $0xFFFFF830  }
0x7b: {  	[tilespmem:s23], [sflag:$0x5] =	stream.linear.gather [hbm4b:s19+s16], $0x7D0, $0x38;
	[tilespmem:$0x1E900] =	vst v63  }
0x7c: {  	_ =	swait.ge [sflag:s21], $0x7D0  }
0x7d: {  	[sflag:s21] =	ssyncset.done $0x0  }
0x7e: {  	s11 =	sadd.s32 s7, s11;
	[sflag:s21] =	ssyncadd.s32 $0xFFFFF830  }
0x7f: {  	[tilespmem:s24], [sflag:$0x5] =	stream.linear.gather [hbm4b:s11+s16], $0x7D0, $0x38;
	[tilespmem:$0x1E900] =	vst v63  }
.Ltmp5:
0x80: {  	_ = 	snop;
	(pc) =	sbr.rel .LBB2_5-.Ltmp5, $4  }
0x81: {  	_ =	swait.ge [sflag:s21], $0x7D0  }
0x82: {  	[sflag:s21] =	ssyncset.done $0x0  }
0x83: {  	s18 =	simm.s32 $0x0;
	s19 =	simm.s32 $0x0;
	[sflag:s21] =	ssyncadd.s32 $0xFFFFF830  }
0x84: {  	[tilespmem:s26], [sflag:$0x1] =	stream.indirect.gather [hbm4b:s1+s25], $0x80, s22, s25, $0xb8;
	[tilespmem:$0x1E900] =	vst v63  }
.LBB2_15:
0x85: {  	[tilespmem:s11+$0x30] =	vst v9  }
0x86: {  	[tilespmem:s11+$0xFFFFFFC0] =	vst v7  }
0x87: {  	v1 =	vmul.f32 v1, v2;
	[tilespmem:s11+$0x10] =	vst v8  }
0x88: {  	v5 =	vmul.f32 v5, v2;
	[tilespmem:s11+$0xFFFFFFE0] =	vst v6  }
0x89: {  	v3 =	vmul.f32 v3, v2;
	[tilespmem:s11+$0xFFFFFFF0] =	vst v1  }
0x8a: {  	s8 =	smul.u32 $0x140, s19;
	v1 =	vmul.f32 v4, v2;
	[tilespmem:s11+$0x0] =	vst v5  }
0x8b: {  	[tilespmem:s11+$0x20] =	vst v3  }
0x8c: {  	s8 =	sshra.s32 s8, $0x2;
	[tilespmem:s11+$0xFFFFFFD0] =	vst v1  }
0x8d: {  	v1 =	vld [tilespmem:s8+$0x14800];
	_ =	sdelay $0x4  }
0x8e: {  	[tilespmem:$0x15880] =	vst v1  }
0x8f: {  	v1 =	vld [tilespmem:s8+$0x14810];
	_ =	sdelay $0x4  }
0x90: {  	[tilespmem:$0x15890] =	vst v1  }
0x91: {  	v1 =	vld [tilespmem:s8+$0x14820];
	_ =	sdelay $0x4  }
0x92: {  	[tilespmem:$0x158A0] =	vst v1  }
0x93: {  	v1 =	vld [tilespmem:s8+$0x14830];
	_ =	sdelay $0x4  }
0x94: {  	[tilespmem:$0x158B0] =	vst v1  }
0x95: {  	v1 =	vld [tilespmem:s8+$0x14840];
	_ =	sdelay $0x4  }
0x96: {  	[tilespmem:$0x158C0] =	vst v1  }
0x97: {  	[spmem:s3] =	stream.indirect.scatter.add.f32 [tilespmem:s30], [sflag:$0x4], $0x80, s29, s25, $0xb8;
	[tilespmem:$0x1E900] =	vst v63  }
.LBB2_16:
0x98: {  	s19 =	sadd.s32 $0x1, s19  }
0x99: {  	p0 =	sne.s32 s19, $0x19  }
.Ltmp6:
0x9a: {  	_ = 	snop;
	(pc) =	sbr.rel @!p0 .LBB2_17-.Ltmp6, $2  }
0x9b: {  	_ =	sdelay $0x2  }
0x9c: {  	s18 =	sadd.s32 $0x50, s18  }
.LBB2_5:
0x9d: {  	s11 =	sand.u32 $0x1, s19  }
0x9e: {  	p0 =	seq.s32 s11, $0x1  }
.Ltmp7:
0x9f: {  	_ = 	snop;
	(pc) =	sbr.rel @p0 .LBB2_13-.Ltmp7, $1  }
0xa0: {  	_ =	sdelay $0x3  }
0xa1: {  	p0 =	seq.s32 s19, $0x0  }
.Ltmp8:
0xa2: {  	_ = 	snop;
	(pc) =	sbr.rel @p0 .LBB2_9-.Ltmp8, $4  }
0xa3: {  	_ = 	snop  }
0xa4: {  	_ =	swait.ge [sflag:s2], $0x2800  }
0xa5: {  	[sflag:s2] =	ssyncset.done $0x0  }
0xa6: {  	[sflag:s2] =	ssyncadd.s32 $0xFFFFD800  }
0xa7: {  	p0 =	seq.s32 s19, $0x18  }
.Ltmp9:
0xa8: {  	_ = 	snop;
	(pc) =	sbr.rel @p0 .LBB2_10-.Ltmp9, $1  }
0xa9: {  	_ =	sdelay $0x3  }
0xaa: {  	_ =	swait.ge [sflag:s0], $0x2800  }
0xab: {  	[sflag:s0] =	ssyncset.done $0x0  }
0xac: {  	[sflag:s0] =	ssyncadd.s32 $0xFFFFD800  }
.LBB2_9:
0xad: {  	s12 =	smul.u32 $0x140, s19;
	_ =	sdelay $0x1  }
0xae: {  	s12 =	sshra.s32 s12, $0x2  }
0xaf: {  	s12 =	sadd.s32 $0x14050, s12  }
0xb0: {  	[tilespmem:s30], [sflag:$0x2] =	stream.indirect.gather [hbm4b:s1+s25], $0x80, s12, s25, $0xb8;
	[tilespmem:$0x1E900] =	vst v63  }
.LBB2_10:
0xb1: {  	s12 =	sadd.s32 $0x0, s18  }
0xb2: {  	v1 =	vmov s12  }
0xb3: {  	s12 =	simm.s32 $0x15940  }
0xb4: {  	v5 =	vld [tilespmem:s12+$0x30]  }
0xb5: {  	v8 =	vld [tilespmem:s12+$0x10]  }
0xb6: {  	v6 =	vld [tilespmem:s12+$0xFFFFFFC0]  }
0xb7: {  	v2 =	vld.idx.msk [tilespmem:v1+s24+$0x0], $0xffff  }
0xb8: {  	v10 =	vld [tilespmem:s12+$0xFFFFFFE0]  }
0xb9: {  	v3 =	vld [tilespmem:s12+$0x20]  }
0xba: {  	v4 =	vld [tilespmem:s12+$0xFFFFFFD0]  }
0xbb: {  	v1 =	vld [tilespmem:s12+$0xFFFFFFF0]  }
0xbc: {  	v9 =	vmul.f32 v5, v2;
	v5 =	vld [tilespmem:s12+$0x0]  }
0xbd: {  	v7 =	vmul.f32 v6, v2  }
0xbe: {  	s13 =	simm.s32 $0x1;
	s14 =	simm.s32 $0x15940;
	v6 =	vmul.f32 v10, v2;
	v8 =	vmul.f32 v8, v2  }
.LBB2_11:
0xbf: {  	p0 =	sne.s32 s13, $0x4F  }
0xc0: {  	v4 =	vmul.f32 v4, v2;
	v3 =	vmul.f32 v3, v2;
	[tilespmem:s12+$0x30] =	vst v9;
	s14 =	sadd.s32 $0x80, s14;
	s8 =	smov.u32 s13;
	s13 =	sadd.s32 $0x1, s13  }
0xc1: {  	[tilespmem:s12+$0xFFFFFFC0] =	vst v7;
	v7 =	vmul.f32 v1, v2;
	v2 =	vmul.f32 v5, v2  }
0xc2: {  	s8 =	sadd.s32 s8, s18;
	[tilespmem:s12+$0x10] =	vst v8  }
0xc3: {  	v5 =	vmov s8;
	[tilespmem:s12+$0xFFFFFFE0] =	vst v6  }
0xc4: {  	v1 =	vld [tilespmem:s14+$0xFFFFFFF0];
	[tilespmem:s12+$0xFFFFFFF0] =	vst v7  }
0xc5: {  	v6 =	vld [tilespmem:s14+$0x30];
	[tilespmem:s12+$0x0] =	vst v2  }
0xc6: {  	v8 =	vld [tilespmem:s14+$0x10];
	[tilespmem:s12+$0x20] =	vst v3  }
0xc7: {  	v7 =	vld [tilespmem:s14+$0xFFFFFFC0];
	[tilespmem:s12+$0xFFFFFFD0] =	vst v4;
	s12 =	smov.u32 s14  }
0xc8: {  	v2 =	vld.idx.msk [tilespmem:v5+s24+$0x0], $0xffff  }
0xc9: {  	v10 =	vld [tilespmem:s14+$0xFFFFFFE0]  }
0xca: {  	v3 =	vld [tilespmem:s14+$0x20]  }
.Ltmp10:
0xcb: {  	v4 =	vld [tilespmem:s14+$0xFFFFFFD0];
	(pc) =	sbr.rel @p0 .LBB2_11-.Ltmp10, $3  }
0xcc: {  	v5 =	vld [tilespmem:s14+$0x0];
	_ =	sdelay $0x1  }
0xcd: {  	v7 =	vmul.f32 v7, v2;
	v9 =	vmul.f32 v6, v2  }
0xce: {  	v8 =	vmul.f32 v8, v2;
	v6 =	vmul.f32 v10, v2  }
0xcf: {  	[tilespmem:s12+$0x30] =	vst v9  }
0xd0: {  	[tilespmem:s12+$0xFFFFFFC0] =	vst v7  }
0xd1: {  	v1 =	vmul.f32 v1, v2;
	[tilespmem:s12+$0x10] =	vst v8  }
0xd2: {  	v3 =	vmul.f32 v3, v2;
	[tilespmem:s12+$0xFFFFFFE0] =	vst v6  }
0xd3: {  	v5 =	vmul.f32 v5, v2;
	[tilespmem:s12+$0xFFFFFFF0] =	vst v1  }
0xd4: {  	s8 =	smul.u32 $0x140, s19;
	v1 =	vmul.f32 v4, v2;
	[tilespmem:s12+$0x20] =	vst v3  }
0xd5: {  	[tilespmem:s12+$0x0] =	vst v5  }
0xd6: {  	s8 =	sshra.s32 s8, $0x2;
	[tilespmem:s12+$0xFFFFFFD0] =	vst v1  }
0xd7: {  	v1 =	vld [tilespmem:s8+$0x14800];
	_ =	sdelay $0x4  }
0xd8: {  	[tilespmem:$0x15800] =	vst v1  }
0xd9: {  	v1 =	vld [tilespmem:s8+$0x14810];
	_ =	sdelay $0x4  }
0xda: {  	[tilespmem:$0x15810] =	vst v1  }
0xdb: {  	v1 =	vld [tilespmem:s8+$0x14820];
	_ =	sdelay $0x4  }
0xdc: {  	[tilespmem:$0x15820] =	vst v1  }
0xdd: {  	v1 =	vld [tilespmem:s8+$0x14830];
	_ =	sdelay $0x4  }
0xde: {  	[tilespmem:$0x15830] =	vst v1  }
0xdf: {  	v1 =	vld [tilespmem:s8+$0x14840]  }
0xe0: {  	p0 =	seq.s32 s11, $0x0  }
.Ltmp11:
0xe1: {  	_ = 	snop;
	(pc) =	sbr.rel @p0 .LBB2_16-.Ltmp11, $3  }
0xe2: {  	_ =	sdelay $0x1  }
0xe3: {  	[tilespmem:$0x15840] =	vst v1  }
0xe4: {  	[spmem:s3] =	stream.indirect.scatter.add.f32 [tilespmem:s26], [sflag:$0x3], $0x80, s10, s25, $0xb8;
	[tilespmem:$0x1E900] =	vst v63  }
.LBB2_13:
0xe5: {  	_ =	swait.ge [sflag:s28], $0x2800  }
0xe6: {  	p0 =	seq.s32 s19, $0x18;
	[sflag:s28] =	ssyncset.done $0x0  }
0xe7: {  	s8 =	simm.s32 @!p0 $0x3;
	s11 =	smul.u32 @!p0 $0x140, s19;
	[sflag:s28] =	ssyncadd.s32 $0xFFFFD800  }
0xe8: {  	s13 =	sadd.s32 $0x0, s18;
	_ =	swait.ge @!p0 [sflag:s8], $0x2800  }
0xe9: {  	s12 =	simm.s32 @!p0 $0x15900;
	s11 =	sshra.s32 @!p0 s11, $0x2;
	[sflag:s8] =	ssyncset.done @!p0 $0x0  }
0xea: {  	[sflag:s8] =	ssyncadd.s32 @!p0 $0xFFFFD800;
	s8 =	sadd.s32 @!p0 $0x14050, s11;
	s11 =	simm.s32 @!p0 $0x50  }
0xeb: {  	v1 =	vmov s13;
	[tilespmem:s12], [sflag:$0x1] =	stream.indirect.gather @!p0 [hbm4b:s1+s11], $0x80, s8, s11, $0xb8;
	[tilespmem:$0x1E900] =	vst v63  }
0xec: {  	s11 =	simm.s32 $0x18140  }
0xed: {  	v5 =	vld [tilespmem:s11+$0x30]  }
0xee: {  	v8 =	vld [tilespmem:s11+$0x10]  }
0xef: {  	v6 =	vld [tilespmem:s11+$0xFFFFFFC0]  }
0xf0: {  	v2 =	vld.idx.msk [tilespmem:v1+s24+$0x0], $0xffff  }
0xf1: {  	v10 =	vld [tilespmem:s11+$0xFFFFFFE0]  }
0xf2: {  	v1 =	vld [tilespmem:s11+$0xFFFFFFF0]  }
0xf3: {  	v3 =	vld [tilespmem:s11+$0x20]  }
0xf4: {  	v4 =	vld [tilespmem:s11+$0xFFFFFFD0]  }
0xf5: {  	v9 =	vmul.f32 v5, v2;
	v5 =	vld [tilespmem:s11+$0x0]  }
0xf6: {  	v7 =	vmul.f32 v6, v2  }
0xf7: {  	s13 =	simm.s32 $0x18140;
	s12 =	simm.s32 $0x1;
	v6 =	vmul.f32 v10, v2;
	v8 =	vmul.f32 v8, v2  }
.LBB2_14:
0xf8: {  	p0 =	sne.s32 s12, $0x4F  }
0xf9: {  	v4 =	vmul.f32 v4, v2;
	v3 =	vmul.f32 v3, v2;
	[tilespmem:s11+$0x30] =	vst v9;
	s13 =	sadd.s32 $0x80, s13;
	s8 =	smov.u32 s12;
	s12 =	sadd.s32 $0x1, s12  }
0xfa: {  	[tilespmem:s11+$0xFFFFFFC0] =	vst v7;
	v7 =	vmul.f32 v1, v2;
	v2 =	vmul.f32 v5, v2  }
0xfb: {  	s8 =	sadd.s32 s8, s18;
	[tilespmem:s11+$0x10] =	vst v8  }
0xfc: {  	v5 =	vmov s8;
	[tilespmem:s11+$0xFFFFFFE0] =	vst v6  }
0xfd: {  	v1 =	vld [tilespmem:s13+$0xFFFFFFF0];
	[tilespmem:s11+$0xFFFFFFF0] =	vst v7  }
0xfe: {  	v6 =	vld [tilespmem:s13+$0x30];
	[tilespmem:s11+$0x0] =	vst v2  }
0xff: {  	v8 =	vld [tilespmem:s13+$0x10];
	[tilespmem:s11+$0x20] =	vst v3  }
0x100: {  	v7 =	vld [tilespmem:s13+$0xFFFFFFC0];
	[tilespmem:s11+$0xFFFFFFD0] =	vst v4;
	s11 =	smov.u32 s13  }
0x101: {  	v2 =	vld.idx.msk [tilespmem:v5+s24+$0x0], $0xffff  }
0x102: {  	v10 =	vld [tilespmem:s13+$0xFFFFFFE0]  }
0x103: {  	v3 =	vld [tilespmem:s13+$0x20]  }
.Ltmp12:
0x104: {  	v4 =	vld [tilespmem:s13+$0xFFFFFFD0];
	(pc) =	sbr.rel @p0 .LBB2_14-.Ltmp12, $3  }
0x105: {  	v5 =	vld [tilespmem:s13+$0x0];
	_ =	sdelay $0x1  }
0x106: {  	v7 =	vmul.f32 v7, v2;
	v9 =	vmul.f32 v6, v2  }
0x107: {  	v8 =	vmul.f32 v8, v2;
	v6 =	vmul.f32 v10, v2  }
.Ltmp13:
0x108: {  	_ = 	snop;
	(pc) =	sbr.rel .LBB2_15-.Ltmp13, $1  }
0x109: {  	_ =	sdelay $0x3  }
.LBB2_19:
0x10a: {  	_ =	sfence.sel $0x180000  }
0x10b: {  	[bflag:$0x0] =	sbarrier.arrive $0xFFFF  }
0x10c: {  	_ =	strace $0x90000047  }
0x10d: {  	s0 =	stileid.u32;
	[bflag:$0x2] =	sbarrier.arrive $0xFFFF  }
0x10e: {  	p0 =	sne.s32 s0, $0x0;
	s0 =	rddreg [dreg:$0x3]  }
0x10f: {  	s0 =	sadd.s32 @!p0 $0x100000, s0  }
0x110: {  	[sflag:s0] =	ssyncadd.tile.s32 @!p0 $0x1;
	_ =	shalt  }
.Lfunc_end2:
_tile_overlayer_lowered:
.L_overlay_start_2:
0x111: {  	(tag) =	ssettag $0x2  }
0x112: {  	s0 =	rddreg [dreg:$0x0];
	s2 =	stileid.u32  }
0x113: {  	s1 =	rddreg [dreg:$0x1];
	p0 =	sne.s32 s2, $0x0  }
0x114: {  	s3 =	rddreg [dreg:$0x2];
	[bflag:$0x3] =	sbarrier.arrive $0xFFFF;
	s2 =	simm.s32 @!p0 $0x1C05  }
0x115: {  	[timem:s3], [sflag:s2] =	dma.local @!p0 [hbm:s0], s1  }
0x116: {  	s0 =	simm.s32 @!p0 $0x5  }
0x117: {  	_ =	swait.ge @!p0 [sflag:s0], s1  }
0x118: {  	s1 =	ssub.s32 @!p0 $0x0, s1;
	[sflag:s0] =	ssyncset.done @!p0 $0x0  }
0x119: {  	[sflag:s0] =	ssyncadd.s32 @!p0 s1  }
0x11a: {  	[bflag:$0x3] =	sbarrier.arrive $0xFFFF  }
0x11b: {  	_ =	shalt  }

// kernel: kernel.13.cloned.1.call-start
scs
__scs_entry_jumppad:
0x0: {  	(pc) =	sbr.rel $0x88, $3  }
0x1: {  	(tag) =	ssettag $0x0;
	lr =	simm.s32 $0x1  }
0x2: {  	[smem:$0x3F98] =	sst lr;
	_ =	strace $0xD0000000  }
0x3: {  	_ = 	snop  }
0x4: {  	_ = 	snop  }
0x5: {  	_ = 	snop  }
0x6: {  	_ = 	snop  }
0x7: {  	_ = 	snop  }
__scs_overlays_trampoline_lowered:
0x8: {  	[smem:$0x3FA7] =	sst s0  }
0x9: {  	[smem:$0x3FA8] =	sst s1  }
0xa: {  	[smem:$0x3FA9] =	sst s2  }
0xb: {  	[smem:$0x3FAA] =	sst s3  }
0xc: {  	[smem:$0x3FAB] =	sst s4  }
0xd: {  	[smem:$0x3FAC] =	sst s5  }
0xe: {  	[smem:$0x3FAD] =	sst s6  }
0xf: {  	[smem:$0x3FAE] =	sst s7  }
0x10: {  	[smem:$0x3FAF] =	sst s8  }
0x11: {  	[smem:$0x3FB0] =	sst s9;
	s0 =	simm.s32 @!p0 $0x0  }
0x12: {  	s1 =	sld [smem:$0x3F96];
	s0 =	simm.s32 @p0 $0x1  }
0x13: {  	[smem:$0x3FB1] =	sst s0;
	s0 =	simm.s32 @!p1 $0x0  }
0x14: {  	s2 =	sld [smem:$0x3F95];
	s0 =	simm.s32 @p1 $0x1  }
0x15: {  	[smem:$0x3FB2] =	sst s0;
	s0 =	simm.s32 @!p2 $0x0  }
0x16: {  	s3 =	sld [smem:$0x3FDB];
	s0 =	simm.s32 @p2 $0x1  }
0x17: {  	s4 =	simm.s32 $0x1BF5;
	[smem:$0x3FB4] =	sst s0  }
0x18: {  	s0 =	sld [smem:$0x3F97];
	_ =	swait.ge [sflag:s4], $0x0  }
0x19: {  	s7 =	sld [smem:$0x3F98]  }
0x1a: {  	s8 =	sadd.s32 $0xFFFFE003, lr  }
0x1b: {  	s9 =	sadd.s32 $0xFFFFFEF7, lr;
	s5 =	simm.s32 $0xFFFFFFFF;
	p2 =	slt.u32 s8, $0xFFFFF086  }
0x1c: {  	p1 =	slt.u32 s9, $0xF7A;
	s5 =	simm.s32 @!p2 $0x0  }
0x1d: {  	s5 =	simm.s32 @p1 $0x1;
	p0 =	seq.s32 s7, s2  }
0x1e: {  	s7 =	smul.u32 @!p0 $0xF7A, s2;
	p2 =	seq.s32 @!p0 s5, $0x0  }
0x1f: {  	s9 =	smul.u32 $0xF7A, s1;
	s8 =	simm.s32 @!p0 $0x1BF5;
	p2 =	por !p2, p0  }
0x20: {  	[sflag:s8] =	ssyncset.s32 @!p0 $0xFFFFF086;
	s6 =	sadd.s32 @!p0 s3, s7;
	s7 =	simm.s32 @!p0 $0x108  }
0x21: {  	s3 =	sadd.s32 s3, s9;
	s6 =	sadd.s32 @!p0 $0x88, s6;
	s7 =	simm.s32 @p2 $0x1082  }
0x22: {  	[simem:s7], [sflag:s8] =	dma.local @!p0 [hbm:s6], $0xF7A  }
0x23: {  	s9 =	sor.u32 $0xD0000000, s2;
	s6 =	simm.s32 $0x108;
	_ =	swait.ge @!p0 [sflag:s8], $0x0  }
0x24: {  	s3 =	sadd.s32 $0x88, s3;
	s6 =	simm.s32 @!p1 $0x1082;
	[sflag:s4] =	ssyncset.s32 $0xFFFFF086  }
0x25: {  	[simem:s6], [sflag:s4] =	dma.local [hbm:s3], $0xF7A  }
0x26: {  	[smem:$0x3F98] =	sst s1;
	(tag) =	ssettag s2;
	_ =	strace s9  }
0x27: {  	s1 =	sld [smem:$0x3FA8]  }
0x28: {  	s2 =	sld [smem:$0x3FA9]  }
0x29: {  	s4 =	sld [smem:$0x3FAB]  }
0x2a: {  	p0 =	seq.s32 s5, $0x0;
	s5 =	sld [smem:$0x3FAC]  }
0x2b: {  	s6 =	sld [smem:$0x3FAD]  }
0x2c: {  	s7 =	sld [smem:$0x3FAE]  }
0x2d: {  	s3 =	simm.s32 $0x108;
	s8 =	sld [smem:$0x3FAF]  }
0x2e: {  	s3 =	simm.s32 @!p0 $0x1082;
	s9 =	sld [smem:$0x3FB0]  }
0x2f: {  	lr =	sadd.s32 s0, s3;
	s0 =	sld [smem:$0x3FA7]  }
0x30: {  	s3 =	sld [smem:$0x3FAA]  }
0x31: {  	[smem:$0x3FB3] =	sst s10  }
0x32: {  	s10 =	sld [smem:$0x3FB1];
	_ =	sdelay $0x3  }
0x33: {  	p0 =	seq.s32 s10, $0x1;
	s10 =	sld [smem:$0x3FB3];
	_ =	sdelay $0x3  }
0x34: {  	[smem:$0x3FB3] =	sst s10  }
0x35: {  	s10 =	sld [smem:$0x3FB2];
	_ =	sdelay $0x3  }
0x36: {  	p1 =	seq.s32 s10, $0x1;
	s10 =	sld [smem:$0x3FB3];
	_ =	sdelay $0x3  }
0x37: {  	[smem:$0x3FB3] =	sst s10  }
0x38: {  	s10 =	sld [smem:$0x3FB4]  }
0x39: {  	_ = 	snop;
	(pc) =	sbr.ind lr, $3  }
0x3a: {  	_ = 	snop  }
0x3b: {  	_ = 	snop  }
0x3c: {  	p2 =	seq.s32 s10, $0x1;
	s10 =	sld [smem:$0x3FB3]  }
0x3d: {  	_ =	shalt  }
0x3e: {  	_ =	shalt  }
0x3f: {  	_ =	shalt  }
0x40: {  	_ =	shalt  }
0x41: {  	_ =	shalt  }
0x42: {  	_ =	shalt  }
0x43: {  	_ =	shalt  }
0x44: {  	_ =	shalt  }
0x45: {  	_ =	shalt  }
0x46: {  	_ =	shalt  }
0x47: {  	_ =	shalt  }
0x48: {  	_ =	shalt  }
0x49: {  	_ =	shalt  }
0x4a: {  	_ =	shalt  }
0x4b: {  	_ =	shalt  }
0x4c: {  	_ =	shalt  }
0x4d: {  	_ =	shalt  }
0x4e: {  	_ =	shalt  }
0x4f: {  	_ =	shalt  }
0x50: {  	_ =	shalt  }
0x51: {  	_ =	shalt  }
0x52: {  	_ =	shalt  }
0x53: {  	_ =	shalt  }
0x54: {  	_ =	shalt  }
0x55: {  	_ =	shalt  }
0x56: {  	_ =	shalt  }
0x57: {  	_ =	shalt  }
0x58: {  	_ =	shalt  }
0x59: {  	_ =	shalt  }
0x5a: {  	_ =	shalt  }
0x5b: {  	_ =	shalt  }
0x5c: {  	_ =	shalt  }
0x5d: {  	_ =	shalt  }
0x5e: {  	_ =	shalt  }
0x5f: {  	_ =	shalt  }
0x60: {  	_ =	shalt  }
0x61: {  	_ =	shalt  }
0x62: {  	_ =	shalt  }
0x63: {  	_ =	shalt  }
0x64: {  	_ =	shalt  }
0x65: {  	_ =	shalt  }
0x66: {  	_ =	shalt  }
0x67: {  	_ =	shalt  }
0x68: {  	_ =	shalt  }
0x69: {  	_ =	shalt  }
0x6a: {  	_ =	shalt  }
0x6b: {  	_ =	shalt  }
0x6c: {  	_ =	shalt  }
0x6d: {  	_ =	shalt  }
0x6e: {  	_ =	shalt  }
0x6f: {  	_ =	shalt  }
0x70: {  	_ =	shalt  }
0x71: {  	_ =	shalt  }
0x72: {  	_ =	shalt  }
0x73: {  	_ =	shalt  }
0x74: {  	_ =	shalt  }
0x75: {  	_ =	shalt  }
0x76: {  	_ =	shalt  }
0x77: {  	_ =	shalt  }
0x78: {  	_ =	shalt  }
0x79: {  	_ =	shalt  }
0x7a: {  	_ =	shalt  }
0x7b: {  	_ =	shalt  }
0x7c: {  	_ =	shalt  }
0x7d: {  	_ =	shalt  }
0x7e: {  	_ =	shalt  }
0x7f: {  	_ =	shalt  }
0x80: {  	_ =	shalt  }
0x81: {  	_ =	shalt  }
0x82: {  	_ =	shalt  }
0x83: {  	_ =	shalt  }
0x84: {  	_ =	shalt  }
0x85: {  	_ =	shalt  }
0x86: {  	_ =	shalt  }
0x87: {  	_ =	shalt  }
.Lfunc_end0:
.L_simem_size_0:
called_computation.1_lowered:
.L_overlay_start_0:
0x88: {  	s2 =	sld [smem:$0x3FD9]  }
0x89: {  	s3 =	sld [smem:$0x3FFE];
	_ =	sdelay $0x1  }
0x8a: {  	s1 =	srdreg.scid  }
0x8b: {  	s0 =	sand.u32 $0x1, s1  }
0x8c: {  	s17 =	sshll.u32 s0, $0xA;
	s2 =	sadd.s32 s3, s2  }
0x8d: {  	s2 =	sadd.s32 s2, s17  }
0x8e: {  	[smem:$0x3FBF] =	sst s2  }
0x8f: {  	_ = 	snop  }
0x90: {  	s2 =	sld [smem:$0x3FD0];
	(tm) =	ssettm $0x1  }
0x91: {  	s18 =	sld [smem:$0x3FFB];
	_ =	sdelay $0x3  }
0x92: {  	_ =	strace s18  }
0x93: {  	s3 =	sld [smem:$0x3FFC];
	_ =	sdelay $0x3  }
0x94: {  	_ =	strace s3  }
0x95: {  	s3 =	sld [smem:$0x3FFD];
	_ =	sdelay $0x3  }
0x96: {  	_ =	strace s3  }
0x97: {  	_ =	strace $0x8FFFFFFF  }
0x98: {  	s19 =	sld [smem:$0x3FDB];
	_ =	sdelay $0x1  }
0x99: {  	s4 =	simm.s32 $_scs_section_size  }
0x9a: {  	s5 =	simm.s32 $_size__tile_overlayer_lowered;
	s6 =	simm.s32 $_tile_overlayer_lowered  }
0x9b: {  	s22 =	simm.s32 $0x1BFF;
	s21 =	sshll.u32 s6, $0x1;
	s3 =	sadd.s32 s4, s19  }
0x9c: {  	s7 =	simm.s32 $0x0;
	s20 =	sshll.u32 s5, $0x1;
	s5 =	sadd.s32 s21, s3  }
0x9d: {  	[timem:s7], [sflag:s22] =	dma.local [hbm:s5], s20  }
0x9e: {  	_ =	swait.ge [sflag:s22], s20  }
0x9f: {  	s4 =	ssub.s32 $0x0, s20;
	[sflag:s22] =	ssyncset.done $0x0  }
0xa0: {  	[sflag:s22] =	ssyncadd.s32 s4;
	_ =	sdelay $0x1  }
0xa1: {  	s23 =	simm.s32 $0x1B8B  }
0xa2: {  	_ =	swait.ge [sflag:s23], $0x1  }
0xa3: {  	[sflag:s23] =	ssyncset.done $0x0  }
0xa4: {  	s25 =	simm.s32 $0x1B8E;
	s24 =	sld [smem:$0x3FFE];
	[sflag:s23] =	ssyncadd.s32 $0xFFFFFFFF  }
0xa5: {  	s26 =	simm.s32 $execute0_lowered;
	[smem:$0x3FD2] =	sst s25  }
0xa6: {  	s5 =	sshll.u32 s26, $0x1;
	_ =	strace $0x80000049;
	[dreg:$0x1] =	wrdreg $0xFFFFFFFF  }
0xa7: {  	s28 =	simm.s32 $_size_execute0_lowered;
	s3 =	sadd.s32 s3, s5;
	[dreg:$0x0] =	wrdreg $0x0  }
0xa8: {  	s5 =	sshll.u32 s28, $0x1;
	[dreg:$0x2] =	wrdreg s3  }
0xa9: {  	[dreg:$0x3] =	wrdreg s5  }
0xaa: {  	[dreg:$0x4] =	wrdreg $0xC0  }
0xab: {  	_ =	task [dreg:s7], $0x5FFFF  }
0xac: {  	[dreg:$0x1] =	wrdreg $0xFFFFFFFF  }
0xad: {  	[dreg:$0x0] =	wrdreg $0x60  }
0xae: {  	[dreg:$0x2] =	wrdreg s24  }
0xaf: {  	[dreg:$0x3] =	wrdreg s2  }
0xb0: {  	[dreg:$0x4] =	wrdreg $0x9  }
0xb1: {  	_ =	task.clear_ibuf [dreg:s7], $0x5FFFF;
	_ =	strace $0x90000049  }
0xb2: {  	s29 =	simm.s32 $0x9;
	_ =	strace $0x8000004B  }
0xb3: {  	_ =	swait.ge [sflag:s29], $0x1  }
0xb4: {  	[sflag:s29] =	ssyncadd.s32 $0xFFFFFFFF  }
0xb5: {  	_ =	strace $0x9000004B  }
0xb6: {  	_ =	sfence  }
0xb7: {  	s30 =	sld [smem:$0x0];
	_ =	sdelay $0x2  }
0xb8: {  	s31 =	sshll.u32 s1, $0xD;
	s1 =	sshrl.u32 s1, $0x2  }
0xb9: {  	s3 =	sand.u32 $0x4000, s31;
	s1 =	sadd.s32 s1, s30  }
0xba: {  	s0 =	sor.u32 s3, s0;
	s1 =	sshll.u32 s1, $0x11  }
0xbb: {  	s0 =	sor.u32 s1, s0  }
0xbc: {  	s0 =	sadd.s32 $0x8F2B, s0  }
0xbd: {  	[sflag:s0] =	ssyncadd.remote.s32 $0x1  }
0xbe: {  	_ =	sfence.sel $0xFFFF  }
0xbf: {  	[dreg:$0x0] =	wrdreg $0xFFFFFFFF;
	(pc) =	sbr.abs _section_cstart, $3  }
0xc0: {  	[dreg:$0x1] =	wrdreg $0xFFFFFFFF  }
0xc1: {  	_ =	task.clear_ibuf [dreg:s7], $0x2FFFF;
	_ =	strace $0x9FFFFFFF  }
0xc2: {  	(tm) =	ssettm $0x7FFFFFFF  }
0xc3: {  	_ =	shalt  }
tec
execute0_lowered:
.L_overlay_start_1:
0x0: {  	(tag) =	ssettag $0x1  }
0x1: {  	s5 =	rddreg [dreg:$0x0]  }
0x2: {  	s1 =	rddreg [dreg:$0x1]  }
0x3: {  	s0 =	rddreg [dreg:$0x2];
	s2 =	simm.s32 $0x0  }
0x4: {  	s3 =	srdreg.scid;
	s10 =	simm.s32 $0x14080;
	s11 =	simm.s32 $0x0  }
0x5: {  	[smem:$0x7FF] =	sst s2;
	s6 =	sand.u32 $0x1, s3;
	s3 =	stileid.u32  }
0x6: {  	s4 =	sadd.s32 $0xC600, s5;
	s5 =	sadd.s32 $0x16400, s5;
	s7 =	ssub.s32 $0x2, s6  }
0x7: {  	_ =	strace $0x8000004A;
	s9 =	sshll.u32 s3, $0x1;
	s8 =	sshrl.u32 s7, $0x1  }
0x8: {  	s6 =	sor.u32 s6, s9;
	s9 =	simm.s32 $0x13880;
	s7 =	ssub.s32 s7, s8  }
0x9: {  	s6 =	smul.u32 $0x2710, s6;
	s8 =	simm.s32 $0x1;
	s7 =	smax.u32 s7, $0x1  }
.LBB2_1:
0xa: {  	[tilespmem:s2], [sflag:$0x1] =	stream.linear.gather [hbm4b:s4+s2], $0x13880, $0x38;
	[tilespmem:$0x14880] =	vst v63  }
0xb: {  	_ =	swait.ge [sflag:s8], $0x13880  }
0xc: {  	[sflag:s8] =	ssyncset.done $0x0  }
0xd: {  	s12 =	simm.s32 $0x0;
	[sflag:s8] =	ssyncadd.s32 $0xFFFEC780  }
.LBB2_2:
0xe: {  	s13 =	smul.u32 $0x7D0, s12;
	_ =	sdelay $0x1  }
0xf: {  	s13 =	sadd.s32 s6, s13  }
0x10: {  	s13 =	sshrl.u32 s13, $0x3  }
0x11: {  	s15 =	simm.s32 $0x0;
	s14 =	sadd.s32 s5, s13  }
0x12: {  	[tilespmem:s9], [sflag:$0x1] =	stream.linear.gather [hbm4b:s14+s15], $0x7D0, $0x38;
	[tilespmem:$0x14880] =	vst v63  }
0x13: {  	_ =	swait.ge [sflag:s8], $0x7D0  }
0x14: {  	[sflag:s8] =	ssyncset.done $0x0  }
0x15: {  	s14 =	simm.s32 $0x0;
	[sflag:s8] =	ssyncadd.s32 $0xFFFFF830  }
0x16: {  	v0 =	vld [tilespmem:s14+$0x13880];
	_ =	sdelay $0x7  }
0x17: {  	s16 =	simm.s32 $0x80;
	s15 =	simm.s32 $0x10;
	v0 =	vld.idx.msk [tilespmem:v0+s2+$0x0], $0xffff  }
.LBB2_3:
0x18: {  	p0 =	sne.s32 s16, $0x1F00;
	v1 =	vld [tilespmem:s15+$0x13880];
	_ =	sdelay $0x3  }
.Ltmp0:
0x19: {  	(pc) =	sbr.rel @p0 .LBB2_3-.Ltmp0, $2  }
0x1a: {  	[tilespmem:s14+$0x14080] =	vst v0;
	s14 =	smov.u32 s15;
	_ =	sdelay $0x2  }
0x1b: {  	s15 =	sshra.s32 s16, $0x2;
	s16 =	sadd.s32 $0x40, s16;
	v0 =	vld.idx.msk [tilespmem:v1+s2+$0x0], $0xffff  }
0x1c: {  	v1 =	vld [tilespmem:s15+$0x13880];
	_ =	sdelay $0x6  }
0x1d: {  	[tilespmem:s14+$0x14080] =	vst v0  }
0x1e: {  	v0 =	vld.idx.msk [tilespmem:v1+s2+$0x0], $0xffff;
	_ =	sdelay $0x2  }
0x1f: {  	s12 =	sadd.s32 $0x1, s12  }
0x20: {  	p0 =	sne.s32 s12, $0x5  }
.Ltmp1:
0x21: {  	s13 =	sadd.s32 s1, s13;
	[tilespmem:s15+$0x14080] =	vst v0;
	(pc) =	sbr.rel @p0 .LBB2_2-.Ltmp1, $4  }
0x22: {  	[hbm4b:s13+s2] =	stream.linear.scatter [tilespmem:s10], [sflag:$0x1], $0x7D0, $0x38;
	[tilespmem:$0x14880] =	vst v63  }
0x23: {  	_ =	swait.ge [sflag:s8], $0x7D0  }
0x24: {  	[sflag:s8] =	ssyncset.done $0x0  }
0x25: {  	[sflag:s8] =	ssyncadd.s32 $0xFFFFF830  }
0x26: {  	s11 =	sadd.s32 $0x1, s11  }
0x27: {  	p0 =	sne.s32 s11, s7  }
.Ltmp2:
0x28: {  	_ = 	snop;
	(pc) =	sbr.rel @p0 .LBB2_1-.Ltmp2, $1  }
0x29: {  	_ =	sdelay $0x3  }
0x2a: {  	_ =	sfence.sel $0x180000  }
0x2b: {  	[bflag:$0x0] =	sbarrier.arrive $0xFFFF  }
0x2c: {  	p0 =	sne.s32 s3, $0x0;
	_ =	strace $0x9000004A  }
0x2d: {  	s0 =	sadd.s32 @!p0 $0x100000, s0;
	[bflag:$0x2] =	sbarrier.arrive $0xFFFF  }
0x2e: {  	[sflag:s0] =	ssyncadd.tile.s32 @!p0 $0x1;
	_ =	shalt  }
.Lfunc_end2:
_tile_overlayer_lowered:
.L_overlay_start_2:
0x2f: {  	(tag) =	ssettag $0x2  }
0x30: {  	s0 =	rddreg [dreg:$0x0];
	s2 =	stileid.u32  }
0x31: {  	s1 =	rddreg [dreg:$0x1];
	p0 =	sne.s32 s2, $0x0  }
0x32: {  	s3 =	rddreg [dreg:$0x2];
	[bflag:$0x3] =	sbarrier.arrive $0xFFFF;
	s2 =	simm.s32 @!p0 $0x1C01  }
0x33: {  	[timem:s3], [sflag:s2] =	dma.local @!p0 [hbm:s0], s1  }
0x34: {  	s0 =	simm.s32 @!p0 $0x1  }
0x35: {  	_ =	swait.ge @!p0 [sflag:s0], s1  }
0x36: {  	s1 =	ssub.s32 @!p0 $0x0, s1;
	[sflag:s0] =	ssyncset.done @!p0 $0x0  }
0x37: {  	[sflag:s0] =	ssyncadd.s32 @!p0 s1  }
0x38: {  	[bflag:$0x3] =	sbarrier.arrive $0xFFFF  }
0x39: {  	_ =	shalt  }

// kernel: kernel.16.cloned.1.call-start
scs
__scs_entry_jumppad:
0x0: {  	(pc) =	sbr.rel $0x88, $3  }
0x1: {  	(tag) =	ssettag $0x0;
	lr =	simm.s32 $0x1  }
0x2: {  	[smem:$0x3F98] =	sst lr;
	_ =	strace $0xD0000000  }
0x3: {  	_ = 	snop  }
0x4: {  	_ = 	snop  }
0x5: {  	_ = 	snop  }
0x6: {  	_ = 	snop  }
0x7: {  	_ = 	snop  }
__scs_overlays_trampoline_lowered:
0x8: {  	[smem:$0x3FA7] =	sst s0  }
0x9: {  	[smem:$0x3FA8] =	sst s1  }
0xa: {  	[smem:$0x3FA9] =	sst s2  }
0xb: {  	[smem:$0x3FAA] =	sst s3  }
0xc: {  	[smem:$0x3FAB] =	sst s4  }
0xd: {  	[smem:$0x3FAC] =	sst s5  }
0xe: {  	[smem:$0x3FAD] =	sst s6  }
0xf: {  	[smem:$0x3FAE] =	sst s7  }
0x10: {  	[smem:$0x3FAF] =	sst s8  }
0x11: {  	[smem:$0x3FB0] =	sst s9;
	s0 =	simm.s32 @!p0 $0x0  }
0x12: {  	s1 =	sld [smem:$0x3F96];
	s0 =	simm.s32 @p0 $0x1  }
0x13: {  	[smem:$0x3FB1] =	sst s0;
	s0 =	simm.s32 @!p1 $0x0  }
0x14: {  	s2 =	sld [smem:$0x3F95];
	s0 =	simm.s32 @p1 $0x1  }
0x15: {  	[smem:$0x3FB2] =	sst s0;
	s0 =	simm.s32 @!p2 $0x0  }
0x16: {  	s3 =	sld [smem:$0x3FDB];
	s0 =	simm.s32 @p2 $0x1  }
0x17: {  	s4 =	simm.s32 $0x1BF5;
	[smem:$0x3FB4] =	sst s0  }
0x18: {  	s0 =	sld [smem:$0x3F97];
	_ =	swait.ge [sflag:s4], $0x0  }
0x19: {  	s7 =	sld [smem:$0x3F98]  }
0x1a: {  	s8 =	sadd.s32 $0xFFFFE003, lr  }
0x1b: {  	s9 =	sadd.s32 $0xFFFFFEF7, lr;
	s5 =	simm.s32 $0xFFFFFFFF;
	p2 =	slt.u32 s8, $0xFFFFF086  }
0x1c: {  	p1 =	slt.u32 s9, $0xF7A;
	s5 =	simm.s32 @!p2 $0x0  }
0x1d: {  	s5 =	simm.s32 @p1 $0x1;
	p0 =	seq.s32 s7, s2  }
0x1e: {  	s7 =	smul.u32 @!p0 $0xF7A, s2;
	p2 =	seq.s32 @!p0 s5, $0x0  }
0x1f: {  	s9 =	smul.u32 $0xF7A, s1;
	s8 =	simm.s32 @!p0 $0x1BF5;
	p2 =	por !p2, p0  }
0x20: {  	[sflag:s8] =	ssyncset.s32 @!p0 $0xFFFFF086;
	s6 =	sadd.s32 @!p0 s3, s7;
	s7 =	simm.s32 @!p0 $0x108  }
0x21: {  	s3 =	sadd.s32 s3, s9;
	s6 =	sadd.s32 @!p0 $0x88, s6;
	s7 =	simm.s32 @p2 $0x1082  }
0x22: {  	[simem:s7], [sflag:s8] =	dma.local @!p0 [hbm:s6], $0xF7A  }
0x23: {  	s9 =	sor.u32 $0xD0000000, s2;
	s6 =	simm.s32 $0x108;
	_ =	swait.ge @!p0 [sflag:s8], $0x0  }
0x24: {  	s3 =	sadd.s32 $0x88, s3;
	s6 =	simm.s32 @!p1 $0x1082;
	[sflag:s4] =	ssyncset.s32 $0xFFFFF086  }
0x25: {  	[simem:s6], [sflag:s4] =	dma.local [hbm:s3], $0xF7A  }
0x26: {  	[smem:$0x3F98] =	sst s1;
	(tag) =	ssettag s2;
	_ =	strace s9  }
0x27: {  	s1 =	sld [smem:$0x3FA8]  }
0x28: {  	s2 =	sld [smem:$0x3FA9]  }
0x29: {  	s4 =	sld [smem:$0x3FAB]  }
0x2a: {  	p0 =	seq.s32 s5, $0x0;
	s5 =	sld [smem:$0x3FAC]  }
0x2b: {  	s6 =	sld [smem:$0x3FAD]  }
0x2c: {  	s7 =	sld [smem:$0x3FAE]  }
0x2d: {  	s3 =	simm.s32 $0x108;
	s8 =	sld [smem:$0x3FAF]  }
0x2e: {  	s3 =	simm.s32 @!p0 $0x1082;
	s9 =	sld [smem:$0x3FB0]  }
0x2f: {  	lr =	sadd.s32 s0, s3;
	s0 =	sld [smem:$0x3FA7]  }
0x30: {  	s3 =	sld [smem:$0x3FAA]  }
0x31: {  	[smem:$0x3FB3] =	sst s10  }
0x32: {  	s10 =	sld [smem:$0x3FB1];
	_ =	sdelay $0x3  }
0x33: {  	p0 =	seq.s32 s10, $0x1;
	s10 =	sld [smem:$0x3FB3];
	_ =	sdelay $0x3  }
0x34: {  	[smem:$0x3FB3] =	sst s10  }
0x35: {  	s10 =	sld [smem:$0x3FB2];
	_ =	sdelay $0x3  }
0x36: {  	p1 =	seq.s32 s10, $0x1;
	s10 =	sld [smem:$0x3FB3];
	_ =	sdelay $0x3  }
0x37: {  	[smem:$0x3FB3] =	sst s10  }
0x38: {  	s10 =	sld [smem:$0x3FB4]  }
0x39: {  	_ = 	snop;
	(pc) =	sbr.ind lr, $3  }
0x3a: {  	_ = 	snop  }
0x3b: {  	_ = 	snop  }
0x3c: {  	p2 =	seq.s32 s10, $0x1;
	s10 =	sld [smem:$0x3FB3]  }
0x3d: {  	_ =	shalt  }
0x3e: {  	_ =	shalt  }
0x3f: {  	_ =	shalt  }
0x40: {  	_ =	shalt  }
0x41: {  	_ =	shalt  }
0x42: {  	_ =	shalt  }
0x43: {  	_ =	shalt  }
0x44: {  	_ =	shalt  }
0x45: {  	_ =	shalt  }
0x46: {  	_ =	shalt  }
0x47: {  	_ =	shalt  }
0x48: {  	_ =	shalt  }
0x49: {  	_ =	shalt  }
0x4a: {  	_ =	shalt  }
0x4b: {  	_ =	shalt  }
0x4c: {  	_ =	shalt  }
0x4d: {  	_ =	shalt  }
0x4e: {  	_ =	shalt  }
0x4f: {  	_ =	shalt  }
0x50: {  	_ =	shalt  }
0x51: {  	_ =	shalt  }
0x52: {  	_ =	shalt  }
0x53: {  	_ =	shalt  }
0x54: {  	_ =	shalt  }
0x55: {  	_ =	shalt  }
0x56: {  	_ =	shalt  }
0x57: {  	_ =	shalt  }
0x58: {  	_ =	shalt  }
0x59: {  	_ =	shalt  }
0x5a: {  	_ =	shalt  }
0x5b: {  	_ =	shalt  }
0x5c: {  	_ =	shalt  }
0x5d: {  	_ =	shalt  }
0x5e: {  	_ =	shalt  }
0x5f: {  	_ =	shalt  }
0x60: {  	_ =	shalt  }
0x61: {  	_ =	shalt  }
0x62: {  	_ =	shalt  }
0x63: {  	_ =	shalt  }
0x64: {  	_ =	shalt  }
0x65: {  	_ =	shalt  }
0x66: {  	_ =	shalt  }
0x67: {  	_ =	shalt  }
0x68: {  	_ =	shalt  }
0x69: {  	_ =	shalt  }
0x6a: {  	_ =	shalt  }
0x6b: {  	_ =	shalt  }
0x6c: {  	_ =	shalt  }
0x6d: {  	_ =	shalt  }
0x6e: {  	_ =	shalt  }
0x6f: {  	_ =	shalt  }
0x70: {  	_ =	shalt  }
0x71: {  	_ =	shalt  }
0x72: {  	_ =	shalt  }
0x73: {  	_ =	shalt  }
0x74: {  	_ =	shalt  }
0x75: {  	_ =	shalt  }
0x76: {  	_ =	shalt  }
0x77: {  	_ =	shalt  }
0x78: {  	_ =	shalt  }
0x79: {  	_ =	shalt  }
0x7a: {  	_ =	shalt  }
0x7b: {  	_ =	shalt  }
0x7c: {  	_ =	shalt  }
0x7d: {  	_ =	shalt  }
0x7e: {  	_ =	shalt  }
0x7f: {  	_ =	shalt  }
0x80: {  	_ =	shalt  }
0x81: {  	_ =	shalt  }
0x82: {  	_ =	shalt  }
0x83: {  	_ =	shalt  }
0x84: {  	_ =	shalt  }
0x85: {  	_ =	shalt  }
0x86: {  	_ =	shalt  }
0x87: {  	_ =	shalt  }
.Lfunc_end0:
.L_simem_size_0:
called_computation.2_lowered:
.L_overlay_start_0:
0x88: {  	s2 =	sld [smem:$0x3FD9]  }
0x89: {  	s3 =	sld [smem:$0x3FFE];
	_ =	sdelay $0x1  }
0x8a: {  	s1 =	srdreg.scid  }
0x8b: {  	s0 =	sand.u32 $0x1, s1  }
0x8c: {  	s17 =	sshll.u32 s0, $0xA;
	s2 =	sadd.s32 s3, s2  }
0x8d: {  	s2 =	sadd.s32 s2, s17  }
0x8e: {  	[smem:$0x3FBF] =	sst s2  }
0x8f: {  	_ = 	snop  }
0x90: {  	s2 =	sld [smem:$0x3FD0];
	(tm) =	ssettm $0x1  }
0x91: {  	s18 =	sld [smem:$0x3FFB];
	_ =	sdelay $0x3  }
0x92: {  	_ =	strace s18  }
0x93: {  	s3 =	sld [smem:$0x3FFC];
	_ =	sdelay $0x3  }
0x94: {  	_ =	strace s3  }
0x95: {  	s3 =	sld [smem:$0x3FFD];
	_ =	sdelay $0x3  }
0x96: {  	_ =	strace s3  }
0x97: {  	_ =	strace $0x8FFFFFFF  }
0x98: {  	s19 =	sld [smem:$0x3FDB];
	_ =	sdelay $0x1  }
0x99: {  	s4 =	simm.s32 $_scs_section_size  }
0x9a: {  	s5 =	simm.s32 $_size__tile_overlayer_lowered;
	s6 =	simm.s32 $_tile_overlayer_lowered  }
0x9b: {  	s22 =	simm.s32 $0x1BFF;
	s21 =	sshll.u32 s6, $0x1;
	s3 =	sadd.s32 s4, s19  }
0x9c: {  	s7 =	simm.s32 $0x0;
	s20 =	sshll.u32 s5, $0x1;
	s5 =	sadd.s32 s21, s3  }
0x9d: {  	[timem:s7], [sflag:s22] =	dma.local [hbm:s5], s20  }
0x9e: {  	_ =	swait.ge [sflag:s22], s20  }
0x9f: {  	s4 =	ssub.s32 $0x0, s20;
	[sflag:s22] =	ssyncset.done $0x0  }
0xa0: {  	[sflag:s22] =	ssyncadd.s32 s4;
	_ =	sdelay $0x1  }
0xa1: {  	s23 =	simm.s32 $0x1B8B  }
0xa2: {  	_ =	swait.ge [sflag:s23], $0x1  }
0xa3: {  	[sflag:s23] =	ssyncset.done $0x0  }
0xa4: {  	s25 =	simm.s32 $0x1B8E;
	s24 =	sld [smem:$0x3FFE];
	[sflag:s23] =	ssyncadd.s32 $0xFFFFFFFF  }
0xa5: {  	s26 =	simm.s32 $execute0_lowered;
	[smem:$0x3FD2] =	sst s25  }
0xa6: {  	s5 =	sshll.u32 s26, $0x1;
	_ =	strace $0x8000004C;
	[dreg:$0x1] =	wrdreg $0xFFFFFFFF  }
0xa7: {  	s28 =	simm.s32 $_size_execute0_lowered;
	s3 =	sadd.s32 s3, s5;
	[dreg:$0x0] =	wrdreg $0x0  }
0xa8: {  	s5 =	sshll.u32 s28, $0x1;
	[dreg:$0x2] =	wrdreg s3  }
0xa9: {  	[dreg:$0x3] =	wrdreg s5  }
0xaa: {  	[dreg:$0x4] =	wrdreg $0xC0  }
0xab: {  	_ =	task [dreg:s7], $0x5FFFF  }
0xac: {  	[dreg:$0x1] =	wrdreg $0xFFFFFFFF  }
0xad: {  	[dreg:$0x0] =	wrdreg $0x60  }
0xae: {  	[dreg:$0x2] =	wrdreg s24  }
0xaf: {  	[dreg:$0x3] =	wrdreg s2  }
0xb0: {  	[dreg:$0x4] =	wrdreg $0x0  }
0xb1: {  	[dreg:$0x5] =	wrdreg $0x9  }
0xb2: {  	_ =	task.clear_ibuf [dreg:s7], $0x6FFFF;
	_ =	strace $0x9000004C  }
0xb3: {  	s29 =	simm.s32 $0x9;
	_ =	strace $0x8000004E  }
0xb4: {  	_ =	swait.ge [sflag:s29], $0x1  }
0xb5: {  	[sflag:s29] =	ssyncadd.s32 $0xFFFFFFFF  }
0xb6: {  	_ =	strace $0x9000004E  }
0xb7: {  	_ =	sfence  }
0xb8: {  	s30 =	sld [smem:$0x0];
	_ =	sdelay $0x2  }
0xb9: {  	s31 =	sshll.u32 s1, $0xD;
	s1 =	sshrl.u32 s1, $0x2  }
0xba: {  	s3 =	sand.u32 $0x4000, s31;
	s1 =	sadd.s32 s1, s30  }
0xbb: {  	s0 =	sor.u32 s3, s0;
	s1 =	sshll.u32 s1, $0x11  }
0xbc: {  	s0 =	sor.u32 s1, s0  }
0xbd: {  	s0 =	sadd.s32 $0x8F2B, s0  }
0xbe: {  	[sflag:s0] =	ssyncadd.remote.s32 $0x1  }
0xbf: {  	_ =	sfence.sel $0xFFFF  }
0xc0: {  	[dreg:$0x0] =	wrdreg $0xFFFFFFFF;
	(pc) =	sbr.abs _section_cstart, $3  }
0xc1: {  	[dreg:$0x1] =	wrdreg $0xFFFFFFFF  }
0xc2: {  	_ =	task.clear_ibuf [dreg:s7], $0x2FFFF;
	_ =	strace $0x9FFFFFFF  }
0xc3: {  	(tm) =	ssettm $0x7FFFFFFF  }
tec
execute0_lowered:
.L_overlay_start_1:
0x0: {  	(tag) =	ssettag $0x1  }
0x1: {  	s0 =	rddreg [dreg:$0x0]  }
0x2: {  	s2 =	rddreg [dreg:$0x1];
	s1 =	srdreg.scid  }
0x3: {  	s11 =	stileid.u32;
	s3 =	rddreg [dreg:$0x2]  }
0x4: {  	s4 =	simm.s32 $0x0;
	s28 =	simm.s32 $0x2;
	s29 =	simm.s32 $0x15880  }
0x5: {  	s30 =	simm.s32 $0x18100;
	s31 =	simm.s32 $0x3;
	s5 =	smul.u32 $0x280, s11  }
0x6: {  	s14 =	simm.s32 $0x15800;
	s1 =	sand.u32 $0x1, s1;
	s9 =	smul.u32 $0x50000, s11  }
0x7: {  	s15 =	simm.s32 $0x0;
	[smem:$0x7FF] =	sst s4;
	s6 =	smul.u32 $0x2800, s1  }
0x8: {  	s7 =	sadd.s32 $0x2800, s0;
	s20 =	sshll.u32 s11, $0x1;
	s10 =	ssub.s32 $0x2, s1  }
0x9: {  	s1 =	sor.u32 s1, s20;
	s9 =	sshrl.u32 s9, $0x2;
	s6 =	sadd.s32 s6, s5  }
0xa: {  	s21 =	sshrl.u32 s10, $0x1;
	s5 =	sadd.s32 $0x2A000, s0;
	s8 =	sshll.u32 s6, $0x4  }
0xb: {  	s23 =	ssub.s32 s10, s21;
	s6 =	sadd.s32 $0x20200, s0;
	s0 =	sadd.s32 s8, s0  }
0xc: {  	s8 =	sadd.s32 s9, s3;
	s9 =	smul.u32 $0x2710, s1;
	s1 =	smax.u32 s23, $0x1  }
0xd: {  	_ =	strace $0x8000004D;
	s22 =	sadd.s32 $0x189A00, s0;
	[dreg:$0xb] =	wrdreg s1  }
0xe: {  	s20 =	simm.s32 $0x1A900;
	s24 =	sadd.s32 $0x18A200, s0;
	[dreg:$0x8] =	wrdreg s22  }
0xf: {  	s21 =	simm.s32 $0x5;
	s25 =	sadd.s32 $0x18AA00, s0;
	[dreg:$0x9] =	wrdreg s24  }
0x10: {  	s23 =	simm.s32 $0x14800;
	s26 =	sadd.s32 $0x18B200, s0;
	[dreg:$0xa] =	wrdreg s25  }
0x11: {  	s12 =	sadd.s32 $0x4000, s8;
	s0 =	sadd.s32 $0x18BA00, s0;
	[dreg:$0xc] =	wrdreg s26  }
.Ltmp0:
0x12: {  	s13 =	sadd.s32 $0x8000, s8;
	[dreg:$0xd] =	wrdreg s0;
	(pc) =	sbr.rel .LBB2_1-.Ltmp0, $4  }
0x13: {  	s16 =	sadd.s32 $0xC000, s8;
	s17 =	sadd.s32 $0x10000, s8;
	[dreg:$0x4] =	wrdreg s12  }
0x14: {  	s1 =	simm.s32 $0x4;
	s22 =	simm.s32 $0x14000;
	[dreg:$0x5] =	wrdreg s13  }
0x15: {  	s24 =	simm.s32 $0x15000;
	s25 =	simm.s32 $0x50;
	[dreg:$0x6] =	wrdreg s16  }
0x16: {  	v0 =	vimm.f32 $0.0e+00;
	s26 =	simm.s32 $0x15900;
	s0 =	simm.s32 $0x1;
	[dreg:$0x7] =	wrdreg s17  }
.LBB2_18:
0x17: {  	[bflag:$0x0] =	sbarrier.arrive $0xFFFF  }
0x18: {  	[tilespmem:s20], [sflag:$0x5] =	stream.linear.gather [spmem:s4], $0x4000, $0x38;
	[tilespmem:$0x1E900] =	vst v63  }
0x19: {  	_ =	swait.ge [sflag:s21], $0x4000  }
0x1a: {  	[sflag:s21] =	ssyncset.done $0x0  }
0x1b: {  	s11 =	simm.s32 $0x0;
	s10 =	rddreg [dreg:$0x8];
	[sflag:s21] =	ssyncadd.s32 $0xFFFFC000  }
0x1c: {  	[hbm4b:s10+s11] =	stream.linear.scatter [tilespmem:s20], [sflag:$0x5], $0x4000, $0x38;
	[tilespmem:$0x1E900] =	vst v63  }
0x1d: {  	_ =	swait.ge [sflag:s21], $0x4000  }
0x1e: {  	[sflag:s21] =	ssyncset.done $0x0  }
0x1f: {  	s12 =	rddreg [dreg:$0x4];
	[sflag:s21] =	ssyncadd.s32 $0xFFFFC000  }
0x20: {  	[tilespmem:s20], [sflag:$0x5] =	stream.linear.gather [spmem:s12], $0x4000, $0x38;
	[tilespmem:$0x1E900] =	vst v63  }
0x21: {  	_ =	swait.ge [sflag:s21], $0x4000  }
0x22: {  	[sflag:s21] =	ssyncset.done $0x0  }
0x23: {  	s13 =	rddreg [dreg:$0x9];
	[sflag:s21] =	ssyncadd.s32 $0xFFFFC000  }
0x24: {  	[hbm4b:s13+s11] =	stream.linear.scatter [tilespmem:s20], [sflag:$0x5], $0x4000, $0x38;
	[tilespmem:$0x1E900] =	vst v63  }
0x25: {  	_ =	swait.ge [sflag:s21], $0x4000  }
0x26: {  	[sflag:s21] =	ssyncset.done $0x0  }
0x27: {  	s13 =	rddreg [dreg:$0x5];
	[sflag:s21] =	ssyncadd.s32 $0xFFFFC000  }
0x28: {  	[tilespmem:s20], [sflag:$0x5] =	stream.linear.gather [spmem:s13], $0x4000, $0x38;
	[tilespmem:$0x1E900] =	vst v63  }
0x29: {  	_ =	swait.ge [sflag:s21], $0x4000  }
0x2a: {  	[sflag:s21] =	ssyncset.done $0x0  }
0x2b: {  	s16 =	rddreg [dreg:$0xa];
	[sflag:s21] =	ssyncadd.s32 $0xFFFFC000  }
0x2c: {  	[hbm4b:s16+s11] =	stream.linear.scatter [tilespmem:s20], [sflag:$0x5], $0x4000, $0x38;
	[tilespmem:$0x1E900] =	vst v63  }
0x2d: {  	_ =	swait.ge [sflag:s21], $0x4000  }
0x2e: {  	[sflag:s21] =	ssyncset.done $0x0  }
0x2f: {  	s16 =	rddreg [dreg:$0x6];
	[sflag:s21] =	ssyncadd.s32 $0xFFFFC000  }
0x30: {  	[tilespmem:s20], [sflag:$0x5] =	stream.linear.gather [spmem:s16], $0x4000, $0x38;
	[tilespmem:$0x1E900] =	vst v63  }
0x31: {  	_ =	swait.ge [sflag:s21], $0x4000  }
0x32: {  	[sflag:s21] =	ssyncset.done $0x0  }
0x33: {  	s17 =	rddreg [dreg:$0xc];
	[sflag:s21] =	ssyncadd.s32 $0xFFFFC000  }
0x34: {  	[hbm4b:s17+s11] =	stream.linear.scatter [tilespmem:s20], [sflag:$0x5], $0x4000, $0x38;
	[tilespmem:$0x1E900] =	vst v63  }
0x35: {  	_ =	swait.ge [sflag:s21], $0x4000  }
0x36: {  	[sflag:s21] =	ssyncset.done $0x0  }
0x37: {  	s17 =	rddreg [dreg:$0x7];
	[sflag:s21] =	ssyncadd.s32 $0xFFFFC000  }
0x38: {  	[tilespmem:s20], [sflag:$0x5] =	stream.linear.gather [spmem:s17], $0x4000, $0x38;
	[tilespmem:$0x1E900] =	vst v63  }
0x39: {  	_ =	swait.ge [sflag:s21], $0x4000  }
0x3a: {  	[sflag:s21] =	ssyncset.done $0x0  }
0x3b: {  	s18 =	rddreg [dreg:$0xd];
	[sflag:s21] =	ssyncadd.s32 $0xFFFFC000  }
0x3c: {  	[hbm4b:s18+s11] =	stream.linear.scatter [tilespmem:s20], [sflag:$0x5], $0x4000, $0x38;
	[tilespmem:$0x1E900] =	vst v63  }
0x3d: {  	_ =	swait.ge [sflag:s21], $0x4000  }
0x3e: {  	s15 =	sadd.s32 $0x1, s15;
	s19 =	rddreg [dreg:$0xb]  }
0x3f: {  	p0 =	sne.s32 s15, s19  }
.Ltmp1:
0x40: {  	_ = 	snop;
	(pc) =	sbr.rel @!p0 .LBB2_19-.Ltmp1, $3  }
0x41: {  	_ =	sdelay $0x1  }
0x42: {  	[sflag:s21] =	ssyncset.done $0x0  }
0x43: {  	s8 =	smov.u32 s4;
	[sflag:s21] =	ssyncadd.s32 $0xFFFFC000  }
.LBB2_1:
0x44: {  	s10 =	simm.s32 $0x0;
	s11 =	simm.s32 $0x200  }
.LBB2_2:
0x45: {  	p0 =	sne.s32 s11, $0xFE00;
	[tilespmem:s10+$0x1A970] =	vst v0  }
0x46: {  	[tilespmem:s10+$0x1A900] =	vst v0  }
0x47: {  	[tilespmem:s10+$0x1A910] =	vst v0  }
.Ltmp2:
0x48: {  	[tilespmem:s10+$0x1A920] =	vst v0;
	(pc) =	sbr.rel @p0 .LBB2_2-.Ltmp2, $4  }
0x49: {  	[tilespmem:s10+$0x1A930] =	vst v0  }
0x4a: {  	[tilespmem:s10+$0x1A940] =	vst v0  }
0x4b: {  	[tilespmem:s10+$0x1A950] =	vst v0  }
0x4c: {  	[tilespmem:s10+$0x1A960] =	vst v0;
	s10 =	sshra.s32 s11, $0x2;
	s11 =	sadd.s32 $0x200, s11  }
0x4d: {  	[tilespmem:s10+$0x1A970] =	vst v0  }
0x4e: {  	[tilespmem:s10+$0x1A900] =	vst v0  }
0x4f: {  	[tilespmem:s10+$0x1A910] =	vst v0  }
0x50: {  	[tilespmem:s10+$0x1A920] =	vst v0  }
0x51: {  	[tilespmem:s10+$0x1A930] =	vst v0  }
0x52: {  	[tilespmem:s10+$0x1A940] =	vst v0  }
0x53: {  	[tilespmem:s10+$0x1A950] =	vst v0  }
0x54: {  	[tilespmem:s10+$0x1A960] =	vst v0  }
0x55: {  	[spmem:s8] =	stream.linear.scatter [tilespmem:s20], [sflag:$0x5], $0x4000, $0x38;
	[tilespmem:$0x1E900] =	vst v63  }
0x56: {  	_ =	swait.ge [sflag:s21], $0x4000  }
0x57: {  	[sflag:s21] =	ssyncset.done $0x0  }
0x58: {  	[sflag:s21] =	ssyncadd.s32 $0xFFFFC000  }
0x59: {  	[spmem:s12] =	stream.linear.scatter [tilespmem:s20], [sflag:$0x5], $0x4000, $0x38;
	[tilespmem:$0x1E900] =	vst v63  }
0x5a: {  	_ =	swait.ge [sflag:s21], $0x4000  }
0x5b: {  	[sflag:s21] =	ssyncset.done $0x0  }
0x5c: {  	[sflag:s21] =	ssyncadd.s32 $0xFFFFC000  }
0x5d: {  	[spmem:s13] =	stream.linear.scatter [tilespmem:s20], [sflag:$0x5], $0x4000, $0x38;
	[tilespmem:$0x1E900] =	vst v63  }
0x5e: {  	_ =	swait.ge [sflag:s21], $0x4000  }
0x5f: {  	[sflag:s21] =	ssyncset.done $0x0  }
0x60: {  	[sflag:s21] =	ssyncadd.s32 $0xFFFFC000  }
0x61: {  	[spmem:s16] =	stream.linear.scatter [tilespmem:s20], [sflag:$0x5], $0x4000, $0x38;
	[tilespmem:$0x1E900] =	vst v63  }
0x62: {  	_ =	swait.ge [sflag:s21], $0x4000  }
0x63: {  	[sflag:s21] =	ssyncset.done $0x0  }
0x64: {  	[sflag:s21] =	ssyncadd.s32 $0xFFFFC000  }
0x65: {  	[spmem:s17] =	stream.linear.scatter [tilespmem:s20], [sflag:$0x5], $0x4000, $0x38;
	[tilespmem:$0x1E900] =	vst v63  }
.Ltmp3:
0x66: {  	_ =	swait.ge [sflag:s21], $0x4000;
	(pc) =	sbr.rel .LBB2_4-.Ltmp3, $4  }
0x67: {  	[sflag:s21] =	ssyncset.done $0x0  }
0x68: {  	[sflag:s21] =	ssyncadd.s32 $0xFFFFC000  }
0x69: {  	[bflag:$0x0] =	sbarrier.arrive $0xFFFF  }
0x6a: {  	s4 =	smov.u32 s8;
	s16 =	simm.s32 $0x0;
	s17 =	simm.s32 $0x0  }
.LBB2_17:
0x6b: {  	s17 =	sadd.s32 $0x1, s17  }
0x6c: {  	_ =	swait.ge [sflag:s31], $0x2800;
	p0 =	sne.s32 s17, $0x5  }
.Ltmp4:
0x6d: {  	[sflag:s31] =	ssyncset.done $0x0;
	(pc) =	sbr.rel @!p0 .LBB2_18-.Ltmp4, $4  }
0x6e: {  	[sflag:s31] =	ssyncadd.s32 $0xFFFFD800  }
0x6f: {  	_ =	swait.ge [sflag:s1], $0x2800  }
0x70: {  	[sflag:s1] =	ssyncset.done $0x0  }
0x71: {  	[sflag:s1] =	ssyncadd.s32 $0xFFFFD800  }
.LBB2_4:
0x72: {  	s10 =	smul.u32 $0x7D0, s17;
	_ =	sdelay $0x1  }
0x73: {  	s10 =	sadd.s32 s9, s10  }
0x74: {  	s10 =	sshrl.u32 s10, $0x3  }
0x75: {  	s11 =	sadd.s32 s6, s10  }
0x76: {  	[tilespmem:s22], [sflag:$0x5] =	stream.linear.gather [hbm4b:s11+s16], $0x7D0, $0x38;
	[tilespmem:$0x1E900] =	vst v63  }
0x77: {  	_ =	swait.ge [sflag:s21], $0x7D0  }
0x78: {  	[sflag:s21] =	ssyncset.done $0x0  }
0x79: {  	s19 =	sadd.s32 s7, s10;
	[sflag:s21] =	ssyncadd.s32 $0xFFFFF830  }
0x7a: {  	[tilespmem:s23], [sflag:$0x5] =	stream.linear.gather [hbm4b:s19+s16], $0x7D0, $0x38;
	[tilespmem:$0x1E900] =	vst v63  }
0x7b: {  	_ =	swait.ge [sflag:s21], $0x7D0  }
0x7c: {  	[sflag:s21] =	ssyncset.done $0x0  }
0x7d: {  	s10 =	sadd.s32 s2, s10;
	[sflag:s21] =	ssyncadd.s32 $0xFFFFF830  }
0x7e: {  	[tilespmem:s24], [sflag:$0x5] =	stream.linear.gather [hbm4b:s10+s16], $0x7D0, $0x38;
	[tilespmem:$0x1E900] =	vst v63  }
.Ltmp5:
0x7f: {  	_ = 	snop;
	(pc) =	sbr.rel .LBB2_5-.Ltmp5, $4  }
0x80: {  	_ =	swait.ge [sflag:s21], $0x7D0  }
0x81: {  	[sflag:s21] =	ssyncset.done $0x0  }
0x82: {  	s18 =	simm.s32 $0x0;
	s19 =	simm.s32 $0x0;
	[sflag:s21] =	ssyncadd.s32 $0xFFFFF830  }
0x83: {  	[tilespmem:s26], [sflag:$0x1] =	stream.indirect.gather [hbm4b:s5+s25], $0x80, s22, s25, $0xb8;
	[tilespmem:$0x1E900] =	vst v63  }
.LBB2_15:
0x84: {  	[tilespmem:s10+$0x30] =	vst v9  }
0x85: {  	[tilespmem:s10+$0xFFFFFFC0] =	vst v7  }
0x86: {  	v1 =	vmul.f32 v1, v2;
	[tilespmem:s10+$0x10] =	vst v8  }
0x87: {  	v5 =	vmul.f32 v5, v2;
	[tilespmem:s10+$0xFFFFFFE0] =	vst v6  }
0x88: {  	v3 =	vmul.f32 v3, v2;
	[tilespmem:s10+$0xFFFFFFF0] =	vst v1  }
0x89: {  	s8 =	smul.u32 $0x140, s19;
	v1 =	vmul.f32 v4, v2;
	[tilespmem:s10+$0x0] =	vst v5  }
0x8a: {  	[tilespmem:s10+$0x20] =	vst v3  }
0x8b: {  	s8 =	sshra.s32 s8, $0x2;
	[tilespmem:s10+$0xFFFFFFD0] =	vst v1  }
0x8c: {  	v1 =	vld [tilespmem:s8+$0x14800];
	_ =	sdelay $0x4  }
0x8d: {  	[tilespmem:$0x15880] =	vst v1  }
0x8e: {  	v1 =	vld [tilespmem:s8+$0x14810];
	_ =	sdelay $0x4  }
0x8f: {  	[tilespmem:$0x15890] =	vst v1  }
0x90: {  	v1 =	vld [tilespmem:s8+$0x14820];
	_ =	sdelay $0x4  }
0x91: {  	[tilespmem:$0x158A0] =	vst v1  }
0x92: {  	v1 =	vld [tilespmem:s8+$0x14830];
	_ =	sdelay $0x4  }
0x93: {  	[tilespmem:$0x158B0] =	vst v1  }
0x94: {  	v1 =	vld [tilespmem:s8+$0x14840];
	_ =	sdelay $0x4  }
0x95: {  	[tilespmem:$0x158C0] =	vst v1  }
0x96: {  	[spmem:s3] =	stream.indirect.scatter.add.f32 [tilespmem:s30], [sflag:$0x4], $0x80, s29, s25, $0xb8;
	[tilespmem:$0x1E900] =	vst v63  }
.LBB2_16:
0x97: {  	s19 =	sadd.s32 $0x1, s19  }
0x98: {  	p0 =	sne.s32 s19, $0x19  }
.Ltmp6:
0x99: {  	_ = 	snop;
	(pc) =	sbr.rel @!p0 .LBB2_17-.Ltmp6, $2  }
0x9a: {  	_ =	sdelay $0x2  }
0x9b: {  	s18 =	sadd.s32 $0x50, s18  }
.LBB2_5:
0x9c: {  	s10 =	sand.u32 $0x1, s19  }
0x9d: {  	p0 =	seq.s32 s10, $0x1  }
.Ltmp7:
0x9e: {  	_ = 	snop;
	(pc) =	sbr.rel @p0 .LBB2_13-.Ltmp7, $1  }
0x9f: {  	_ =	sdelay $0x3  }
0xa0: {  	p0 =	seq.s32 s19, $0x0  }
.Ltmp8:
0xa1: {  	_ = 	snop;
	(pc) =	sbr.rel @p0 .LBB2_9-.Ltmp8, $4  }
0xa2: {  	_ = 	snop  }
0xa3: {  	_ =	swait.ge [sflag:s0], $0x2800  }
0xa4: {  	[sflag:s0] =	ssyncset.done $0x0  }
0xa5: {  	[sflag:s0] =	ssyncadd.s32 $0xFFFFD800  }
0xa6: {  	p0 =	seq.s32 s19, $0x18  }
.Ltmp9:
0xa7: {  	_ = 	snop;
	(pc) =	sbr.rel @p0 .LBB2_10-.Ltmp9, $1  }
0xa8: {  	_ =	sdelay $0x3  }
0xa9: {  	_ =	swait.ge [sflag:s1], $0x2800  }
0xaa: {  	[sflag:s1] =	ssyncset.done $0x0  }
0xab: {  	[sflag:s1] =	ssyncadd.s32 $0xFFFFD800  }
.LBB2_9:
0xac: {  	s11 =	smul.u32 $0x140, s19;
	_ =	sdelay $0x1  }
0xad: {  	s11 =	sshra.s32 s11, $0x2  }
0xae: {  	s11 =	sadd.s32 $0x14050, s11  }
0xaf: {  	[tilespmem:s30], [sflag:$0x2] =	stream.indirect.gather [hbm4b:s5+s25], $0x80, s11, s25, $0xb8;
	[tilespmem:$0x1E900] =	vst v63  }
.LBB2_10:
0xb0: {  	s11 =	sadd.s32 $0x0, s18  }
0xb1: {  	v1 =	vmov s11  }
0xb2: {  	s11 =	simm.s32 $0x15940  }
0xb3: {  	v5 =	vld [tilespmem:s11+$0x30]  }
0xb4: {  	v8 =	vld [tilespmem:s11+$0x10]  }
0xb5: {  	v6 =	vld [tilespmem:s11+$0xFFFFFFC0]  }
0xb6: {  	v2 =	vld.idx.msk [tilespmem:v1+s24+$0x0], $0xffff  }
0xb7: {  	v10 =	vld [tilespmem:s11+$0xFFFFFFE0]  }
0xb8: {  	v3 =	vld [tilespmem:s11+$0x20]  }
0xb9: {  	v4 =	vld [tilespmem:s11+$0xFFFFFFD0]  }
0xba: {  	v1 =	vld [tilespmem:s11+$0xFFFFFFF0]  }
0xbb: {  	v9 =	vmul.f32 v5, v2;
	v5 =	vld [tilespmem:s11+$0x0]  }
0xbc: {  	v7 =	vmul.f32 v6, v2  }
0xbd: {  	s12 =	simm.s32 $0x1;
	s13 =	simm.s32 $0x15940;
	v6 =	vmul.f32 v10, v2;
	v8 =	vmul.f32 v8, v2  }
.LBB2_11:
0xbe: {  	p0 =	sne.s32 s12, $0x4F  }
0xbf: {  	v4 =	vmul.f32 v4, v2;
	v3 =	vmul.f32 v3, v2;
	[tilespmem:s11+$0x30] =	vst v9;
	s13 =	sadd.s32 $0x80, s13;
	s8 =	smov.u32 s12;
	s12 =	sadd.s32 $0x1, s12  }
0xc0: {  	[tilespmem:s11+$0xFFFFFFC0] =	vst v7;
	v7 =	vmul.f32 v1, v2;
	v2 =	vmul.f32 v5, v2  }
0xc1: {  	s8 =	sadd.s32 s8, s18;
	[tilespmem:s11+$0x10] =	vst v8  }
0xc2: {  	v5 =	vmov s8;
	[tilespmem:s11+$0xFFFFFFE0] =	vst v6  }
0xc3: {  	v1 =	vld [tilespmem:s13+$0xFFFFFFF0];
	[tilespmem:s11+$0xFFFFFFF0] =	vst v7  }
0xc4: {  	v6 =	vld [tilespmem:s13+$0x30];
	[tilespmem:s11+$0x0] =	vst v2  }
0xc5: {  	v8 =	vld [tilespmem:s13+$0x10];
	[tilespmem:s11+$0x20] =	vst v3  }
0xc6: {  	v7 =	vld [tilespmem:s13+$0xFFFFFFC0];
	[tilespmem:s11+$0xFFFFFFD0] =	vst v4;
	s11 =	smov.u32 s13  }
0xc7: {  	v2 =	vld.idx.msk [tilespmem:v5+s24+$0x0], $0xffff  }
0xc8: {  	v10 =	vld [tilespmem:s13+$0xFFFFFFE0]  }
0xc9: {  	v3 =	vld [tilespmem:s13+$0x20]  }
.Ltmp10:
0xca: {  	v4 =	vld [tilespmem:s13+$0xFFFFFFD0];
	(pc) =	sbr.rel @p0 .LBB2_11-.Ltmp10, $3  }
0xcb: {  	v5 =	vld [tilespmem:s13+$0x0];
	_ =	sdelay $0x1  }
0xcc: {  	v7 =	vmul.f32 v7, v2;
	v9 =	vmul.f32 v6, v2  }
0xcd: {  	v8 =	vmul.f32 v8, v2;
	v6 =	vmul.f32 v10, v2  }
0xce: {  	[tilespmem:s11+$0x30] =	vst v9  }
0xcf: {  	[tilespmem:s11+$0xFFFFFFC0] =	vst v7  }
0xd0: {  	v1 =	vmul.f32 v1, v2;
	[tilespmem:s11+$0x10] =	vst v8  }
0xd1: {  	v3 =	vmul.f32 v3, v2;
	[tilespmem:s11+$0xFFFFFFE0] =	vst v6  }
0xd2: {  	v5 =	vmul.f32 v5, v2;
	[tilespmem:s11+$0xFFFFFFF0] =	vst v1  }
0xd3: {  	s8 =	smul.u32 $0x140, s19;
	v1 =	vmul.f32 v4, v2;
	[tilespmem:s11+$0x20] =	vst v3  }
0xd4: {  	[tilespmem:s11+$0x0] =	vst v5  }
0xd5: {  	s8 =	sshra.s32 s8, $0x2;
	[tilespmem:s11+$0xFFFFFFD0] =	vst v1  }
0xd6: {  	v1 =	vld [tilespmem:s8+$0x14800];
	_ =	sdelay $0x4  }
0xd7: {  	[tilespmem:$0x15800] =	vst v1  }
0xd8: {  	v1 =	vld [tilespmem:s8+$0x14810];
	_ =	sdelay $0x4  }
0xd9: {  	[tilespmem:$0x15810] =	vst v1  }
0xda: {  	v1 =	vld [tilespmem:s8+$0x14820];
	_ =	sdelay $0x4  }
0xdb: {  	[tilespmem:$0x15820] =	vst v1  }
0xdc: {  	v1 =	vld [tilespmem:s8+$0x14830];
	_ =	sdelay $0x4  }
0xdd: {  	[tilespmem:$0x15830] =	vst v1  }
0xde: {  	v1 =	vld [tilespmem:s8+$0x14840]  }
0xdf: {  	p0 =	seq.s32 s10, $0x0  }
.Ltmp11:
0xe0: {  	_ = 	snop;
	(pc) =	sbr.rel @p0 .LBB2_16-.Ltmp11, $3  }
0xe1: {  	_ =	sdelay $0x1  }
0xe2: {  	[tilespmem:$0x15840] =	vst v1  }
0xe3: {  	[spmem:s3] =	stream.indirect.scatter.add.f32 [tilespmem:s26], [sflag:$0x3], $0x80, s14, s25, $0xb8;
	[tilespmem:$0x1E900] =	vst v63  }
.LBB2_13:
0xe4: {  	_ =	swait.ge [sflag:s28], $0x2800  }
0xe5: {  	p0 =	seq.s32 s19, $0x18;
	[sflag:s28] =	ssyncset.done $0x0  }
0xe6: {  	s8 =	simm.s32 @!p0 $0x3;
	s10 =	smul.u32 @!p0 $0x140, s19;
	[sflag:s28] =	ssyncadd.s32 $0xFFFFD800  }
0xe7: {  	s12 =	sadd.s32 $0x0, s18;
	_ =	swait.ge @!p0 [sflag:s8], $0x2800  }
0xe8: {  	s11 =	simm.s32 @!p0 $0x15900;
	s10 =	sshra.s32 @!p0 s10, $0x2;
	[sflag:s8] =	ssyncset.done @!p0 $0x0  }
0xe9: {  	[sflag:s8] =	ssyncadd.s32 @!p0 $0xFFFFD800;
	s8 =	sadd.s32 @!p0 $0x14050, s10;
	s10 =	simm.s32 @!p0 $0x50  }
0xea: {  	v1 =	vmov s12;
	[tilespmem:s11], [sflag:$0x1] =	stream.indirect.gather @!p0 [hbm4b:s5+s10], $0x80, s8, s10, $0xb8;
	[tilespmem:$0x1E900] =	vst v63  }
0xeb: {  	s10 =	simm.s32 $0x18140  }
0xec: {  	v5 =	vld [tilespmem:s10+$0x30]  }
0xed: {  	v8 =	vld [tilespmem:s10+$0x10]  }
0xee: {  	v6 =	vld [tilespmem:s10+$0xFFFFFFC0]  }
0xef: {  	v2 =	vld.idx.msk [tilespmem:v1+s24+$0x0], $0xffff  }
0xf0: {  	v10 =	vld [tilespmem:s10+$0xFFFFFFE0]  }
0xf1: {  	v1 =	vld [tilespmem:s10+$0xFFFFFFF0]  }
0xf2: {  	v3 =	vld [tilespmem:s10+$0x20]  }
0xf3: {  	v4 =	vld [tilespmem:s10+$0xFFFFFFD0]  }
0xf4: {  	v9 =	vmul.f32 v5, v2;
	v5 =	vld [tilespmem:s10+$0x0]  }
0xf5: {  	v7 =	vmul.f32 v6, v2  }
0xf6: {  	s12 =	simm.s32 $0x18140;
	s11 =	simm.s32 $0x1;
	v6 =	vmul.f32 v10, v2;
	v8 =	vmul.f32 v8, v2  }
.LBB2_14:
0xf7: {  	p0 =	sne.s32 s11, $0x4F  }
0xf8: {  	v4 =	vmul.f32 v4, v2;
	v3 =	vmul.f32 v3, v2;
	[tilespmem:s10+$0x30] =	vst v9;
	s12 =	sadd.s32 $0x80, s12;
	s8 =	smov.u32 s11;
	s11 =	sadd.s32 $0x1, s11  }
0xf9: {  	[tilespmem:s10+$0xFFFFFFC0] =	vst v7;
	v7 =	vmul.f32 v1, v2;
	v2 =	vmul.f32 v5, v2  }
0xfa: {  	s8 =	sadd.s32 s8, s18;
	[tilespmem:s10+$0x10] =	vst v8  }
0xfb: {  	v5 =	vmov s8;
	[tilespmem:s10+$0xFFFFFFE0] =	vst v6  }
0xfc: {  	v1 =	vld [tilespmem:s12+$0xFFFFFFF0];
	[tilespmem:s10+$0xFFFFFFF0] =	vst v7  }
0xfd: {  	v6 =	vld [tilespmem:s12+$0x30];
	[tilespmem:s10+$0x0] =	vst v2  }
0xfe: {  	v8 =	vld [tilespmem:s12+$0x10];
	[tilespmem:s10+$0x20] =	vst v3  }
0xff: {  	v7 =	vld [tilespmem:s12+$0xFFFFFFC0];
	[tilespmem:s10+$0xFFFFFFD0] =	vst v4;
	s10 =	smov.u32 s12  }
0x100: {  	v2 =	vld.idx.msk [tilespmem:v5+s24+$0x0], $0xffff  }
0x101: {  	v10 =	vld [tilespmem:s12+$0xFFFFFFE0]  }
0x102: {  	v3 =	vld [tilespmem:s12+$0x20]  }
.Ltmp12:
0x103: {  	v4 =	vld [tilespmem:s12+$0xFFFFFFD0];
	(pc) =	sbr.rel @p0 .LBB2_14-.Ltmp12, $3  }
0x104: {  	v5 =	vld [tilespmem:s12+$0x0];
	_ =	sdelay $0x1  }
0x105: {  	v7 =	vmul.f32 v7, v2;
	v9 =	vmul.f32 v6, v2  }
0x106: {  	v8 =	vmul.f32 v8, v2;
	v6 =	vmul.f32 v10, v2  }
.Ltmp13:
0x107: {  	_ = 	snop;
	(pc) =	sbr.rel .LBB2_15-.Ltmp13, $1  }
0x108: {  	_ =	sdelay $0x3  }
.LBB2_19:
0x109: {  	_ =	sfence.sel $0x180000  }
0x10a: {  	[bflag:$0x0] =	sbarrier.arrive $0xFFFF  }
0x10b: {  	_ =	strace $0x9000004D  }
0x10c: {  	s0 =	stileid.u32;
	[bflag:$0x2] =	sbarrier.arrive $0xFFFF  }
0x10d: {  	p0 =	sne.s32 s0, $0x0;
	s0 =	rddreg [dreg:$0x3]  }
0x10e: {  	s0 =	sadd.s32 @!p0 $0x100000, s0  }
0x10f: {  	[sflag:s0] =	ssyncadd.tile.s32 @!p0 $0x1;
	_ =	shalt  }
.Lfunc_end2:
_tile_overlayer_lowered:
.L_overlay_start_2:
0x110: {  	(tag) =	ssettag $0x2  }
0x111: {  	s0 =	rddreg [dreg:$0x0];
	s2 =	stileid.u32  }
0x112: {  	s1 =	rddreg [dreg:$0x1];
	p0 =	sne.s32 s2, $0x0  }
0x113: {  	s3 =	rddreg [dreg:$0x2];
	[bflag:$0x3] =	sbarrier.arrive $0xFFFF;
	s2 =	simm.s32 @!p0 $0x1C05  }
0x114: {  	[timem:s3], [sflag:s2] =	dma.local @!p0 [hbm:s0], s1  }
0x115: {  	s0 =	simm.s32 @!p0 $0x5  }
0x116: {  	_ =	swait.ge @!p0 [sflag:s0], s1  }
0x117: {  	s1 =	ssub.s32 @!p0 $0x0, s1;
	[sflag:s0] =	ssyncset.done @!p0 $0x0  }
0x118: {  	[sflag:s0] =	ssyncadd.s32 @!p0 s1  }
0x119: {  	[bflag:$0x3] =	sbarrier.arrive $0xFFFF  }
0x11a: {  	_ =	shalt  }

// kernel: kernel.19.cloned.1.call-start
scs
__scs_entry_jumppad:
0x0: {  	(pc) =	sbr.rel $0x88, $3  }
0x1: {  	(tag) =	ssettag $0x0;
	lr =	simm.s32 $0x1  }
0x2: {  	[smem:$0x3F98] =	sst lr;
	_ =	strace $0xD0000000  }
0x3: {  	_ = 	snop  }
0x4: {  	_ = 	snop  }
0x5: {  	_ = 	snop  }
0x6: {  	_ = 	snop  }
0x7: {  	_ = 	snop  }
__scs_overlays_trampoline_lowered:
0x8: {  	[smem:$0x3FA7] =	sst s0  }
0x9: {  	[smem:$0x3FA8] =	sst s1  }
0xa: {  	[smem:$0x3FA9] =	sst s2  }
0xb: {  	[smem:$0x3FAA] =	sst s3  }
0xc: {  	[smem:$0x3FAB] =	sst s4  }
0xd: {  	[smem:$0x3FAC] =	sst s5  }
0xe: {  	[smem:$0x3FAD] =	sst s6  }
0xf: {  	[smem:$0x3FAE] =	sst s7  }
0x10: {  	[smem:$0x3FAF] =	sst s8  }
0x11: {  	[smem:$0x3FB0] =	sst s9;
	s0 =	simm.s32 @!p0 $0x0  }
0x12: {  	s1 =	sld [smem:$0x3F96];
	s0 =	simm.s32 @p0 $0x1  }
0x13: {  	[smem:$0x3FB1] =	sst s0;
	s0 =	simm.s32 @!p1 $0x0  }
0x14: {  	s2 =	sld [smem:$0x3F95];
	s0 =	simm.s32 @p1 $0x1  }
0x15: {  	[smem:$0x3FB2] =	sst s0;
	s0 =	simm.s32 @!p2 $0x0  }
0x16: {  	s3 =	sld [smem:$0x3FDB];
	s0 =	simm.s32 @p2 $0x1  }
0x17: {  	s4 =	simm.s32 $0x1BF5;
	[smem:$0x3FB4] =	sst s0  }
0x18: {  	s0 =	sld [smem:$0x3F97];
	_ =	swait.ge [sflag:s4], $0x0  }
0x19: {  	s7 =	sld [smem:$0x3F98]  }
0x1a: {  	s8 =	sadd.s32 $0xFFFFE003, lr  }
0x1b: {  	s9 =	sadd.s32 $0xFFFFFEF7, lr;
	s5 =	simm.s32 $0xFFFFFFFF;
	p2 =	slt.u32 s8, $0xFFFFF086  }
0x1c: {  	p1 =	slt.u32 s9, $0xF7A;
	s5 =	simm.s32 @!p2 $0x0  }
0x1d: {  	s5 =	simm.s32 @p1 $0x1;
	p0 =	seq.s32 s7, s2  }
0x1e: {  	s7 =	smul.u32 @!p0 $0xF7A, s2;
	p2 =	seq.s32 @!p0 s5, $0x0  }
0x1f: {  	s9 =	smul.u32 $0xF7A, s1;
	s8 =	simm.s32 @!p0 $0x1BF5;
	p2 =	por !p2, p0  }
0x20: {  	[sflag:s8] =	ssyncset.s32 @!p0 $0xFFFFF086;
	s6 =	sadd.s32 @!p0 s3, s7;
	s7 =	simm.s32 @!p0 $0x108  }
0x21: {  	s3 =	sadd.s32 s3, s9;
	s6 =	sadd.s32 @!p0 $0x88, s6;
	s7 =	simm.s32 @p2 $0x1082  }
0x22: {  	[simem:s7], [sflag:s8] =	dma.local @!p0 [hbm:s6], $0xF7A  }
0x23: {  	s9 =	sor.u32 $0xD0000000, s2;
	s6 =	simm.s32 $0x108;
	_ =	swait.ge @!p0 [sflag:s8], $0x0  }
0x24: {  	s3 =	sadd.s32 $0x88, s3;
	s6 =	simm.s32 @!p1 $0x1082;
	[sflag:s4] =	ssyncset.s32 $0xFFFFF086  }
0x25: {  	[simem:s6], [sflag:s4] =	dma.local [hbm:s3], $0xF7A  }
0x26: {  	[smem:$0x3F98] =	sst s1;
	(tag) =	ssettag s2;
	_ =	strace s9  }
0x27: {  	s1 =	sld [smem:$0x3FA8]  }
0x28: {  	s2 =	sld [smem:$0x3FA9]  }
0x29: {  	s4 =	sld [smem:$0x3FAB]  }
0x2a: {  	p0 =	seq.s32 s5, $0x0;
	s5 =	sld [smem:$0x3FAC]  }
0x2b: {  	s6 =	sld [smem:$0x3FAD]  }
0x2c: {  	s7 =	sld [smem:$0x3FAE]  }
0x2d: {  	s3 =	simm.s32 $0x108;
	s8 =	sld [smem:$0x3FAF]  }
0x2e: {  	s3 =	simm.s32 @!p0 $0x1082;
	s9 =	sld [smem:$0x3FB0]  }
0x2f: {  	lr =	sadd.s32 s0, s3;
	s0 =	sld [smem:$0x3FA7]  }
0x30: {  	s3 =	sld [smem:$0x3FAA]  }
0x31: {  	[smem:$0x3FB3] =	sst s10  }
0x32: {  	s10 =	sld [smem:$0x3FB1];
	_ =	sdelay $0x3  }
0x33: {  	p0 =	seq.s32 s10, $0x1;
	s10 =	sld [smem:$0x3FB3];
	_ =	sdelay $0x3  }
0x34: {  	[smem:$0x3FB3] =	sst s10  }
0x35: {  	s10 =	sld [smem:$0x3FB2];
	_ =	sdelay $0x3  }
0x36: {  	p1 =	seq.s32 s10, $0x1;
	s10 =	sld [smem:$0x3FB3];
	_ =	sdelay $0x3  }
0x37: {  	[smem:$0x3FB3] =	sst s10  }
0x38: {  	s10 =	sld [smem:$0x3FB4]  }
0x39: {  	_ = 	snop;
	(pc) =	sbr.ind lr, $3  }
0x3a: {  	_ = 	snop  }
0x3b: {  	_ = 	snop  }
0x3c: {  	p2 =	seq.s32 s10, $0x1;
	s10 =	sld [smem:$0x3FB3]  }
0x3d: {  	_ =	shalt  }
0x3e: {  	_ =	shalt  }
0x3f: {  	_ =	shalt  }
0x40: {  	_ =	shalt  }
0x41: {  	_ =	shalt  }
0x42: {  	_ =	shalt  }
0x43: {  	_ =	shalt  }
0x44: {  	_ =	shalt  }
0x45: {  	_ =	shalt  }
0x46: {  	_ =	shalt  }
0x47: {  	_ =	shalt  }
0x48: {  	_ =	shalt  }
0x49: {  	_ =	shalt  }
0x4a: {  	_ =	shalt  }
0x4b: {  	_ =	shalt  }
0x4c: {  	_ =	shalt  }
0x4d: {  	_ =	shalt  }
0x4e: {  	_ =	shalt  }
0x4f: {  	_ =	shalt  }
0x50: {  	_ =	shalt  }
0x51: {  	_ =	shalt  }
0x52: {  	_ =	shalt  }
0x53: {  	_ =	shalt  }
0x54: {  	_ =	shalt  }
0x55: {  	_ =	shalt  }
0x56: {  	_ =	shalt  }
0x57: {  	_ =	shalt  }
0x58: {  	_ =	shalt  }
0x59: {  	_ =	shalt  }
0x5a: {  	_ =	shalt  }
0x5b: {  	_ =	shalt  }
0x5c: {  	_ =	shalt  }
0x5d: {  	_ =	shalt  }
0x5e: {  	_ =	shalt  }
0x5f: {  	_ =	shalt  }
0x60: {  	_ =	shalt  }
0x61: {  	_ =	shalt  }
0x62: {  	_ =	shalt  }
0x63: {  	_ =	shalt  }
0x64: {  	_ =	shalt  }
0x65: {  	_ =	shalt  }
0x66: {  	_ =	shalt  }
0x67: {  	_ =	shalt  }
0x68: {  	_ =	shalt  }
0x69: {  	_ =	shalt  }
0x6a: {  	_ =	shalt  }
0x6b: {  	_ =	shalt  }
0x6c: {  	_ =	shalt  }
0x6d: {  	_ =	shalt  }
0x6e: {  	_ =	shalt  }
0x6f: {  	_ =	shalt  }
0x70: {  	_ =	shalt  }
0x71: {  	_ =	shalt  }
0x72: {  	_ =	shalt  }
0x73: {  	_ =	shalt  }
0x74: {  	_ =	shalt  }
0x75: {  	_ =	shalt  }
0x76: {  	_ =	shalt  }
0x77: {  	_ =	shalt  }
0x78: {  	_ =	shalt  }
0x79: {  	_ =	shalt  }
0x7a: {  	_ =	shalt  }
0x7b: {  	_ =	shalt  }
0x7c: {  	_ =	shalt  }
0x7d: {  	_ =	shalt  }
0x7e: {  	_ =	shalt  }
0x7f: {  	_ =	shalt  }
0x80: {  	_ =	shalt  }
0x81: {  	_ =	shalt  }
0x82: {  	_ =	shalt  }
0x83: {  	_ =	shalt  }
0x84: {  	_ =	shalt  }
0x85: {  	_ =	shalt  }
0x86: {  	_ =	shalt  }
0x87: {  	_ =	shalt  }
.Lfunc_end0:
.L_simem_size_0:
called_computation.3_lowered:
.L_overlay_start_0:
0x88: {  	s2 =	sld [smem:$0x3FD9]  }
0x89: {  	s3 =	sld [smem:$0x3FFE];
	_ =	sdelay $0x1  }
0x8a: {  	s1 =	srdreg.scid  }
0x8b: {  	s0 =	sand.u32 $0x1, s1  }
0x8c: {  	s17 =	sshll.u32 s0, $0xA;
	s2 =	sadd.s32 s3, s2  }
0x8d: {  	s2 =	sadd.s32 s2, s17  }
0x8e: {  	[smem:$0x3FBF] =	sst s2  }
0x8f: {  	_ = 	snop  }
0x90: {  	s2 =	sld [smem:$0x3FD0];
	(tm) =	ssettm $0x1  }
0x91: {  	s18 =	sld [smem:$0x3FFB];
	_ =	sdelay $0x3  }
0x92: {  	_ =	strace s18  }
0x93: {  	s3 =	sld [smem:$0x3FFC];
	_ =	sdelay $0x3  }
0x94: {  	_ =	strace s3  }
0x95: {  	s3 =	sld [smem:$0x3FFD];
	_ =	sdelay $0x3  }
0x96: {  	_ =	strace s3  }
0x97: {  	_ =	strace $0x8FFFFFFF  }
0x98: {  	s19 =	sld [smem:$0x3FDB];
	_ =	sdelay $0x1  }
0x99: {  	s4 =	simm.s32 $_scs_section_size  }
0x9a: {  	s5 =	simm.s32 $_size__tile_overlayer_lowered;
	s6 =	simm.s32 $_tile_overlayer_lowered  }
0x9b: {  	s22 =	simm.s32 $0x1BFF;
	s21 =	sshll.u32 s6, $0x1;
	s3 =	sadd.s32 s4, s19  }
0x9c: {  	s7 =	simm.s32 $0x0;
	s20 =	sshll.u32 s5, $0x1;
	s5 =	sadd.s32 s21, s3  }
0x9d: {  	[timem:s7], [sflag:s22] =	dma.local [hbm:s5], s20  }
0x9e: {  	_ =	swait.ge [sflag:s22], s20  }
0x9f: {  	s4 =	ssub.s32 $0x0, s20;
	[sflag:s22] =	ssyncset.done $0x0  }
0xa0: {  	[sflag:s22] =	ssyncadd.s32 s4;
	_ =	sdelay $0x1  }
0xa1: {  	s23 =	simm.s32 $0x1B8B  }
0xa2: {  	_ =	swait.ge [sflag:s23], $0x1  }
0xa3: {  	[sflag:s23] =	ssyncset.done $0x0  }
0xa4: {  	s25 =	simm.s32 $0x1B8E;
	s24 =	sld [smem:$0x3FFE];
	[sflag:s23] =	ssyncadd.s32 $0xFFFFFFFF  }
0xa5: {  	s26 =	simm.s32 $execute0_lowered;
	[smem:$0x3FD2] =	sst s25  }
0xa6: {  	s5 =	sshll.u32 s26, $0x1;
	_ =	strace $0x8000004F;
	[dreg:$0x1] =	wrdreg $0xFFFFFFFF  }
0xa7: {  	s28 =	simm.s32 $_size_execute0_lowered;
	s3 =	sadd.s32 s3, s5;
	[dreg:$0x0] =	wrdreg $0x0  }
0xa8: {  	s5 =	sshll.u32 s28, $0x1;
	[dreg:$0x2] =	wrdreg s3  }
0xa9: {  	[dreg:$0x3] =	wrdreg s5  }
0xaa: {  	[dreg:$0x4] =	wrdreg $0xC0  }
0xab: {  	_ =	task [dreg:s7], $0x5FFFF  }
0xac: {  	[dreg:$0x1] =	wrdreg $0xFFFFFFFF  }
0xad: {  	[dreg:$0x0] =	wrdreg $0x60  }
0xae: {  	[dreg:$0x2] =	wrdreg s24  }
0xaf: {  	[dreg:$0x3] =	wrdreg s2  }
0xb0: {  	[dreg:$0x4] =	wrdreg $0x0  }
0xb1: {  	[dreg:$0x5] =	wrdreg $0x9  }
0xb2: {  	_ =	task.clear_ibuf [dreg:s7], $0x6FFFF;
	_ =	strace $0x9000004F  }
0xb3: {  	s29 =	simm.s32 $0x9;
	_ =	strace $0x80000051  }
0xb4: {  	_ =	swait.ge [sflag:s29], $0x1  }
0xb5: {  	[sflag:s29] =	ssyncadd.s32 $0xFFFFFFFF  }
0xb6: {  	_ =	strace $0x90000051  }
0xb7: {  	_ =	sfence  }
0xb8: {  	s30 =	sld [smem:$0x0];
	_ =	sdelay $0x2  }
0xb9: {  	s31 =	sshll.u32 s1, $0xD;
	s1 =	sshrl.u32 s1, $0x2  }
0xba: {  	s3 =	sand.u32 $0x4000, s31;
	s1 =	sadd.s32 s1, s30  }
0xbb: {  	s0 =	sor.u32 s3, s0;
	s1 =	sshll.u32 s1, $0x11  }
0xbc: {  	s0 =	sor.u32 s1, s0  }
0xbd: {  	s0 =	sadd.s32 $0x8F2B, s0  }
0xbe: {  	[sflag:s0] =	ssyncadd.remote.s32 $0x1  }
0xbf: {  	_ =	sfence.sel $0xFFFF  }
0xc0: {  	[dreg:$0x0] =	wrdreg $0xFFFFFFFF;
	(pc) =	sbr.abs _section_cstart, $3  }
0xc1: {  	[dreg:$0x1] =	wrdreg $0xFFFFFFFF  }
0xc2: {  	_ =	task.clear_ibuf [dreg:s7], $0x2FFFF;
	_ =	strace $0x9FFFFFFF  }
0xc3: {  	(tm) =	ssettm $0x7FFFFFFF  }
tec
execute0_lowered:
.L_overlay_start_1:
0x0: {  	(tag) =	ssettag $0x1  }
0x1: {  	s0 =	rddreg [dreg:$0x0]  }
0x2: {  	s2 =	rddreg [dreg:$0x1];
	s1 =	srdreg.scid  }
0x3: {  	s11 =	stileid.u32;
	s3 =	rddreg [dreg:$0x2]  }
0x4: {  	s4 =	simm.s32 $0x0;
	s28 =	simm.s32 $0x2;
	s29 =	simm.s32 $0x15880  }
0x5: {  	s30 =	simm.s32 $0x18100;
	s31 =	simm.s32 $0x3;
	s5 =	smul.u32 $0x280, s11  }
0x6: {  	s14 =	simm.s32 $0x15800;
	s1 =	sand.u32 $0x1, s1;
	s9 =	smul.u32 $0x50000, s11  }
0x7: {  	s15 =	simm.s32 $0x0;
	[smem:$0x7FF] =	sst s4;
	s6 =	smul.u32 $0x2800, s1  }
0x8: {  	s7 =	sadd.s32 $0x2800, s0;
	s20 =	sshll.u32 s11, $0x1;
	s10 =	ssub.s32 $0x2, s1  }
0x9: {  	s1 =	sor.u32 s1, s20;
	s9 =	sshrl.u32 s9, $0x2;
	s6 =	sadd.s32 s6, s5  }
0xa: {  	s21 =	sshrl.u32 s10, $0x1;
	s5 =	sadd.s32 $0x2A000, s0;
	s8 =	sshll.u32 s6, $0x4  }
0xb: {  	s23 =	ssub.s32 s10, s21;
	s6 =	sadd.s32 $0x20200, s0;
	s0 =	sadd.s32 s8, s0  }
0xc: {  	s8 =	sadd.s32 s9, s3;
	s9 =	smul.u32 $0x2710, s1;
	s1 =	smax.u32 s23, $0x1  }
0xd: {  	_ =	strace $0x80000050;
	s22 =	sadd.s32 $0x189A00, s0;
	[dreg:$0xb] =	wrdreg s1  }
0xe: {  	s20 =	simm.s32 $0x1A900;
	s24 =	sadd.s32 $0x18A200, s0;
	[dreg:$0x8] =	wrdreg s22  }
0xf: {  	s21 =	simm.s32 $0x5;
	s25 =	sadd.s32 $0x18AA00, s0;
	[dreg:$0x9] =	wrdreg s24  }
0x10: {  	s23 =	simm.s32 $0x14800;
	s26 =	sadd.s32 $0x18B200, s0;
	[dreg:$0xa] =	wrdreg s25  }
0x11: {  	s12 =	sadd.s32 $0x4000, s8;
	s0 =	sadd.s32 $0x18BA00, s0;
	[dreg:$0xc] =	wrdreg s26  }
.Ltmp0:
0x12: {  	s13 =	sadd.s32 $0x8000, s8;
	[dreg:$0xd] =	wrdreg s0;
	(pc) =	sbr.rel .LBB2_1-.Ltmp0, $4  }
0x13: {  	s16 =	sadd.s32 $0xC000, s8;
	s17 =	sadd.s32 $0x10000, s8;
	[dreg:$0x4] =	wrdreg s12  }
0x14: {  	s1 =	simm.s32 $0x4;
	s22 =	simm.s32 $0x14000;
	[dreg:$0x5] =	wrdreg s13  }
0x15: {  	s24 =	simm.s32 $0x15000;
	s25 =	simm.s32 $0x50;
	[dreg:$0x6] =	wrdreg s16  }
0x16: {  	v0 =	vimm.f32 $0.0e+00;
	s26 =	simm.s32 $0x15900;
	s0 =	simm.s32 $0x1;
	[dreg:$0x7] =	wrdreg s17  }
.LBB2_18:
0x17: {  	[bflag:$0x0] =	sbarrier.arrive $0xFFFF  }
0x18: {  	[tilespmem:s20], [sflag:$0x5] =	stream.linear.gather [spmem:s4], $0x4000, $0x38;
	[tilespmem:$0x1E900] =	vst v63  }
0x19: {  	_ =	swait.ge [sflag:s21], $0x4000  }
0x1a: {  	[sflag:s21] =	ssyncset.done $0x0  }
0x1b: {  	s11 =	simm.s32 $0x0;
	s10 =	rddreg [dreg:$0x8];
	[sflag:s21] =	ssyncadd.s32 $0xFFFFC000  }
0x1c: {  	[hbm4b:s10+s11] =	stream.linear.scatter [tilespmem:s20], [sflag:$0x5], $0x4000, $0x38;
	[tilespmem:$0x1E900] =	vst v63  }
0x1d: {  	_ =	swait.ge [sflag:s21], $0x4000  }
0x1e: {  	[sflag:s21] =	ssyncset.done $0x0  }
0x1f: {  	s12 =	rddreg [dreg:$0x4];
	[sflag:s21] =	ssyncadd.s32 $0xFFFFC000  }
0x20: {  	[tilespmem:s20], [sflag:$0x5] =	stream.linear.gather [spmem:s12], $0x4000, $0x38;
	[tilespmem:$0x1E900] =	vst v63  }
0x21: {  	_ =	swait.ge [sflag:s21], $0x4000  }
0x22: {  	[sflag:s21] =	ssyncset.done $0x0  }
0x23: {  	s13 =	rddreg [dreg:$0x9];
	[sflag:s21] =	ssyncadd.s32 $0xFFFFC000  }
0x24: {  	[hbm4b:s13+s11] =	stream.linear.scatter [tilespmem:s20], [sflag:$0x5], $0x4000, $0x38;
	[tilespmem:$0x1E900] =	vst v63  }
0x25: {  	_ =	swait.ge [sflag:s21], $0x4000  }
0x26: {  	[sflag:s21] =	ssyncset.done $0x0  }
0x27: {  	s13 =	rddreg [dreg:$0x5];
	[sflag:s21] =	ssyncadd.s32 $0xFFFFC000  }
0x28: {  	[tilespmem:s20], [sflag:$0x5] =	stream.linear.gather [spmem:s13], $0x4000, $0x38;
	[tilespmem:$0x1E900] =	vst v63  }
0x29: {  	_ =	swait.ge [sflag:s21], $0x4000  }
0x2a: {  	[sflag:s21] =	ssyncset.done $0x0  }
0x2b: {  	s16 =	rddreg [dreg:$0xa];
	[sflag:s21] =	ssyncadd.s32 $0xFFFFC000  }
0x2c: {  	[hbm4b:s16+s11] =	stream.linear.scatter [tilespmem:s20], [sflag:$0x5], $0x4000, $0x38;
	[tilespmem:$0x1E900] =	vst v63  }
0x2d: {  	_ =	swait.ge [sflag:s21], $0x4000  }
0x2e: {  	[sflag:s21] =	ssyncset.done $0x0  }
0x2f: {  	s16 =	rddreg [dreg:$0x6];
	[sflag:s21] =	ssyncadd.s32 $0xFFFFC000  }
0x30: {  	[tilespmem:s20], [sflag:$0x5] =	stream.linear.gather [spmem:s16], $0x4000, $0x38;
	[tilespmem:$0x1E900] =	vst v63  }
0x31: {  	_ =	swait.ge [sflag:s21], $0x4000  }
0x32: {  	[sflag:s21] =	ssyncset.done $0x0  }
0x33: {  	s17 =	rddreg [dreg:$0xc];
	[sflag:s21] =	ssyncadd.s32 $0xFFFFC000  }
0x34: {  	[hbm4b:s17+s11] =	stream.linear.scatter [tilespmem:s20], [sflag:$0x5], $0x4000, $0x38;
	[tilespmem:$0x1E900] =	vst v63  }
0x35: {  	_ =	swait.ge [sflag:s21], $0x4000  }
0x36: {  	[sflag:s21] =	ssyncset.done $0x0  }
0x37: {  	s17 =	rddreg [dreg:$0x7];
	[sflag:s21] =	ssyncadd.s32 $0xFFFFC000  }
0x38: {  	[tilespmem:s20], [sflag:$0x5] =	stream.linear.gather [spmem:s17], $0x4000, $0x38;
	[tilespmem:$0x1E900] =	vst v63  }
0x39: {  	_ =	swait.ge [sflag:s21], $0x4000  }
0x3a: {  	[sflag:s21] =	ssyncset.done $0x0  }
0x3b: {  	s18 =	rddreg [dreg:$0xd];
	[sflag:s21] =	ssyncadd.s32 $0xFFFFC000  }
0x3c: {  	[hbm4b:s18+s11] =	stream.linear.scatter [tilespmem:s20], [sflag:$0x5], $0x4000, $0x38;
	[tilespmem:$0x1E900] =	vst v63  }
0x3d: {  	_ =	swait.ge [sflag:s21], $0x4000  }
0x3e: {  	s15 =	sadd.s32 $0x1, s15;
	s19 =	rddreg [dreg:$0xb]  }
0x3f: {  	p0 =	sne.s32 s15, s19  }
.Ltmp1:
0x40: {  	_ = 	snop;
	(pc) =	sbr.rel @!p0 .LBB2_19-.Ltmp1, $3  }
0x41: {  	_ =	sdelay $0x1  }
0x42: {  	[sflag:s21] =	ssyncset.done $0x0  }
0x43: {  	s8 =	smov.u32 s4;
	[sflag:s21] =	ssyncadd.s32 $0xFFFFC000  }
.LBB2_1:
0x44: {  	s10 =	simm.s32 $0x0;
	s11 =	simm.s32 $0x200  }
.LBB2_2:
0x45: {  	p0 =	sne.s32 s11, $0xFE00;
	[tilespmem:s10+$0x1A970] =	vst v0  }
0x46: {  	[tilespmem:s10+$0x1A900] =	vst v0  }
0x47: {  	[tilespmem:s10+$0x1A910] =	vst v0  }
.Ltmp2:
0x48: {  	[tilespmem:s10+$0x1A920] =	vst v0;
	(pc) =	sbr.rel @p0 .LBB2_2-.Ltmp2, $4  }
0x49: {  	[tilespmem:s10+$0x1A930] =	vst v0  }
0x4a: {  	[tilespmem:s10+$0x1A940] =	vst v0  }
0x4b: {  	[tilespmem:s10+$0x1A950] =	vst v0  }
0x4c: {  	[tilespmem:s10+$0x1A960] =	vst v0;
	s10 =	sshra.s32 s11, $0x2;
	s11 =	sadd.s32 $0x200, s11  }
0x4d: {  	[tilespmem:s10+$0x1A970] =	vst v0  }
0x4e: {  	[tilespmem:s10+$0x1A900] =	vst v0  }
0x4f: {  	[tilespmem:s10+$0x1A910] =	vst v0  }
0x50: {  	[tilespmem:s10+$0x1A920] =	vst v0  }
0x51: {  	[tilespmem:s10+$0x1A930] =	vst v0  }
0x52: {  	[tilespmem:s10+$0x1A940] =	vst v0  }
0x53: {  	[tilespmem:s10+$0x1A950] =	vst v0  }
0x54: {  	[tilespmem:s10+$0x1A960] =	vst v0  }
0x55: {  	[spmem:s8] =	stream.linear.scatter [tilespmem:s20], [sflag:$0x5], $0x4000, $0x38;
	[tilespmem:$0x1E900] =	vst v63  }
0x56: {  	_ =	swait.ge [sflag:s21], $0x4000  }
0x57: {  	[sflag:s21] =	ssyncset.done $0x0  }
0x58: {  	[sflag:s21] =	ssyncadd.s32 $0xFFFFC000  }
0x59: {  	[spmem:s12] =	stream.linear.scatter [tilespmem:s20], [sflag:$0x5], $0x4000, $0x38;
	[tilespmem:$0x1E900] =	vst v63  }
0x5a: {  	_ =	swait.ge [sflag:s21], $0x4000  }
0x5b: {  	[sflag:s21] =	ssyncset.done $0x0  }
0x5c: {  	[sflag:s21] =	ssyncadd.s32 $0xFFFFC000  }
0x5d: {  	[spmem:s13] =	stream.linear.scatter [tilespmem:s20], [sflag:$0x5], $0x4000, $0x38;
	[tilespmem:$0x1E900] =	vst v63  }
0x5e: {  	_ =	swait.ge [sflag:s21], $0x4000  }
0x5f: {  	[sflag:s21] =	ssyncset.done $0x0  }
0x60: {  	[sflag:s21] =	ssyncadd.s32 $0xFFFFC000  }
0x61: {  	[spmem:s16] =	stream.linear.scatter [tilespmem:s20], [sflag:$0x5], $0x4000, $0x38;
	[tilespmem:$0x1E900] =	vst v63  }
0x62: {  	_ =	swait.ge [sflag:s21], $0x4000  }
0x63: {  	[sflag:s21] =	ssyncset.done $0x0  }
0x64: {  	[sflag:s21] =	ssyncadd.s32 $0xFFFFC000  }
0x65: {  	[spmem:s17] =	stream.linear.scatter [tilespmem:s20], [sflag:$0x5], $0x4000, $0x38;
	[tilespmem:$0x1E900] =	vst v63  }
.Ltmp3:
0x66: {  	_ =	swait.ge [sflag:s21], $0x4000;
	(pc) =	sbr.rel .LBB2_4-.Ltmp3, $4  }
0x67: {  	[sflag:s21] =	ssyncset.done $0x0  }
0x68: {  	[sflag:s21] =	ssyncadd.s32 $0xFFFFC000  }
0x69: {  	[bflag:$0x0] =	sbarrier.arrive $0xFFFF  }
0x6a: {  	s4 =	smov.u32 s8;
	s16 =	simm.s32 $0x0;
	s17 =	simm.s32 $0x0  }
.LBB2_17:
0x6b: {  	s17 =	sadd.s32 $0x1, s17  }
0x6c: {  	_ =	swait.ge [sflag:s31], $0x2800;
	p0 =	sne.s32 s17, $0x5  }
.Ltmp4:
0x6d: {  	[sflag:s31] =	ssyncset.done $0x0;
	(pc) =	sbr.rel @!p0 .LBB2_18-.Ltmp4, $4  }
0x6e: {  	[sflag:s31] =	ssyncadd.s32 $0xFFFFD800  }
0x6f: {  	_ =	swait.ge [sflag:s1], $0x2800  }
0x70: {  	[sflag:s1] =	ssyncset.done $0x0  }
0x71: {  	[sflag:s1] =	ssyncadd.s32 $0xFFFFD800  }
.LBB2_4:
0x72: {  	s10 =	smul.u32 $0x7D0, s17;
	_ =	sdelay $0x1  }
0x73: {  	s10 =	sadd.s32 s9, s10  }
0x74: {  	s10 =	sshrl.u32 s10, $0x3  }
0x75: {  	s11 =	sadd.s32 s6, s10  }
0x76: {  	[tilespmem:s22], [sflag:$0x5] =	stream.linear.gather [hbm4b:s11+s16], $0x7D0, $0x38;
	[tilespmem:$0x1E900] =	vst v63  }
0x77: {  	_ =	swait.ge [sflag:s21], $0x7D0  }
0x78: {  	[sflag:s21] =	ssyncset.done $0x0  }
0x79: {  	s19 =	sadd.s32 s7, s10;
	[sflag:s21] =	ssyncadd.s32 $0xFFFFF830  }
0x7a: {  	[tilespmem:s23], [sflag:$0x5] =	stream.linear.gather [hbm4b:s19+s16], $0x7D0, $0x38;
	[tilespmem:$0x1E900] =	vst v63  }
0x7b: {  	_ =	swait.ge [sflag:s21], $0x7D0  }
0x7c: {  	[sflag:s21] =	ssyncset.done $0x0  }
0x7d: {  	s10 =	sadd.s32 s2, s10;
	[sflag:s21] =	ssyncadd.s32 $0xFFFFF830  }
0x7e: {  	[tilespmem:s24], [sflag:$0x5] =	stream.linear.gather [hbm4b:s10+s16], $0x7D0, $0x38;
	[tilespmem:$0x1E900] =	vst v63  }
.Ltmp5:
0x7f: {  	_ = 	snop;
	(pc) =	sbr.rel .LBB2_5-.Ltmp5, $4  }
0x80: {  	_ =	swait.ge [sflag:s21], $0x7D0  }
0x81: {  	[sflag:s21] =	ssyncset.done $0x0  }
0x82: {  	s18 =	simm.s32 $0x0;
	s19 =	simm.s32 $0x0;
	[sflag:s21] =	ssyncadd.s32 $0xFFFFF830  }
0x83: {  	[tilespmem:s26], [sflag:$0x1] =	stream.indirect.gather [hbm4b:s5+s25], $0x80, s22, s25, $0xb8;
	[tilespmem:$0x1E900] =	vst v63  }
.LBB2_15:
0x84: {  	[tilespmem:s10+$0x30] =	vst v9  }
0x85: {  	[tilespmem:s10+$0xFFFFFFC0] =	vst v7  }
0x86: {  	v1 =	vmul.f32 v1, v2;
	[tilespmem:s10+$0x10] =	vst v8  }
0x87: {  	v5 =	vmul.f32 v5, v2;
	[tilespmem:s10+$0xFFFFFFE0] =	vst v6  }
0x88: {  	v3 =	vmul.f32 v3, v2;
	[tilespmem:s10+$0xFFFFFFF0] =	vst v1  }
0x89: {  	s8 =	smul.u32 $0x140, s19;
	v1 =	vmul.f32 v4, v2;
	[tilespmem:s10+$0x0] =	vst v5  }
0x8a: {  	[tilespmem:s10+$0x20] =	vst v3  }
0x8b: {  	s8 =	sshra.s32 s8, $0x2;
	[tilespmem:s10+$0xFFFFFFD0] =	vst v1  }
0x8c: {  	v1 =	vld [tilespmem:s8+$0x14800];
	_ =	sdelay $0x4  }
0x8d: {  	[tilespmem:$0x15880] =	vst v1  }
0x8e: {  	v1 =	vld [tilespmem:s8+$0x14810];
	_ =	sdelay $0x4  }
0x8f: {  	[tilespmem:$0x15890] =	vst v1  }
0x90: {  	v1 =	vld [tilespmem:s8+$0x14820];
	_ =	sdelay $0x4  }
0x91: {  	[tilespmem:$0x158A0] =	vst v1  }
0x92: {  	v1 =	vld [tilespmem:s8+$0x14830];
	_ =	sdelay $0x4  }
0x93: {  	[tilespmem:$0x158B0] =	vst v1  }
0x94: {  	v1 =	vld [tilespmem:s8+$0x14840];
	_ =	sdelay $0x4  }
0x95: {  	[tilespmem:$0x158C0] =	vst v1  }
0x96: {  	[spmem:s3] =	stream.indirect.scatter.add.f32 [tilespmem:s30], [sflag:$0x4], $0x80, s29, s25, $0xb8;
	[tilespmem:$0x1E900] =	vst v63  }
.LBB2_16:
0x97: {  	s19 =	sadd.s32 $0x1, s19  }
0x98: {  	p0 =	sne.s32 s19, $0x19  }
.Ltmp6:
0x99: {  	_ = 	snop;
	(pc) =	sbr.rel @!p0 .LBB2_17-.Ltmp6, $2  }
0x9a: {  	_ =	sdelay $0x2  }
0x9b: {  	s18 =	sadd.s32 $0x50, s18  }
.LBB2_5:
0x9c: {  	s10 =	sand.u32 $0x1, s19  }
0x9d: {  	p0 =	seq.s32 s10, $0x1  }
.Ltmp7:
0x9e: {  	_ = 	snop;
	(pc) =	sbr.rel @p0 .LBB2_13-.Ltmp7, $1  }
0x9f: {  	_ =	sdelay $0x3  }
0xa0: {  	p0 =	seq.s32 s19, $0x0  }
.Ltmp8:
0xa1: {  	_ = 	snop;
	(pc) =	sbr.rel @p0 .LBB2_9-.Ltmp8, $4  }
0xa2: {  	_ = 	snop  }
0xa3: {  	_ =	swait.ge [sflag:s0], $0x2800  }
0xa4: {  	[sflag:s0] =	ssyncset.done $0x0  }
0xa5: {  	[sflag:s0] =	ssyncadd.s32 $0xFFFFD800  }
0xa6: {  	p0 =	seq.s32 s19, $0x18  }
.Ltmp9:
0xa7: {  	_ = 	snop;
	(pc) =	sbr.rel @p0 .LBB2_10-.Ltmp9, $1  }
0xa8: {  	_ =	sdelay $0x3  }
0xa9: {  	_ =	swait.ge [sflag:s1], $0x2800  }
0xaa: {  	[sflag:s1] =	ssyncset.done $0x0  }
0xab: {  	[sflag:s1] =	ssyncadd.s32 $0xFFFFD800  }
.LBB2_9:
0xac: {  	s11 =	smul.u32 $0x140, s19;
	_ =	sdelay $0x1  }
0xad: {  	s11 =	sshra.s32 s11, $0x2  }
0xae: {  	s11 =	sadd.s32 $0x14050, s11  }
0xaf: {  	[tilespmem:s30], [sflag:$0x2] =	stream.indirect.gather [hbm4b:s5+s25], $0x80, s11, s25, $0xb8;
	[tilespmem:$0x1E900] =	vst v63  }
.LBB2_10:
0xb0: {  	s11 =	sadd.s32 $0x0, s18  }
0xb1: {  	v1 =	vmov s11  }
0xb2: {  	s11 =	simm.s32 $0x15940  }
0xb3: {  	v5 =	vld [tilespmem:s11+$0x30]  }
0xb4: {  	v8 =	vld [tilespmem:s11+$0x10]  }
0xb5: {  	v6 =	vld [tilespmem:s11+$0xFFFFFFC0]  }
0xb6: {  	v2 =	vld.idx.msk [tilespmem:v1+s24+$0x0], $0xffff  }
0xb7: {  	v10 =	vld [tilespmem:s11+$0xFFFFFFE0]  }
0xb8: {  	v3 =	vld [tilespmem:s11+$0x20]  }
0xb9: {  	v4 =	vld [tilespmem:s11+$0xFFFFFFD0]  }
0xba: {  	v1 =	vld [tilespmem:s11+$0xFFFFFFF0]  }
0xbb: {  	v9 =	vmul.f32 v5, v2;
	v5 =	vld [tilespmem:s11+$0x0]  }
0xbc: {  	v7 =	vmul.f32 v6, v2  }
0xbd: {  	s12 =	simm.s32 $0x1;
	s13 =	simm.s32 $0x15940;
	v6 =	vmul.f32 v10, v2;
	v8 =	vmul.f32 v8, v2  }
.LBB2_11:
0xbe: {  	p0 =	sne.s32 s12, $0x4F  }
0xbf: {  	v4 =	vmul.f32 v4, v2;
	v3 =	vmul.f32 v3, v2;
	[tilespmem:s11+$0x30] =	vst v9;
	s13 =	sadd.s32 $0x80, s13;
	s8 =	smov.u32 s12;
	s12 =	sadd.s32 $0x1, s12  }
0xc0: {  	[tilespmem:s11+$0xFFFFFFC0] =	vst v7;
	v7 =	vmul.f32 v1, v2;
	v2 =	vmul.f32 v5, v2  }
0xc1: {  	s8 =	sadd.s32 s8, s18;
	[tilespmem:s11+$0x10] =	vst v8  }
0xc2: {  	v5 =	vmov s8;
	[tilespmem:s11+$0xFFFFFFE0] =	vst v6  }
0xc3: {  	v1 =	vld [tilespmem:s13+$0xFFFFFFF0];
	[tilespmem:s11+$0xFFFFFFF0] =	vst v7  }
0xc4: {  	v6 =	vld [tilespmem:s13+$0x30];
	[tilespmem:s11+$0x0] =	vst v2  }
0xc5: {  	v8 =	vld [tilespmem:s13+$0x10];
	[tilespmem:s11+$0x20] =	vst v3  }
0xc6: {  	v7 =	vld [tilespmem:s13+$0xFFFFFFC0];
	[tilespmem:s11+$0xFFFFFFD0] =	vst v4;
	s11 =	smov.u32 s13  }
0xc7: {  	v2 =	vld.idx.msk [tilespmem:v5+s24+$0x0], $0xffff  }
0xc8: {  	v10 =	vld [tilespmem:s13+$0xFFFFFFE0]  }
0xc9: {  	v3 =	vld [tilespmem:s13+$0x20]  }
.Ltmp10:
0xca: {  	v4 =	vld [tilespmem:s13+$0xFFFFFFD0];
	(pc) =	sbr.rel @p0 .LBB2_11-.Ltmp10, $3  }
0xcb: {  	v5 =	vld [tilespmem:s13+$0x0];
	_ =	sdelay $0x1  }
0xcc: {  	v7 =	vmul.f32 v7, v2;
	v9 =	vmul.f32 v6, v2  }
0xcd: {  	v8 =	vmul.f32 v8, v2;
	v6 =	vmul.f32 v10, v2  }
0xce: {  	[tilespmem:s11+$0x30] =	vst v9  }
0xcf: {  	[tilespmem:s11+$0xFFFFFFC0] =	vst v7  }
0xd0: {  	v1 =	vmul.f32 v1, v2;
	[tilespmem:s11+$0x10] =	vst v8  }
0xd1: {  	v3 =	vmul.f32 v3, v2;
	[tilespmem:s11+$0xFFFFFFE0] =	vst v6  }
0xd2: {  	v5 =	vmul.f32 v5, v2;
	[tilespmem:s11+$0xFFFFFFF0] =	vst v1  }
0xd3: {  	s8 =	smul.u32 $0x140, s19;
	v1 =	vmul.f32 v4, v2;
	[tilespmem:s11+$0x20] =	vst v3  }
0xd4: {  	[tilespmem:s11+$0x0] =	vst v5  }
0xd5: {  	s8 =	sshra.s32 s8, $0x2;
	[tilespmem:s11+$0xFFFFFFD0] =	vst v1  }
0xd6: {  	v1 =	vld [tilespmem:s8+$0x14800];
	_ =	sdelay $0x4  }
0xd7: {  	[tilespmem:$0x15800] =	vst v1  }
0xd8: {  	v1 =	vld [tilespmem:s8+$0x14810];
	_ =	sdelay $0x4  }
0xd9: {  	[tilespmem:$0x15810] =	vst v1  }
0xda: {  	v1 =	vld [tilespmem:s8+$0x14820];
	_ =	sdelay $0x4  }
0xdb: {  	[tilespmem:$0x15820] =	vst v1  }
0xdc: {  	v1 =	vld [tilespmem:s8+$0x14830];
	_ =	sdelay $0x4  }
0xdd: {  	[tilespmem:$0x15830] =	vst v1  }
0xde: {  	v1 =	vld [tilespmem:s8+$0x14840]  }
0xdf: {  	p0 =	seq.s32 s10, $0x0  }
.Ltmp11:
0xe0: {  	_ = 	snop;
	(pc) =	sbr.rel @p0 .LBB2_16-.Ltmp11, $3  }
0xe1: {  	_ =	sdelay $0x1  }
0xe2: {  	[tilespmem:$0x15840] =	vst v1  }
0xe3: {  	[spmem:s3] =	stream.indirect.scatter.add.f32 [tilespmem:s26], [sflag:$0x3], $0x80, s14, s25, $0xb8;
	[tilespmem:$0x1E900] =	vst v63  }
.LBB2_13:
0xe4: {  	_ =	swait.ge [sflag:s28], $0x2800  }
0xe5: {  	p0 =	seq.s32 s19, $0x18;
	[sflag:s28] =	ssyncset.done $0x0  }
0xe6: {  	s8 =	simm.s32 @!p0 $0x3;
	s10 =	smul.u32 @!p0 $0x140, s19;
	[sflag:s28] =	ssyncadd.s32 $0xFFFFD800  }
0xe7: {  	s12 =	sadd.s32 $0x0, s18;
	_ =	swait.ge @!p0 [sflag:s8], $0x2800  }
0xe8: {  	s11 =	simm.s32 @!p0 $0x15900;
	s10 =	sshra.s32 @!p0 s10, $0x2;
	[sflag:s8] =	ssyncset.done @!p0 $0x0  }
0xe9: {  	[sflag:s8] =	ssyncadd.s32 @!p0 $0xFFFFD800;
	s8 =	sadd.s32 @!p0 $0x14050, s10;
	s10 =	simm.s32 @!p0 $0x50  }
0xea: {  	v1 =	vmov s12;
	[tilespmem:s11], [sflag:$0x1] =	stream.indirect.gather @!p0 [hbm4b:s5+s10], $0x80, s8, s10, $0xb8;
	[tilespmem:$0x1E900] =	vst v63  }
0xeb: {  	s10 =	simm.s32 $0x18140  }
0xec: {  	v5 =	vld [tilespmem:s10+$0x30]  }
0xed: {  	v8 =	vld [tilespmem:s10+$0x10]  }
0xee: {  	v6 =	vld [tilespmem:s10+$0xFFFFFFC0]  }
0xef: {  	v2 =	vld.idx.msk [tilespmem:v1+s24+$0x0], $0xffff  }
0xf0: {  	v10 =	vld [tilespmem:s10+$0xFFFFFFE0]  }
0xf1: {  	v1 =	vld [tilespmem:s10+$0xFFFFFFF0]  }
0xf2: {  	v3 =	vld [tilespmem:s10+$0x20]  }
0xf3: {  	v4 =	vld [tilespmem:s10+$0xFFFFFFD0]  }
0xf4: {  	v9 =	vmul.f32 v5, v2;
	v5 =	vld [tilespmem:s10+$0x0]  }
0xf5: {  	v7 =	vmul.f32 v6, v2  }
0xf6: {  	s12 =	simm.s32 $0x18140;
	s11 =	simm.s32 $0x1;
	v6 =	vmul.f32 v10, v2;
	v8 =	vmul.f32 v8, v2  }
.LBB2_14:
0xf7: {  	p0 =	sne.s32 s11, $0x4F  }
0xf8: {  	v4 =	vmul.f32 v4, v2;
	v3 =	vmul.f32 v3, v2;
	[tilespmem:s10+$0x30] =	vst v9;
	s12 =	sadd.s32 $0x80, s12;
	s8 =	smov.u32 s11;
	s11 =	sadd.s32 $0x1, s11  }
0xf9: {  	[tilespmem:s10+$0xFFFFFFC0] =	vst v7;
	v7 =	vmul.f32 v1, v2;
	v2 =	vmul.f32 v5, v2  }
0xfa: {  	s8 =	sadd.s32 s8, s18;
	[tilespmem:s10+$0x10] =	vst v8  }
0xfb: {  	v5 =	vmov s8;
	[tilespmem:s10+$0xFFFFFFE0] =	vst v6  }
0xfc: {  	v1 =	vld [tilespmem:s12+$0xFFFFFFF0];
	[tilespmem:s10+$0xFFFFFFF0] =	vst v7  }
0xfd: {  	v6 =	vld [tilespmem:s12+$0x30];
	[tilespmem:s10+$0x0] =	vst v2  }
0xfe: {  	v8 =	vld [tilespmem:s12+$0x10];
	[tilespmem:s10+$0x20] =	vst v3  }
0xff: {  	v7 =	vld [tilespmem:s12+$0xFFFFFFC0];
	[tilespmem:s10+$0xFFFFFFD0] =	vst v4;
	s10 =	smov.u32 s12  }
0x100: {  	v2 =	vld.idx.msk [tilespmem:v5+s24+$0x0], $0xffff  }
0x101: {  	v10 =	vld [tilespmem:s12+$0xFFFFFFE0]  }
0x102: {  	v3 =	vld [tilespmem:s12+$0x20]  }
.Ltmp12:
0x103: {  	v4 =	vld [tilespmem:s12+$0xFFFFFFD0];
	(pc) =	sbr.rel @p0 .LBB2_14-.Ltmp12, $3  }
0x104: {  	v5 =	vld [tilespmem:s12+$0x0];
	_ =	sdelay $0x1  }
0x105: {  	v7 =	vmul.f32 v7, v2;
	v9 =	vmul.f32 v6, v2  }
0x106: {  	v8 =	vmul.f32 v8, v2;
	v6 =	vmul.f32 v10, v2  }
.Ltmp13:
0x107: {  	_ = 	snop;
	(pc) =	sbr.rel .LBB2_15-.Ltmp13, $1  }
0x108: {  	_ =	sdelay $0x3  }
.LBB2_19:
0x109: {  	_ =	sfence.sel $0x180000  }
0x10a: {  	[bflag:$0x0] =	sbarrier.arrive $0xFFFF  }
0x10b: {  	_ =	strace $0x90000050  }
0x10c: {  	s0 =	stileid.u32;
	[bflag:$0x2] =	sbarrier.arrive $0xFFFF  }
0x10d: {  	p0 =	sne.s32 s0, $0x0;
	s0 =	rddreg [dreg:$0x3]  }
0x10e: {  	s0 =	sadd.s32 @!p0 $0x100000, s0  }
0x10f: {  	[sflag:s0] =	ssyncadd.tile.s32 @!p0 $0x1;
	_ =	shalt  }
.Lfunc_end2:
_tile_overlayer_lowered:
.L_overlay_start_2:
0x110: {  	(tag) =	ssettag $0x2  }
0x111: {  	s0 =	rddreg [dreg:$0x0];
	s2 =	stileid.u32  }
0x112: {  	s1 =	rddreg [dreg:$0x1];
	p0 =	sne.s32 s2, $0x0  }
0x113: {  	s3 =	rddreg [dreg:$0x2];
	[bflag:$0x3] =	sbarrier.arrive $0xFFFF;
	s2 =	simm.s32 @!p0 $0x1C05  }
0x114: {  	[timem:s3], [sflag:s2] =	dma.local @!p0 [hbm:s0], s1  }
0x115: {  	s0 =	simm.s32 @!p0 $0x5  }
0x116: {  	_ =	swait.ge @!p0 [sflag:s0], s1  }
0x117: {  	s1 =	ssub.s32 @!p0 $0x0, s1;
	[sflag:s0] =	ssyncset.done @!p0 $0x0  }
0x118: {  	[sflag:s0] =	ssyncadd.s32 @!p0 s1  }
0x119: {  	[bflag:$0x3] =	sbarrier.arrive $0xFFFF  }
0x11a: {  	_ =	shalt  }

</sc_bundles>
